<compile_context>
chip_gen: v7x
topology: tpu7x:2x2x1
jax: 0.10.2.dev20260603
libtpu: 0.0.44.dev20260713+nightly
codegen_flags: <defaults>
</compile_context>

<pallas_src>
import jax
import jax.numpy as jnp
from jax import lax
from jax.experimental import pallas as pl
from jax.experimental.pallas import tpu as pltpu
from jax.experimental.pallas import tpu_sc as plsc

_B, _T, _D = 32, 512, 1024
_SENT = 99
_C = 32
_NBUF = 2
_NCHUNK = _T // _C
_NC, _NS = 2, 16


def _sc_body(x_hbm, sh_hbm, out_hbm, shp_v, win_v, mask_v, buf_v,
             gsem0, gsem1, ssem0, ssem1):
    b = lax.axis_index("s") * _NC + lax.axis_index("c")
    iota = lax.iota(jnp.int32, 16)

    shp_v[pl.ds(0, 16)] = iota * 0 + _SENT
    shp_v[pl.ds(_T + 16, 16)] = iota * 0 + _SENT
    pltpu.sync_copy(sh_hbm.at[pl.ds(b * _T, _T)], shp_v.at[pl.ds(16, _T)])

    def win_chunk(j, carry):
        nt = iota + j * 16
        base = nt + 16
        t2 = plsc.load_gather(shp_v, [base + 2])
        t1 = plsc.load_gather(shp_v, [base + 1])
        t0 = plsc.load_gather(shp_v, [base])
        tm1 = plsc.load_gather(shp_v, [base - 1])
        tm2 = plsc.load_gather(shp_v, [base - 2])
        c2 = t2 == -2
        c1 = t1 == -1
        c0 = t0 == 0
        cm1 = tm1 == 1
        cm2 = tm2 == 2
        off = jnp.where(
            c2, 2,
            jnp.where(c1, 1,
                      jnp.where(c0, 0,
                                jnp.where(cm1, -1, jnp.where(cm2, -2, 0)))))
        ne = c2 | c1 | c0 | cm1 | cm2
        win_v[pl.ds(j * 16, 16)] = nt + off + b * _T
        mask_v[pl.ds(j * 16, 16)] = jnp.where(ne, 1.0, 0.0).astype(jnp.float32)
        return carry

    lax.fori_loop(0, _T // 16, win_chunk, 0)

    gsems = (gsem0, gsem1)
    ssems = (ssem0, ssem1)

    def g_start(c, s):
        pltpu.make_async_copy(
            x_hbm.at[win_v.at[pl.ds(c * _C, _C)]], buf_v.at[s], gsems[s]
        ).start()

    def g_wait(c, s):
        pltpu.make_async_copy(
            x_hbm.at[win_v.at[pl.ds(c * _C, _C)]], buf_v.at[s], gsems[s]
        ).wait()

    def s_start(c, s):
        pltpu.make_async_copy(
            buf_v.at[s], out_hbm.at[pl.ds(b * _T + c * _C, _C)], ssems[s]
        ).start()

    def s_wait(c, s):
        pltpu.make_async_copy(
            buf_v.at[s], out_hbm.at[pl.ds(b * _T + c * _C, _C)], ssems[s]
        ).wait()

    g_start(0, 0)

    def superstep(i, carry):
        for s in range(_NBUF):
            c = i * _NBUF + s
            g_wait(c, s)

            def mul_row(r, rc):
                m = plsc.load_gather(mask_v, [iota * 0 + (c * _C + r)])
                for v in range(_D // 16):
                    buf_v[s, r, pl.ds(v * 16, 16)] = (
                        buf_v[s, r, pl.ds(v * 16, 16)] * m)
                return rc

            lax.fori_loop(0, _C, mul_row, 0)
            s_start(c, s)
            ns = (s + 1) % _NBUF

            @pl.when(c + 1 < _NCHUNK)
            def _():
                @pl.when(c + 1 - _NBUF >= 0)
                def _():
                    s_wait(c + 1 - _NBUF, ns)

                g_start(c + 1, ns)
        return carry

    lax.fori_loop(0, _NCHUNK // _NBUF, superstep, 0)
    for s in range(_NBUF):
        s_wait(_NCHUNK - _NBUF + s, s)


@jax.jit
def kernel(x, shifts):
    xf = x.reshape(_B * _T, _D)
    shf = shifts.reshape(_B * _T)
    mesh = plsc.VectorSubcoreMesh(core_axis_name="c", subcore_axis_name="s")
    out = pl.kernel(
        _sc_body,
        out_type=jax.ShapeDtypeStruct((_B * _T, _D), jnp.float32),
        mesh=mesh,
        compiler_params=pltpu.CompilerParams(needs_layout_passes=False),
        scratch_types=[
            pltpu.VMEM((_T + 32,), jnp.int32),
            pltpu.VMEM((_T,), jnp.int32),
            pltpu.VMEM((_T,), jnp.float32),
            pltpu.VMEM((_NBUF, _C, _D), jnp.float32),
            pltpu.SemaphoreType.DMA,
            pltpu.SemaphoreType.DMA,
            pltpu.SemaphoreType.DMA,
            pltpu.SemaphoreType.DMA,
        ],
    )(xf, shf)
    return out.reshape(_B, _T, _D)

# --- scband reference (transcript-rebuilt; emitter-appended) ---
"""Pipeline reference for scband-temporal-jitter-65687229825160 (READ-ONLY COPY).

The authoritative reference and input builder live on the scoring server;
editing this copy changes nothing except your own understanding.
"""

import jax, jax.numpy as jnp
import numpy as np

B, T, D = 32, 512, 1024
SIGMA = 0.5
MAX_SHIFT = 2


def setup_inputs(seed: int = 0) -> dict:
    key = jax.random.key(seed)
    k1, k2 = jax.random.split(key)
    x = jax.random.uniform(k1, (B, T, D), dtype=jnp.float32)
    # Deterministic surrogate for the module's internal randn-based shifts:
    # shifts = clamp(round(randn(B,T)*sigma), -max_shift, max_shift)
    shifts = jnp.clip(
        jnp.round(jax.random.normal(k2, (B, T)) * SIGMA).astype(jnp.int32),
        -MAX_SHIFT, MAX_SHIFT,
    )
    return {"x": x, "shifts": shifts}


def reference(x, shifts):
    # Faithful translation of the torch loop:
    #   for t in range(T): new_t = t + shifts[b, t]; if 0 <= new_t < T: result[b, new_t] = x[b, t]
    # Collision semantics: the LARGEST source t writing to a given new_t wins
    # (loop runs t ascending, overwrite). Out-of-range shifts are dropped (stay zero).
    Bx, Tx = x.shape[0], x.shape[1]
    t_idx = jnp.arange(Tx, dtype=jnp.int32)[None, :]            # [1, T]
    new_t = t_idx + shifts                                       # [B, T]
    valid = (new_t >= 0) & (new_t < Tx)                          # [B, T]
    T_ext = Tx + 1
    nt_safe = jnp.where(valid, new_t, Tx)                        # invalid -> dummy slot Tx
    b_idx = jnp.arange(Bx, dtype=jnp.int32)[:, None]             # [B, 1]
    seg = (b_idx * T_ext + nt_safe).reshape(-1)                  # [B*T]
    src_t = jnp.broadcast_to(t_idx, (Bx, Tx)).reshape(-1)        # [B*T]
    # winner[b, nt] = max source t that writes into (b, nt); int32 min if none
    winner = jax.ops.segment_max(src_t, seg, num_segments=Bx * T_ext)
    winner = winner.reshape(Bx, T_ext)[:, :Tx]                   # drop dummy slot
    empty = winner < 0                                           # no write -> stays zero
    winner_c = jnp.clip(winner, 0, Tx - 1)
    gathered = x[jnp.arange(Bx)[:, None], winner_c]              # [B, T, D]
    result = jnp.where(empty[:, :, None], jnp.zeros((), x.dtype), gathered)
    return result

if __name__ == "__main__":
    import jax
    _d = setup_inputs()
    print(jax.jit(kernel)(*tuple(_d.values())))

</pallas_src>

<mosaic_0001>
#map = affine_map<(d0, d1) -> (0, 0)>
#map1 = affine_map<(d0, d1) -> (0)>
module attributes {stable_mosaic.version = 14 : i64} {
  func.func @_sc_body(%arg0: i32, %arg1: i32, %arg2: memref<16384x1024xf32, #tpu.memory_space<hbm>>, %arg3: memref<16384xi32, #tpu.memory_space<hbm>>, %arg4: memref<16384x1024xf32, #tpu.memory_space<hbm>>, %arg5: memref<544xi32, #tpu.memory_space<vmem>>, %arg6: memref<512xi32, #tpu.memory_space<vmem>>, %arg7: memref<512xf32, #tpu.memory_space<vmem>>, %arg8: memref<2x32x1024xf32, #tpu.memory_space<vmem>>, %arg9: memref<!tpu.dma_semaphore, #tpu.memory_space<semaphore_mem>>, %arg10: memref<!tpu.dma_semaphore, #tpu.memory_space<semaphore_mem>>, %arg11: memref<!tpu.dma_semaphore, #tpu.memory_space<semaphore_mem>>, %arg12: memref<!tpu.dma_semaphore, #tpu.memory_space<semaphore_mem>>) attributes {dimension_semantics = [#tpu.dimension_semantics<core_parallel>, #tpu.dimension_semantics<subcore_parallel>], iteration_bounds = array<i64: 2, 16>, scalar_prefetch = 0 : i64, scratch_operands = 8 : i64, tpu.core_type = #tpu.core_type<sc_vector_subcore>, window_params = [{transform_indices = #map}, {transform_indices = #map1}, {transform_indices = #map}]} {
    %mul3A = arith.constant 2 : i32
    %mul3A_0 = arith.muli %arg1, %mul3A : i32
    %add3A = arith.addi %mul3A_0, %arg0 : i32
    %iota3A = tpu.iota {dimensions = array<i32: 0>} : vector<16xi32>
    %mul3A_1 = arith.constant 0 : i32
    %mul3A_2 = vector.broadcast %mul3A_1 : i32 to vector<16xi32>
    %mul3A_3 = arith.muli %iota3A, %mul3A_2 : vector<16xi32>
    %add3A_4 = arith.constant 99 : i32
    %add3A_5 = vector.broadcast %add3A_4 : i32 to vector<16xi32>
    %add3A_6 = arith.addi %mul3A_3, %add3A_5 : vector<16xi32>
    %swap3A = arith.constant 0 : index
    %swap3A_7 = tpu.vector_load %arg5[%swap3A] {strides = array<i32>} : memref<544xi32, #tpu.memory_space<vmem>>, vector<16xi32>,
    tpu.vector_store %arg5[%swap3A], %add3A_6 {strides = array<i32>} : memref<544xi32, #tpu.memory_space<vmem>>, vector<16xi32>,
    %mul3A_8 = arith.constant 0 : i32
    %mul3A_9 = vector.broadcast %mul3A_8 : i32 to vector<16xi32>
    %mul3A_10 = arith.muli %iota3A, %mul3A_9 : vector<16xi32>
    %add3A_11 = arith.constant 99 : i32
    %add3A_12 = vector.broadcast %add3A_11 : i32 to vector<16xi32>
    %add3A_13 = arith.addi %mul3A_10, %add3A_12 : vector<16xi32>
    %swap3A_14 = arith.constant 528 : index
    %swap3A_15 = tpu.vector_load %arg5[%swap3A_14] {strides = array<i32>} : memref<544xi32, #tpu.memory_space<vmem>>, vector<16xi32>,
    tpu.vector_store %arg5[%swap3A_14], %add3A_13 {strides = array<i32>} : memref<544xi32, #tpu.memory_space<vmem>>, vector<16xi32>,
    %mul3A_16 = arith.constant 512 : i32
    %mul3A_17 = arith.muli %add3A, %mul3A_16 : i32
    "tpu.region"() ({
      %run_scoped3A = tpu.sem_alloc : memref<!tpu.dma_semaphore, #tpu.memory_space<semaphore_mem>>
      %dma_start3A_71 = arith.constant 16 : i32
      %dma_start3A_72 = tpu.memref_slice %arg5[%dma_start3A_71] : memref<544xi32, #tpu.memory_space<vmem>> -> memref<512xi32, #tpu.memory_space<vmem>>
      %dma_start3A_73 = tpu.memref_slice %arg3[%mul3A_17] : memref<16384xi32, #tpu.memory_space<hbm>> -> memref<512xi32, #tpu.memory_space<hbm>>
      %dma_start3A_74 = arith.constant 16 : i32
      %dma_start3A_75 = tpu.memref_slice %arg5[%dma_start3A_74] : memref<544xi32, #tpu.memory_space<vmem>> -> memref<512xi32, #tpu.memory_space<vmem>>
      %dma_start3A_76 = tpu.memref_slice %arg3[%mul3A_17] : memref<16384xi32, #tpu.memory_space<hbm>> -> memref<512xi32, #tpu.memory_space<hbm>>
      tpu.enqueue_dma source(%dma_start3A_76 : memref<512xi32, #tpu.memory_space<hbm>>) target(%dma_start3A_75 : memref<512xi32, #tpu.memory_space<vmem>>) target_semaphore(%run_scoped3A : memref<!tpu.dma_semaphore, #tpu.memory_space<semaphore_mem>>)
      %dma_wait3A_77 = arith.constant 16 : i32
      %dma_wait3A_78 = tpu.memref_slice %arg5[%dma_wait3A_77] : memref<544xi32, #tpu.memory_space<vmem>> -> memref<512xi32, #tpu.memory_space<vmem>>
      %dma_wait3A_79 = tpu.memref_slice %arg3[%mul3A_17] : memref<16384xi32, #tpu.memory_space<hbm>> -> memref<512xi32, #tpu.memory_space<hbm>>
      %dma_wait3A_80 = arith.constant 16 : i32
      %dma_wait3A_81 = tpu.memref_slice %arg5[%dma_wait3A_80] : memref<544xi32, #tpu.memory_space<vmem>> -> memref<512xi32, #tpu.memory_space<vmem>>
      %dma_wait3A_82 = tpu.memref_slice %arg3[%mul3A_17] : memref<16384xi32, #tpu.memory_space<hbm>> -> memref<512xi32, #tpu.memory_space<hbm>>
      tpu.wait_dma2 semaphore(%run_scoped3A : memref<!tpu.dma_semaphore, #tpu.memory_space<semaphore_mem>>) src(%dma_wait3A_82 : memref<512xi32, #tpu.memory_space<hbm>>) dst(%dma_wait3A_81 : memref<512xi32, #tpu.memory_space<vmem>>)
      tpu.yield
    }) : () -> ()
    %scan3A = arith.constant 0 : i32
    %scan3A_18 = arith.constant 0 : i32
    %scan3A_19 = arith.constant 32 : i32
    %scan3A_20 = arith.addi %scan3A_18, %scan3A_19 : i32
    %scan3A_21 = arith.constant 1 : i32
    scf.for %scan3A_71 = %scan3A_18 to %scan3A_20 step %scan3A_21  : i32 {
      %mul3A_72 = arith.constant 16 : i32
      %mul3A_73 = arith.muli %scan3A_71, %mul3A_72 : i32
      %add3A_74 = vector.broadcast %mul3A_73 : i32 to vector<16xi32>
      %add3A_75 = arith.addi %iota3A, %add3A_74 : vector<16xi32>
      %add3A_76 = arith.constant 16 : i32
      %add3A_77 = vector.broadcast %add3A_76 : i32 to vector<16xi32>
      %add3A_78 = arith.addi %add3A_75, %add3A_77 : vector<16xi32>
      %add3A_79 = arith.constant 2 : i32
      %add3A_80 = vector.broadcast %add3A_79 : i32 to vector<16xi32>
      %add3A_81 = arith.addi %add3A_78, %add3A_80 : vector<16xi32>
      %gather3A = tpu.vector_load_idx %arg5[%add3A_81] : memref<544xi32, #tpu.memory_space<vmem>>[vector<16xi32>], vector<16xi32>,
      %add3A_82 = arith.constant 1 : i32
      %add3A_83 = vector.broadcast %add3A_82 : i32 to vector<16xi32>
      %add3A_84 = arith.addi %add3A_78, %add3A_83 : vector<16xi32>
      %gather3A_85 = tpu.vector_load_idx %arg5[%add3A_84] : memref<544xi32, #tpu.memory_space<vmem>>[vector<16xi32>], vector<16xi32>,
      %gather3A_86 = tpu.vector_load_idx %arg5[%add3A_78] : memref<544xi32, #tpu.memory_space<vmem>>[vector<16xi32>], vector<16xi32>,
      %sub3A = arith.constant 1 : i32
      %sub3A_87 = vector.broadcast %sub3A : i32 to vector<16xi32>
      %sub3A_88 = arith.subi %add3A_78, %sub3A_87 : vector<16xi32>
      %gather3A_89 = tpu.vector_load_idx %arg5[%sub3A_88] : memref<544xi32, #tpu.memory_space<vmem>>[vector<16xi32>], vector<16xi32>,
      %sub3A_90 = arith.constant 2 : i32
      %sub3A_91 = vector.broadcast %sub3A_90 : i32 to vector<16xi32>
      %sub3A_92 = arith.subi %add3A_78, %sub3A_91 : vector<16xi32>
      %gather3A_93 = tpu.vector_load_idx %arg5[%sub3A_92] : memref<544xi32, #tpu.memory_space<vmem>>[vector<16xi32>], vector<16xi32>,
      %eq3A = arith.constant -2 : i32
      %eq3A_94 = vector.broadcast %eq3A : i32 to vector<16xi32>
      %eq3A_95 = arith.cmpi eq, %gather3A, %eq3A_94 : vector<16xi32>
      %eq3A_96 = arith.constant -1 : i32
      %eq3A_97 = vector.broadcast %eq3A_96 : i32 to vector<16xi32>
      %eq3A_98 = arith.cmpi eq, %gather3A_85, %eq3A_97 : vector<16xi32>
      %eq3A_99 = arith.constant 0 : i32
      %eq3A_100 = vector.broadcast %eq3A_99 : i32 to vector<16xi32>
      %eq3A_101 = arith.cmpi eq, %gather3A_86, %eq3A_100 : vector<16xi32>
      %eq3A_102 = arith.constant 1 : i32
      %eq3A_103 = vector.broadcast %eq3A_102 : i32 to vector<16xi32>
      %eq3A_104 = arith.cmpi eq, %gather3A_89, %eq3A_103 : vector<16xi32>
      %eq3A_105 = arith.constant 2 : i32
      %eq3A_106 = vector.broadcast %eq3A_105 : i32 to vector<16xi32>
      %eq3A_107 = arith.cmpi eq, %gather3A_93, %eq3A_106 : vector<16xi32>
      %jit3A = arith.constant -2 : i32
      %jit3A_108 = arith.constant 0 : i32
      %broadcast_in_dim3A = vector.broadcast %jit3A : i32 to vector<16xi32>
      %broadcast_in_dim3A_109 = vector.broadcast %jit3A_108 : i32 to vector<16xi32>
      %select_n3A = arith.select %eq3A_107, %broadcast_in_dim3A, %broadcast_in_dim3A_109 : vector<16xi1>, vector<16xi32>
      %jit3A_110 = arith.constant -1 : i32
      %broadcast_in_dim3A_111 = vector.broadcast %jit3A_110 : i32 to vector<16xi32>
      %select_n3A_112 = arith.select %eq3A_104, %broadcast_in_dim3A_111, %select_n3A : vector<16xi1>, vector<16xi32>
      %jit3A_113 = arith.constant 0 : i32
      %broadcast_in_dim3A_114 = vector.broadcast %jit3A_113 : i32 to vector<16xi32>
      %select_n3A_115 = arith.select %eq3A_101, %broadcast_in_dim3A_114, %select_n3A_112 : vector<16xi1>, vector<16xi32>
      %jit3A_116 = arith.constant 1 : i32
      %broadcast_in_dim3A_117 = vector.broadcast %jit3A_116 : i32 to vector<16xi32>
      %select_n3A_118 = arith.select %eq3A_98, %broadcast_in_dim3A_117, %select_n3A_115 : vector<16xi1>, vector<16xi32>
      %jit3A_119 = arith.constant 2 : i32
      %broadcast_in_dim3A_120 = vector.broadcast %jit3A_119 : i32 to vector<16xi32>
      %select_n3A_121 = arith.select %eq3A_95, %broadcast_in_dim3A_120, %select_n3A_118 : vector<16xi1>, vector<16xi32>
      %or3A = arith.ori %eq3A_95, %eq3A_98 : vector<16xi1>
      %or3A_122 = arith.ori %or3A, %eq3A_101 : vector<16xi1>
      %or3A_123 = arith.ori %or3A_122, %eq3A_104 : vector<16xi1>
      %or3A_124 = arith.ori %or3A_123, %eq3A_107 : vector<16xi1>
      %add3A_125 = arith.addi %add3A_75, %select_n3A_121 : vector<16xi32>
      %mul3A_126 = arith.constant 512 : i32
      %mul3A_127 = arith.muli %add3A, %mul3A_126 : i32
      %add3A_128 = vector.broadcast %mul3A_127 : i32 to vector<16xi32>
      %add3A_129 = arith.addi %add3A_125, %add3A_128 : vector<16xi32>
      %mul3A_130 = arith.constant 16 : i32
      %mul3A_131 = arith.muli %scan3A_71, %mul3A_130 : i32
      %swap3A_132 = arith.index_cast %mul3A_131 : i32 to index
      %swap3A_133 = tpu.vector_load %arg6[%swap3A_132] {strides = array<i32>} : memref<512xi32, #tpu.memory_space<vmem>>, vector<16xi32>,
      tpu.vector_store %arg6[%swap3A_132], %add3A_129 {strides = array<i32>} : memref<512xi32, #tpu.memory_space<vmem>>, vector<16xi32>,
      %jit3A_134 = arith.constant 1.000000e+00 : f32
      %jit3A_135 = arith.constant 0.000000e+00 : f32
      %broadcast_in_dim3A_136 = vector.broadcast %jit3A_134 : f32 to vector<16xf32>
      %broadcast_in_dim3A_137 = vector.broadcast %jit3A_135 : f32 to vector<16xf32>
      %select_n3A_138 = arith.select %or3A_124, %broadcast_in_dim3A_136, %broadcast_in_dim3A_137 : vector<16xi1>, vector<16xf32>
      %mul3A_139 = arith.constant 16 : i32
      %mul3A_140 = arith.muli %scan3A_71, %mul3A_139 : i32
      %swap3A_141 = arith.index_cast %mul3A_140 : i32 to index
      %swap3A_142 = tpu.vector_load %arg7[%swap3A_141] {strides = array<i32>} : memref<512xf32, #tpu.memory_space<vmem>>, vector<16xf32>,
      tpu.vector_store %arg7[%swap3A_141], %select_n3A_138 {strides = array<i32>} : memref<512xf32, #tpu.memory_space<vmem>>, vector<16xf32>,
    }
    %scan3A_22 = arith.constant 32 : i32
    %dma_start3A = arith.constant 0 : i32
    %dma_start3A_23 = arith.constant 0 : i32
    %dma_start3A_24 = arith.constant 0 : i32
    %dma_start3A_25 = tpu.memref_slice %arg8[%dma_start3A, %dma_start3A_23, %dma_start3A_24] : memref<2x32x1024xf32, #tpu.memory_space<vmem>> -> memref<1x32x1024xf32, #tpu.memory_space<vmem>>
    %dma_start3A_26 = tpu.memref_squeeze %dma_start3A_25 : memref<1x32x1024xf32, #tpu.memory_space<vmem>> -> memref<32x1024xf32, #tpu.memory_space<vmem>>
    %dma_start3A_27 = arith.constant 0 : i32
    %dma_start3A_28 = tpu.memref_slice %arg6[%dma_start3A_27] : memref<512xi32, #tpu.memory_space<vmem>> -> memref<32xi32, #tpu.memory_space<vmem>>
    %dma_start3A_29 = arith.constant 0 : i32
    %dma_start3A_30 = arith.constant 0 : i32
    %dma_start3A_31 = tpu.memref_slice %arg2[%dma_start3A_29, %dma_start3A_30] : memref<16384x1024xf32, #tpu.memory_space<hbm>> -> memref<16384x1024xf32, #tpu.memory_space<hbm>>
    tpu.enqueue_indirect_dma source(%dma_start3A_31 : memref<16384x1024xf32, #tpu.memory_space<hbm>>) target(%dma_start3A_26 : memref<32x1024xf32, #tpu.memory_space<vmem>>) offsets(%dma_start3A_28 : memref<32xi32, #tpu.memory_space<vmem>>) semaphore(%arg9 : memref<!tpu.dma_semaphore, #tpu.memory_space<semaphore_mem>>)
    %scan3A_32 = arith.constant 0 : i32
    %scan3A_33 = arith.constant 0 : i32
    %scan3A_34 = arith.constant 8 : i32
    %scan3A_35 = arith.addi %scan3A_33, %scan3A_34 : i32
    %scan3A_36 = arith.constant 1 : i32
    scf.for %scan3A_71 = %scan3A_33 to %scan3A_35 step %scan3A_36  : i32 {
      %mul3A_72 = arith.constant 2 : i32
      %mul3A_73 = arith.muli %scan3A_71, %mul3A_72 : i32
      %add3A_74 = arith.constant 0 : i32
      %add3A_75 = arith.addi %mul3A_73, %add3A_74 : i32
      %mul3A_76 = arith.constant 32 : i32
      %mul3A_77 = arith.muli %add3A_75, %mul3A_76 : i32
      %dma_wait3A_78 = arith.constant 0 : i32
      %dma_wait3A_79 = arith.constant 0 : i32
      %dma_wait3A_80 = arith.constant 0 : i32
      %dma_wait3A_81 = tpu.memref_slice %arg8[%dma_wait3A_78, %dma_wait3A_79, %dma_wait3A_80] : memref<2x32x1024xf32, #tpu.memory_space<vmem>> -> memref<1x32x1024xf32, #tpu.memory_space<vmem>>
      %dma_wait3A_82 = tpu.memref_squeeze %dma_wait3A_81 : memref<1x32x1024xf32, #tpu.memory_space<vmem>> -> memref<32x1024xf32, #tpu.memory_space<vmem>>
      %dma_wait3A_83 = tpu.memref_slice %arg6[%mul3A_77] : memref<512xi32, #tpu.memory_space<vmem>> -> memref<32xi32, #tpu.memory_space<vmem>>
      %dma_wait3A_84 = arith.constant 0 : i32
      %dma_wait3A_85 = arith.constant 0 : i32
      %dma_wait3A_86 = tpu.memref_slice %arg2[%dma_wait3A_84, %dma_wait3A_85] : memref<16384x1024xf32, #tpu.memory_space<hbm>> -> memref<16384x1024xf32, #tpu.memory_space<hbm>>
      tpu.wait_indirect_dma semaphore(%arg9 : memref<!tpu.dma_semaphore, #tpu.memory_space<semaphore_mem>>) src(%dma_wait3A_86 : memref<16384x1024xf32, #tpu.memory_space<hbm>>) dst(%dma_wait3A_82 : memref<32x1024xf32, #tpu.memory_space<vmem>>)
      %scan3A_87 = arith.constant 0 : i32
      %scan3A_88 = arith.constant 0 : i32
      %scan3A_89 = arith.constant 32 : i32
      %scan3A_90 = arith.addi %scan3A_88, %scan3A_89 : i32
      %scan3A_91 = arith.constant 1 : i32
      scf.for %scan3A_161 = %scan3A_88 to %scan3A_90 step %scan3A_91  : i32 {
        %mul3A_162 = arith.constant 0 : i32
        %mul3A_163 = vector.broadcast %mul3A_162 : i32 to vector<16xi32>
        %mul3A_164 = arith.muli %iota3A, %mul3A_163 : vector<16xi32>
        %mul3A_165 = arith.constant 32 : i32
        %mul3A_166 = arith.muli %add3A_75, %mul3A_165 : i32
        %add3A_167 = arith.addi %mul3A_166, %scan3A_161 : i32
        %add3A_168 = vector.broadcast %add3A_167 : i32 to vector<16xi32>
        %add3A_169 = arith.addi %mul3A_164, %add3A_168 : vector<16xi32>
        %gather3A = tpu.vector_load_idx %arg7[%add3A_169] : memref<512xf32, #tpu.memory_space<vmem>>[vector<16xi32>], vector<16xf32>,
        %get3A = arith.constant 0 : i32
        %get3A_170 = arith.index_cast %get3A : i32 to index
        %get3A_171 = arith.index_cast %scan3A_161 : i32 to index
        %get3A_172 = arith.constant 0 : index
        %get3A_173 = tpu.vector_load %arg8[%get3A_170, %get3A_171, %get3A_172] {strides = array<i32>} : memref<2x32x1024xf32, #tpu.memory_space<vmem>>, vector<16xf32>,
        %mul3A_174 = arith.mulf %get3A_173, %gather3A : vector<16xf32>
        %swap3A_175 = arith.constant 0 : i32
        %swap3A_176 = arith.index_cast %swap3A_175 : i32 to index
        %swap3A_177 = arith.index_cast %scan3A_161 : i32 to index
        %swap3A_178 = arith.constant 0 : index
        %swap3A_179 = tpu.vector_load %arg8[%swap3A_176, %swap3A_177, %swap3A_178] {strides = array<i32>} : memref<2x32x1024xf32, #tpu.memory_space<vmem>>, vector<16xf32>,
        tpu.vector_store %arg8[%swap3A_176, %swap3A_177, %swap3A_178], %mul3A_174 {strides = array<i32>} : memref<2x32x1024xf32, #tpu.memory_space<vmem>>, vector<16xf32>,
        %get3A_180 = arith.constant 0 : i32
        %get3A_181 = arith.index_cast %get3A_180 : i32 to index
        %get3A_182 = arith.index_cast %scan3A_161 : i32 to index
        %get3A_183 = arith.constant 16 : index
        %get3A_184 = tpu.vector_load %arg8[%get3A_181, %get3A_182, %get3A_183] {strides = array<i32>} : memref<2x32x1024xf32, #tpu.memory_space<vmem>>, vector<16xf32>,
        %mul3A_185 = arith.mulf %get3A_184, %gather3A : vector<16xf32>
        %swap3A_186 = arith.constant 0 : i32
        %swap3A_187 = arith.index_cast %swap3A_186 : i32 to index
        %swap3A_188 = arith.index_cast %scan3A_161 : i32 to index
        %swap3A_189 = arith.constant 16 : index
        %swap3A_190 = tpu.vector_load %arg8[%swap3A_187, %swap3A_188, %swap3A_189] {strides = array<i32>} : memref<2x32x1024xf32, #tpu.memory_space<vmem>>, vector<16xf32>,
        tpu.vector_store %arg8[%swap3A_187, %swap3A_188, %swap3A_189], %mul3A_185 {strides = array<i32>} : memref<2x32x1024xf32, #tpu.memory_space<vmem>>, vector<16xf32>,
        %get3A_191 = arith.constant 0 : i32
        %get3A_192 = arith.index_cast %get3A_191 : i32 to index
        %get3A_193 = arith.index_cast %scan3A_161 : i32 to index
        %get3A_194 = arith.constant 32 : index
        %get3A_195 = tpu.vector_load %arg8[%get3A_192, %get3A_193, %get3A_194] {strides = array<i32>} : memref<2x32x1024xf32, #tpu.memory_space<vmem>>, vector<16xf32>,
        %mul3A_196 = arith.mulf %get3A_195, %gather3A : vector<16xf32>
        %swap3A_197 = arith.constant 0 : i32
        %swap3A_198 = arith.index_cast %swap3A_197 : i32 to index
        %swap3A_199 = arith.index_cast %scan3A_161 : i32 to index
        %swap3A_200 = arith.constant 32 : index
        %swap3A_201 = tpu.vector_load %arg8[%swap3A_198, %swap3A_199, %swap3A_200] {strides = array<i32>} : memref<2x32x1024xf32, #tpu.memory_space<vmem>>, vector<16xf32>,
        tpu.vector_store %arg8[%swap3A_198, %swap3A_199, %swap3A_200], %mul3A_196 {strides = array<i32>} : memref<2x32x1024xf32, #tpu.memory_space<vmem>>, vector<16xf32>,
        %get3A_202 = arith.constant 0 : i32
        %get3A_203 = arith.index_cast %get3A_202 : i32 to index
        %get3A_204 = arith.index_cast %scan3A_161 : i32 to index
        %get3A_205 = arith.constant 48 : index
        %get3A_206 = tpu.vector_load %arg8[%get3A_203, %get3A_204, %get3A_205] {strides = array<i32>} : memref<2x32x1024xf32, #tpu.memory_space<vmem>>, vector<16xf32>,
        %mul3A_207 = arith.mulf %get3A_206, %gather3A : vector<16xf32>
        %swap3A_208 = arith.constant 0 : i32
        %swap3A_209 = arith.index_cast %swap3A_208 : i32 to index
        %swap3A_210 = arith.index_cast %scan3A_161 : i32 to index
        %swap3A_211 = arith.constant 48 : index
        %swap3A_212 = tpu.vector_load %arg8[%swap3A_209, %swap3A_210, %swap3A_211] {strides = array<i32>} : memref<2x32x1024xf32, #tpu.memory_space<vmem>>, vector<16xf32>,
        tpu.vector_store %arg8[%swap3A_209, %swap3A_210, %swap3A_211], %mul3A_207 {strides = array<i32>} : memref<2x32x1024xf32, #tpu.memory_space<vmem>>, vector<16xf32>,
        %get3A_213 = arith.constant 0 : i32
        %get3A_214 = arith.index_cast %get3A_213 : i32 to index
        %get3A_215 = arith.index_cast %scan3A_161 : i32 to index
        %get3A_216 = arith.constant 64 : index
        %get3A_217 = tpu.vector_load %arg8[%get3A_214, %get3A_215, %get3A_216] {strides = array<i32>} : memref<2x32x1024xf32, #tpu.memory_space<vmem>>, vector<16xf32>,
        %mul3A_218 = arith.mulf %get3A_217, %gather3A : vector<16xf32>
        %swap3A_219 = arith.constant 0 : i32
        %swap3A_220 = arith.index_cast %swap3A_219 : i32 to index
        %swap3A_221 = arith.index_cast %scan3A_161 : i32 to index
        %swap3A_222 = arith.constant 64 : index
        %swap3A_223 = tpu.vector_load %arg8[%swap3A_220, %swap3A_221, %swap3A_222] {strides = array<i32>} : memref<2x32x1024xf32, #tpu.memory_space<vmem>>, vector<16xf32>,
        tpu.vector_store %arg8[%swap3A_220, %swap3A_221, %swap3A_222], %mul3A_218 {strides = array<i32>} : memref<2x32x1024xf32, #tpu.memory_space<vmem>>, vector<16xf32>,
        %get3A_224 = arith.constant 0 : i32
        %get3A_225 = arith.index_cast %get3A_224 : i32 to index
        %get3A_226 = arith.index_cast %scan3A_161 : i32 to index
        %get3A_227 = arith.constant 80 : index
        %get3A_228 = tpu.vector_load %arg8[%get3A_225, %get3A_226, %get3A_227] {strides = array<i32>} : memref<2x32x1024xf32, #tpu.memory_space<vmem>>, vector<16xf32>,
        %mul3A_229 = arith.mulf %get3A_228, %gather3A : vector<16xf32>
        %swap3A_230 = arith.constant 0 : i32
        %swap3A_231 = arith.index_cast %swap3A_230 : i32 to index
        %swap3A_232 = arith.index_cast %scan3A_161 : i32 to index
        %swap3A_233 = arith.constant 80 : index
        %swap3A_234 = tpu.vector_load %arg8[%swap3A_231, %swap3A_232, %swap3A_233] {strides = array<i32>} : memref<2x32x1024xf32, #tpu.memory_space<vmem>>, vector<16xf32>,
        tpu.vector_store %arg8[%swap3A_231, %swap3A_232, %swap3A_233], %mul3A_229 {strides = array<i32>} : memref<2x32x1024xf32, #tpu.memory_space<vmem>>, vector<16xf32>,
        %get3A_235 = arith.constant 0 : i32
        %get3A_236 = arith.index_cast %get3A_235 : i32 to index
        %get3A_237 = arith.index_cast %scan3A_161 : i32 to index
        %get3A_238 = arith.constant 96 : index
        %get3A_239 = tpu.vector_load %arg8[%get3A_236, %get3A_237, %get3A_238] {strides = array<i32>} : memref<2x32x1024xf32, #tpu.memory_space<vmem>>, vector<16xf32>,
        %mul3A_240 = arith.mulf %get3A_239, %gather3A : vector<16xf32>
        %swap3A_241 = arith.constant 0 : i32
        %swap3A_242 = arith.index_cast %swap3A_241 : i32 to index
        %swap3A_243 = arith.index_cast %scan3A_161 : i32 to index
        %swap3A_244 = arith.constant 96 : index
        %swap3A_245 = tpu.vector_load %arg8[%swap3A_242, %swap3A_243, %swap3A_244] {strides = array<i32>} : memref<2x32x1024xf32, #tpu.memory_space<vmem>>, vector<16xf32>,
        tpu.vector_store %arg8[%swap3A_242, %swap3A_243, %swap3A_244], %mul3A_240 {strides = array<i32>} : memref<2x32x1024xf32, #tpu.memory_space<vmem>>, vector<16xf32>,
        %get3A_246 = arith.constant 0 : i32
        %get3A_247 = arith.index_cast %get3A_246 : i32 to index
        %get3A_248 = arith.index_cast %scan3A_161 : i32 to index
        %get3A_249 = arith.constant 112 : index
        %get3A_250 = tpu.vector_load %arg8[%get3A_247, %get3A_248, %get3A_249] {strides = array<i32>} : memref<2x32x1024xf32, #tpu.memory_space<vmem>>, vector<16xf32>,
        %mul3A_251 = arith.mulf %get3A_250, %gather3A : vector<16xf32>
        %swap3A_252 = arith.constant 0 : i32
        %swap3A_253 = arith.index_cast %swap3A_252 : i32 to index
        %swap3A_254 = arith.index_cast %scan3A_161 : i32 to index
        %swap3A_255 = arith.constant 112 : index
        %swap3A_256 = tpu.vector_load %arg8[%swap3A_253, %swap3A_254, %swap3A_255] {strides = array<i32>} : memref<2x32x1024xf32, #tpu.memory_space<vmem>>, vector<16xf32>,
        tpu.vector_store %arg8[%swap3A_253, %swap3A_254, %swap3A_255], %mul3A_251 {strides = array<i32>} : memref<2x32x1024xf32, #tpu.memory_space<vmem>>, vector<16xf32>,
        %get3A_257 = arith.constant 0 : i32
        %get3A_258 = arith.index_cast %get3A_257 : i32 to index
        %get3A_259 = arith.index_cast %scan3A_161 : i32 to index
        %get3A_260 = arith.constant 128 : index
        %get3A_261 = tpu.vector_load %arg8[%get3A_258, %get3A_259, %get3A_260] {strides = array<i32>} : memref<2x32x1024xf32, #tpu.memory_space<vmem>>, vector<16xf32>,
        %mul3A_262 = arith.mulf %get3A_261, %gather3A : vector<16xf32>
        %swap3A_263 = arith.constant 0 : i32
        %swap3A_264 = arith.index_cast %swap3A_263 : i32 to index
        %swap3A_265 = arith.index_cast %scan3A_161 : i32 to index
        %swap3A_266 = arith.constant 128 : index
        %swap3A_267 = tpu.vector_load %arg8[%swap3A_264, %swap3A_265, %swap3A_266] {strides = array<i32>} : memref<2x32x1024xf32, #tpu.memory_space<vmem>>, vector<16xf32>,
        tpu.vector_store %arg8[%swap3A_264, %swap3A_265, %swap3A_266], %mul3A_262 {strides = array<i32>} : memref<2x32x1024xf32, #tpu.memory_space<vmem>>, vector<16xf32>,
        %get3A_268 = arith.constant 0 : i32
        %get3A_269 = arith.index_cast %get3A_268 : i32 to index
        %get3A_270 = arith.index_cast %scan3A_161 : i32 to index
        %get3A_271 = arith.constant 144 : index
        %get3A_272 = tpu.vector_load %arg8[%get3A_269, %get3A_270, %get3A_271] {strides = array<i32>} : memref<2x32x1024xf32, #tpu.memory_space<vmem>>, vector<16xf32>,
        %mul3A_273 = arith.mulf %get3A_272, %gather3A : vector<16xf32>
        %swap3A_274 = arith.constant 0 : i32
        %swap3A_275 = arith.index_cast %swap3A_274 : i32 to index
        %swap3A_276 = arith.index_cast %scan3A_161 : i32 to index
        %swap3A_277 = arith.constant 144 : index
        %swap3A_278 = tpu.vector_load %arg8[%swap3A_275, %swap3A_276, %swap3A_277] {strides = array<i32>} : memref<2x32x1024xf32, #tpu.memory_space<vmem>>, vector<16xf32>,
        tpu.vector_store %arg8[%swap3A_275, %swap3A_276, %swap3A_277], %mul3A_273 {strides = array<i32>} : memref<2x32x1024xf32, #tpu.memory_space<vmem>>, vector<16xf32>,
        %get3A_279 = arith.constant 0 : i32
        %get3A_280 = arith.index_cast %get3A_279 : i32 to index
        %get3A_281 = arith.index_cast %scan3A_161 : i32 to index
        %get3A_282 = arith.constant 160 : index
        %get3A_283 = tpu.vector_load %arg8[%get3A_280, %get3A_281, %get3A_282] {strides = array<i32>} : memref<2x32x1024xf32, #tpu.memory_space<vmem>>, vector<16xf32>,
        %mul3A_284 = arith.mulf %get3A_283, %gather3A : vector<16xf32>
        %swap3A_285 = arith.constant 0 : i32
        %swap3A_286 = arith.index_cast %swap3A_285 : i32 to index
        %swap3A_287 = arith.index_cast %scan3A_161 : i32 to index
        %swap3A_288 = arith.constant 160 : index
        %swap3A_289 = tpu.vector_load %arg8[%swap3A_286, %swap3A_287, %swap3A_288] {strides = array<i32>} : memref<2x32x1024xf32, #tpu.memory_space<vmem>>, vector<16xf32>,
        tpu.vector_store %arg8[%swap3A_286, %swap3A_287, %swap3A_288], %mul3A_284 {strides = array<i32>} : memref<2x32x1024xf32, #tpu.memory_space<vmem>>, vector<16xf32>,
        %get3A_290 = arith.constant 0 : i32
        %get3A_291 = arith.index_cast %get3A_290 : i32 to index
        %get3A_292 = arith.index_cast %scan3A_161 : i32 to index
        %get3A_293 = arith.constant 176 : index
        %get3A_294 = tpu.vector_load %arg8[%get3A_291, %get3A_292, %get3A_293] {strides = array<i32>} : memref<2x32x1024xf32, #tpu.memory_space<vmem>>, vector<16xf32>,
        %mul3A_295 = arith.mulf %get3A_294, %gather3A : vector<16xf32>
        %swap3A_296 = arith.constant 0 : i32
        %swap3A_297 = arith.index_cast %swap3A_296 : i32 to index
        %swap3A_298 = arith.index_cast %scan3A_161 : i32 to index
        %swap3A_299 = arith.constant 176 : index
        %swap3A_300 = tpu.vector_load %arg8[%swap3A_297, %swap3A_298, %swap3A_299] {strides = array<i32>} : memref<2x32x1024xf32, #tpu.memory_space<vmem>>, vector<16xf32>,
        tpu.vector_store %arg8[%swap3A_297, %swap3A_298, %swap3A_299], %mul3A_295 {strides = array<i32>} : memref<2x32x1024xf32, #tpu.memory_space<vmem>>, vector<16xf32>,
        %get3A_301 = arith.constant 0 : i32
        %get3A_302 = arith.index_cast %get3A_301 : i32 to index
        %get3A_303 = arith.index_cast %scan3A_161 : i32 to index
        %get3A_304 = arith.constant 192 : index
        %get3A_305 = tpu.vector_load %arg8[%get3A_302, %get3A_303, %get3A_304] {strides = array<i32>} : memref<2x32x1024xf32, #tpu.memory_space<vmem>>, vector<16xf32>,
        %mul3A_306 = arith.mulf %get3A_305, %gather3A : vector<16xf32>
        %swap3A_307 = arith.constant 0 : i32
        %swap3A_308 = arith.index_cast %swap3A_307 : i32 to index
        %swap3A_309 = arith.index_cast %scan3A_161 : i32 to index
        %swap3A_310 = arith.constant 192 : index
        %swap3A_311 = tpu.vector_load %arg8[%swap3A_308, %swap3A_309, %swap3A_310] {strides = array<i32>} : memref<2x32x1024xf32, #tpu.memory_space<vmem>>, vector<16xf32>,
        tpu.vector_store %arg8[%swap3A_308, %swap3A_309, %swap3A_310], %mul3A_306 {strides = array<i32>} : memref<2x32x1024xf32, #tpu.memory_space<vmem>>, vector<16xf32>,
        %get3A_312 = arith.constant 0 : i32
        %get3A_313 = arith.index_cast %get3A_312 : i32 to index
        %get3A_314 = arith.index_cast %scan3A_161 : i32 to index
        %get3A_315 = arith.constant 208 : index
        %get3A_316 = tpu.vector_load %arg8[%get3A_313, %get3A_314, %get3A_315] {strides = array<i32>} : memref<2x32x1024xf32, #tpu.memory_space<vmem>>, vector<16xf32>,
        %mul3A_317 = arith.mulf %get3A_316, %gather3A : vector<16xf32>
        %swap3A_318 = arith.constant 0 : i32
        %swap3A_319 = arith.index_cast %swap3A_318 : i32 to index
        %swap3A_320 = arith.index_cast %scan3A_161 : i32 to index
        %swap3A_321 = arith.constant 208 : index
        %swap3A_322 = tpu.vector_load %arg8[%swap3A_319, %swap3A_320, %swap3A_321] {strides = array<i32>} : memref<2x32x1024xf32, #tpu.memory_space<vmem>>, vector<16xf32>,
        tpu.vector_store %arg8[%swap3A_319, %swap3A_320, %swap3A_321], %mul3A_317 {strides = array<i32>} : memref<2x32x1024xf32, #tpu.memory_space<vmem>>, vector<16xf32>,
        %get3A_323 = arith.constant 0 : i32
        %get3A_324 = arith.index_cast %get3A_323 : i32 to index
        %get3A_325 = arith.index_cast %scan3A_161 : i32 to index
        %get3A_326 = arith.constant 224 : index
        %get3A_327 = tpu.vector_load %arg8[%get3A_324, %get3A_325, %get3A_326] {strides = array<i32>} : memref<2x32x1024xf32, #tpu.memory_space<vmem>>, vector<16xf32>,
        %mul3A_328 = arith.mulf %get3A_327, %gather3A : vector<16xf32>
        %swap3A_329 = arith.constant 0 : i32
        %swap3A_330 = arith.index_cast %swap3A_329 : i32 to index
        %swap3A_331 = arith.index_cast %scan3A_161 : i32 to index
        %swap3A_332 = arith.constant 224 : index
        %swap3A_333 = tpu.vector_load %arg8[%swap3A_330, %swap3A_331, %swap3A_332] {strides = array<i32>} : memref<2x32x1024xf32, #tpu.memory_space<vmem>>, vector<16xf32>,
        tpu.vector_store %arg8[%swap3A_330, %swap3A_331, %swap3A_332], %mul3A_328 {strides = array<i32>} : memref<2x32x1024xf32, #tpu.memory_space<vmem>>, vector<16xf32>,
        %get3A_334 = arith.constant 0 : i32
        %get3A_335 = arith.index_cast %get3A_334 : i32 to index
        %get3A_336 = arith.index_cast %scan3A_161 : i32 to index
        %get3A_337 = arith.constant 240 : index
        %get3A_338 = tpu.vector_load %arg8[%get3A_335, %get3A_336, %get3A_337] {strides = array<i32>} : memref<2x32x1024xf32, #tpu.memory_space<vmem>>, vector<16xf32>,
        %mul3A_339 = arith.mulf %get3A_338, %gather3A : vector<16xf32>
        %swap3A_340 = arith.constant 0 : i32
        %swap3A_341 = arith.index_cast %swap3A_340 : i32 to index
        %swap3A_342 = arith.index_cast %scan3A_161 : i32 to index
        %swap3A_343 = arith.constant 240 : index
        %swap3A_344 = tpu.vector_load %arg8[%swap3A_341, %swap3A_342, %swap3A_343] {strides = array<i32>} : memref<2x32x1024xf32, #tpu.memory_space<vmem>>, vector<16xf32>,
        tpu.vector_store %arg8[%swap3A_341, %swap3A_342, %swap3A_343], %mul3A_339 {strides = array<i32>} : memref<2x32x1024xf32, #tpu.memory_space<vmem>>, vector<16xf32>,
        %get3A_345 = arith.constant 0 : i32
        %get3A_346 = arith.index_cast %get3A_345 : i32 to index
        %get3A_347 = arith.index_cast %scan3A_161 : i32 to index
        %get3A_348 = arith.constant 256 : index
        %get3A_349 = tpu.vector_load %arg8[%get3A_346, %get3A_347, %get3A_348] {strides = array<i32>} : memref<2x32x1024xf32, #tpu.memory_space<vmem>>, vector<16xf32>,
        %mul3A_350 = arith.mulf %get3A_349, %gather3A : vector<16xf32>
        %swap3A_351 = arith.constant 0 : i32
        %swap3A_352 = arith.index_cast %swap3A_351 : i32 to index
        %swap3A_353 = arith.index_cast %scan3A_161 : i32 to index
        %swap3A_354 = arith.constant 256 : index
        %swap3A_355 = tpu.vector_load %arg8[%swap3A_352, %swap3A_353, %swap3A_354] {strides = array<i32>} : memref<2x32x1024xf32, #tpu.memory_space<vmem>>, vector<16xf32>,
        tpu.vector_store %arg8[%swap3A_352, %swap3A_353, %swap3A_354], %mul3A_350 {strides = array<i32>} : memref<2x32x1024xf32, #tpu.memory_space<vmem>>, vector<16xf32>,
        %get3A_356 = arith.constant 0 : i32
        %get3A_357 = arith.index_cast %get3A_356 : i32 to index
        %get3A_358 = arith.index_cast %scan3A_161 : i32 to index
        %get3A_359 = arith.constant 272 : index
        %get3A_360 = tpu.vector_load %arg8[%get3A_357, %get3A_358, %get3A_359] {strides = array<i32>} : memref<2x32x1024xf32, #tpu.memory_space<vmem>>, vector<16xf32>,
        %mul3A_361 = arith.mulf %get3A_360, %gather3A : vector<16xf32>
        %swap3A_362 = arith.constant 0 : i32
        %swap3A_363 = arith.index_cast %swap3A_362 : i32 to index
        %swap3A_364 = arith.index_cast %scan3A_161 : i32 to index
        %swap3A_365 = arith.constant 272 : index
        %swap3A_366 = tpu.vector_load %arg8[%swap3A_363, %swap3A_364, %swap3A_365] {strides = array<i32>} : memref<2x32x1024xf32, #tpu.memory_space<vmem>>, vector<16xf32>,
        tpu.vector_store %arg8[%swap3A_363, %swap3A_364, %swap3A_365], %mul3A_361 {strides = array<i32>} : memref<2x32x1024xf32, #tpu.memory_space<vmem>>, vector<16xf32>,
        %get3A_367 = arith.constant 0 : i32
        %get3A_368 = arith.index_cast %get3A_367 : i32 to index
        %get3A_369 = arith.index_cast %scan3A_161 : i32 to index
        %get3A_370 = arith.constant 288 : index
        %get3A_371 = tpu.vector_load %arg8[%get3A_368, %get3A_369, %get3A_370] {strides = array<i32>} : memref<2x32x1024xf32, #tpu.memory_space<vmem>>, vector<16xf32>,
        %mul3A_372 = arith.mulf %get3A_371, %gather3A : vector<16xf32>
        %swap3A_373 = arith.constant 0 : i32
        %swap3A_374 = arith.index_cast %swap3A_373 : i32 to index
        %swap3A_375 = arith.index_cast %scan3A_161 : i32 to index
        %swap3A_376 = arith.constant 288 : index
        %swap3A_377 = tpu.vector_load %arg8[%swap3A_374, %swap3A_375, %swap3A_376] {strides = array<i32>} : memref<2x32x1024xf32, #tpu.memory_space<vmem>>, vector<16xf32>,
        tpu.vector_store %arg8[%swap3A_374, %swap3A_375, %swap3A_376], %mul3A_372 {strides = array<i32>} : memref<2x32x1024xf32, #tpu.memory_space<vmem>>, vector<16xf32>,
        %get3A_378 = arith.constant 0 : i32
        %get3A_379 = arith.index_cast %get3A_378 : i32 to index
        %get3A_380 = arith.index_cast %scan3A_161 : i32 to index
        %get3A_381 = arith.constant 304 : index
        %get3A_382 = tpu.vector_load %arg8[%get3A_379, %get3A_380, %get3A_381] {strides = array<i32>} : memref<2x32x1024xf32, #tpu.memory_space<vmem>>, vector<16xf32>,
        %mul3A_383 = arith.mulf %get3A_382, %gather3A : vector<16xf32>
        %swap3A_384 = arith.constant 0 : i32
        %swap3A_385 = arith.index_cast %swap3A_384 : i32 to index
        %swap3A_386 = arith.index_cast %scan3A_161 : i32 to index
        %swap3A_387 = arith.constant 304 : index
        %swap3A_388 = tpu.vector_load %arg8[%swap3A_385, %swap3A_386, %swap3A_387] {strides = array<i32>} : memref<2x32x1024xf32, #tpu.memory_space<vmem>>, vector<16xf32>,
        tpu.vector_store %arg8[%swap3A_385, %swap3A_386, %swap3A_387], %mul3A_383 {strides = array<i32>} : memref<2x32x1024xf32, #tpu.memory_space<vmem>>, vector<16xf32>,
        %get3A_389 = arith.constant 0 : i32
        %get3A_390 = arith.index_cast %get3A_389 : i32 to index
        %get3A_391 = arith.index_cast %scan3A_161 : i32 to index
        %get3A_392 = arith.constant 320 : index
        %get3A_393 = tpu.vector_load %arg8[%get3A_390, %get3A_391, %get3A_392] {strides = array<i32>} : memref<2x32x1024xf32, #tpu.memory_space<vmem>>, vector<16xf32>,
        %mul3A_394 = arith.mulf %get3A_393, %gather3A : vector<16xf32>
        %swap3A_395 = arith.constant 0 : i32
        %swap3A_396 = arith.index_cast %swap3A_395 : i32 to index
        %swap3A_397 = arith.index_cast %scan3A_161 : i32 to index
        %swap3A_398 = arith.constant 320 : index
        %swap3A_399 = tpu.vector_load %arg8[%swap3A_396, %swap3A_397, %swap3A_398] {strides = array<i32>} : memref<2x32x1024xf32, #tpu.memory_space<vmem>>, vector<16xf32>,
        tpu.vector_store %arg8[%swap3A_396, %swap3A_397, %swap3A_398], %mul3A_394 {strides = array<i32>} : memref<2x32x1024xf32, #tpu.memory_space<vmem>>, vector<16xf32>,
        %get3A_400 = arith.constant 0 : i32
        %get3A_401 = arith.index_cast %get3A_400 : i32 to index
        %get3A_402 = arith.index_cast %scan3A_161 : i32 to index
        %get3A_403 = arith.constant 336 : index
        %get3A_404 = tpu.vector_load %arg8[%get3A_401, %get3A_402, %get3A_403] {strides = array<i32>} : memref<2x32x1024xf32, #tpu.memory_space<vmem>>, vector<16xf32>,
        %mul3A_405 = arith.mulf %get3A_404, %gather3A : vector<16xf32>
        %swap3A_406 = arith.constant 0 : i32
        %swap3A_407 = arith.index_cast %swap3A_406 : i32 to index
        %swap3A_408 = arith.index_cast %scan3A_161 : i32 to index
        %swap3A_409 = arith.constant 336 : index
        %swap3A_410 = tpu.vector_load %arg8[%swap3A_407, %swap3A_408, %swap3A_409] {strides = array<i32>} : memref<2x32x1024xf32, #tpu.memory_space<vmem>>, vector<16xf32>,
        tpu.vector_store %arg8[%swap3A_407, %swap3A_408, %swap3A_409], %mul3A_405 {strides = array<i32>} : memref<2x32x1024xf32, #tpu.memory_space<vmem>>, vector<16xf32>,
        %get3A_411 = arith.constant 0 : i32
        %get3A_412 = arith.index_cast %get3A_411 : i32 to index
        %get3A_413 = arith.index_cast %scan3A_161 : i32 to index
        %get3A_414 = arith.constant 352 : index
        %get3A_415 = tpu.vector_load %arg8[%get3A_412, %get3A_413, %get3A_414] {strides = array<i32>} : memref<2x32x1024xf32, #tpu.memory_space<vmem>>, vector<16xf32>,
        %mul3A_416 = arith.mulf %get3A_415, %gather3A : vector<16xf32>
        %swap3A_417 = arith.constant 0 : i32
        %swap3A_418 = arith.index_cast %swap3A_417 : i32 to index
        %swap3A_419 = arith.index_cast %scan3A_161 : i32 to index
        %swap3A_420 = arith.constant 352 : index
        %swap3A_421 = tpu.vector_load %arg8[%swap3A_418, %swap3A_419, %swap3A_420] {strides = array<i32>} : memref<2x32x1024xf32, #tpu.memory_space<vmem>>, vector<16xf32>,
        tpu.vector_store %arg8[%swap3A_418, %swap3A_419, %swap3A_420], %mul3A_416 {strides = array<i32>} : memref<2x32x1024xf32, #tpu.memory_space<vmem>>, vector<16xf32>,
        %get3A_422 = arith.constant 0 : i32
        %get3A_423 = arith.index_cast %get3A_422 : i32 to index
        %get3A_424 = arith.index_cast %scan3A_161 : i32 to index
        %get3A_425 = arith.constant 368 : index
        %get3A_426 = tpu.vector_load %arg8[%get3A_423, %get3A_424, %get3A_425] {strides = array<i32>} : memref<2x32x1024xf32, #tpu.memory_space<vmem>>, vector<16xf32>,
        %mul3A_427 = arith.mulf %get3A_426, %gather3A : vector<16xf32>
        %swap3A_428 = arith.constant 0 : i32
        %swap3A_429 = arith.index_cast %swap3A_428 : i32 to index
        %swap3A_430 = arith.index_cast %scan3A_161 : i32 to index
        %swap3A_431 = arith.constant 368 : index
        %swap3A_432 = tpu.vector_load %arg8[%swap3A_429, %swap3A_430, %swap3A_431] {strides = array<i32>} : memref<2x32x1024xf32, #tpu.memory_space<vmem>>, vector<16xf32>,
        tpu.vector_store %arg8[%swap3A_429, %swap3A_430, %swap3A_431], %mul3A_427 {strides = array<i32>} : memref<2x32x1024xf32, #tpu.memory_space<vmem>>, vector<16xf32>,
        %get3A_433 = arith.constant 0 : i32
        %get3A_434 = arith.index_cast %get3A_433 : i32 to index
        %get3A_435 = arith.index_cast %scan3A_161 : i32 to index
        %get3A_436 = arith.constant 384 : index
        %get3A_437 = tpu.vector_load %arg8[%get3A_434, %get3A_435, %get3A_436] {strides = array<i32>} : memref<2x32x1024xf32, #tpu.memory_space<vmem>>, vector<16xf32>,
        %mul3A_438 = arith.mulf %get3A_437, %gather3A : vector<16xf32>
        %swap3A_439 = arith.constant 0 : i32
        %swap3A_440 = arith.index_cast %swap3A_439 : i32 to index
        %swap3A_441 = arith.index_cast %scan3A_161 : i32 to index
        %swap3A_442 = arith.constant 384 : index
        %swap3A_443 = tpu.vector_load %arg8[%swap3A_440, %swap3A_441, %swap3A_442] {strides = array<i32>} : memref<2x32x1024xf32, #tpu.memory_space<vmem>>, vector<16xf32>,
        tpu.vector_store %arg8[%swap3A_440, %swap3A_441, %swap3A_442], %mul3A_438 {strides = array<i32>} : memref<2x32x1024xf32, #tpu.memory_space<vmem>>, vector<16xf32>,
        %get3A_444 = arith.constant 0 : i32
        %get3A_445 = arith.index_cast %get3A_444 : i32 to index
        %get3A_446 = arith.index_cast %scan3A_161 : i32 to index
        %get3A_447 = arith.constant 400 : index
        %get3A_448 = tpu.vector_load %arg8[%get3A_445, %get3A_446, %get3A_447] {strides = array<i32>} : memref<2x32x1024xf32, #tpu.memory_space<vmem>>, vector<16xf32>,
        %mul3A_449 = arith.mulf %get3A_448, %gather3A : vector<16xf32>
        %swap3A_450 = arith.constant 0 : i32
        %swap3A_451 = arith.index_cast %swap3A_450 : i32 to index
        %swap3A_452 = arith.index_cast %scan3A_161 : i32 to index
        %swap3A_453 = arith.constant 400 : index
        %swap3A_454 = tpu.vector_load %arg8[%swap3A_451, %swap3A_452, %swap3A_453] {strides = array<i32>} : memref<2x32x1024xf32, #tpu.memory_space<vmem>>, vector<16xf32>,
        tpu.vector_store %arg8[%swap3A_451, %swap3A_452, %swap3A_453], %mul3A_449 {strides = array<i32>} : memref<2x32x1024xf32, #tpu.memory_space<vmem>>, vector<16xf32>,
        %get3A_455 = arith.constant 0 : i32
        %get3A_456 = arith.index_cast %get3A_455 : i32 to index
        %get3A_457 = arith.index_cast %scan3A_161 : i32 to index
        %get3A_458 = arith.constant 416 : index
        %get3A_459 = tpu.vector_load %arg8[%get3A_456, %get3A_457, %get3A_458] {strides = array<i32>} : memref<2x32x1024xf32, #tpu.memory_space<vmem>>, vector<16xf32>,
        %mul3A_460 = arith.mulf %get3A_459, %gather3A : vector<16xf32>
        %swap3A_461 = arith.constant 0 : i32
        %swap3A_462 = arith.index_cast %swap3A_461 : i32 to index
        %swap3A_463 = arith.index_cast %scan3A_161 : i32 to index
        %swap3A_464 = arith.constant 416 : index
        %swap3A_465 = tpu.vector_load %arg8[%swap3A_462, %swap3A_463, %swap3A_464] {strides = array<i32>} : memref<2x32x1024xf32, #tpu.memory_space<vmem>>, vector<16xf32>,
        tpu.vector_store %arg8[%swap3A_462, %swap3A_463, %swap3A_464], %mul3A_460 {strides = array<i32>} : memref<2x32x1024xf32, #tpu.memory_space<vmem>>, vector<16xf32>,
        %get3A_466 = arith.constant 0 : i32
        %get3A_467 = arith.index_cast %get3A_466 : i32 to index
        %get3A_468 = arith.index_cast %scan3A_161 : i32 to index
        %get3A_469 = arith.constant 432 : index
        %get3A_470 = tpu.vector_load %arg8[%get3A_467, %get3A_468, %get3A_469] {strides = array<i32>} : memref<2x32x1024xf32, #tpu.memory_space<vmem>>, vector<16xf32>,
        %mul3A_471 = arith.mulf %get3A_470, %gather3A : vector<16xf32>
        %swap3A_472 = arith.constant 0 : i32
        %swap3A_473 = arith.index_cast %swap3A_472 : i32 to index
        %swap3A_474 = arith.index_cast %scan3A_161 : i32 to index
        %swap3A_475 = arith.constant 432 : index
        %swap3A_476 = tpu.vector_load %arg8[%swap3A_473, %swap3A_474, %swap3A_475] {strides = array<i32>} : memref<2x32x1024xf32, #tpu.memory_space<vmem>>, vector<16xf32>,
        tpu.vector_store %arg8[%swap3A_473, %swap3A_474, %swap3A_475], %mul3A_471 {strides = array<i32>} : memref<2x32x1024xf32, #tpu.memory_space<vmem>>, vector<16xf32>,
        %get3A_477 = arith.constant 0 : i32
        %get3A_478 = arith.index_cast %get3A_477 : i32 to index
        %get3A_479 = arith.index_cast %scan3A_161 : i32 to index
        %get3A_480 = arith.constant 448 : index
        %get3A_481 = tpu.vector_load %arg8[%get3A_478, %get3A_479, %get3A_480] {strides = array<i32>} : memref<2x32x1024xf32, #tpu.memory_space<vmem>>, vector<16xf32>,
        %mul3A_482 = arith.mulf %get3A_481, %gather3A : vector<16xf32>
        %swap3A_483 = arith.constant 0 : i32
        %swap3A_484 = arith.index_cast %swap3A_483 : i32 to index
        %swap3A_485 = arith.index_cast %scan3A_161 : i32 to index
        %swap3A_486 = arith.constant 448 : index
        %swap3A_487 = tpu.vector_load %arg8[%swap3A_484, %swap3A_485, %swap3A_486] {strides = array<i32>} : memref<2x32x1024xf32, #tpu.memory_space<vmem>>, vector<16xf32>,
        tpu.vector_store %arg8[%swap3A_484, %swap3A_485, %swap3A_486], %mul3A_482 {strides = array<i32>} : memref<2x32x1024xf32, #tpu.memory_space<vmem>>, vector<16xf32>,
        %get3A_488 = arith.constant 0 : i32
        %get3A_489 = arith.index_cast %get3A_488 : i32 to index
        %get3A_490 = arith.index_cast %scan3A_161 : i32 to index
        %get3A_491 = arith.constant 464 : index
        %get3A_492 = tpu.vector_load %arg8[%get3A_489, %get3A_490, %get3A_491] {strides = array<i32>} : memref<2x32x1024xf32, #tpu.memory_space<vmem>>, vector<16xf32>,
        %mul3A_493 = arith.mulf %get3A_492, %gather3A : vector<16xf32>
        %swap3A_494 = arith.constant 0 : i32
        %swap3A_495 = arith.index_cast %swap3A_494 : i32 to index
        %swap3A_496 = arith.index_cast %scan3A_161 : i32 to index
        %swap3A_497 = arith.constant 464 : index
        %swap3A_498 = tpu.vector_load %arg8[%swap3A_495, %swap3A_496, %swap3A_497] {strides = array<i32>} : memref<2x32x1024xf32, #tpu.memory_space<vmem>>, vector<16xf32>,
        tpu.vector_store %arg8[%swap3A_495, %swap3A_496, %swap3A_497], %mul3A_493 {strides = array<i32>} : memref<2x32x1024xf32, #tpu.memory_space<vmem>>, vector<16xf32>,
        %get3A_499 = arith.constant 0 : i32
        %get3A_500 = arith.index_cast %get3A_499 : i32 to index
        %get3A_501 = arith.index_cast %scan3A_161 : i32 to index
        %get3A_502 = arith.constant 480 : index
        %get3A_503 = tpu.vector_load %arg8[%get3A_500, %get3A_501, %get3A_502] {strides = array<i32>} : memref<2x32x1024xf32, #tpu.memory_space<vmem>>, vector<16xf32>,
        %mul3A_504 = arith.mulf %get3A_503, %gather3A : vector<16xf32>
        %swap3A_505 = arith.constant 0 : i32
        %swap3A_506 = arith.index_cast %swap3A_505 : i32 to index
        %swap3A_507 = arith.index_cast %scan3A_161 : i32 to index
        %swap3A_508 = arith.constant 480 : index
        %swap3A_509 = tpu.vector_load %arg8[%swap3A_506, %swap3A_507, %swap3A_508] {strides = array<i32>} : memref<2x32x1024xf32, #tpu.memory_space<vmem>>, vector<16xf32>,
        tpu.vector_store %arg8[%swap3A_506, %swap3A_507, %swap3A_508], %mul3A_504 {strides = array<i32>} : memref<2x32x1024xf32, #tpu.memory_space<vmem>>, vector<16xf32>,
        %get3A_510 = arith.constant 0 : i32
        %get3A_511 = arith.index_cast %get3A_510 : i32 to index
        %get3A_512 = arith.index_cast %scan3A_161 : i32 to index
        %get3A_513 = arith.constant 496 : index
        %get3A_514 = tpu.vector_load %arg8[%get3A_511, %get3A_512, %get3A_513] {strides = array<i32>} : memref<2x32x1024xf32, #tpu.memory_space<vmem>>, vector<16xf32>,
        %mul3A_515 = arith.mulf %get3A_514, %gather3A : vector<16xf32>
        %swap3A_516 = arith.constant 0 : i32
        %swap3A_517 = arith.index_cast %swap3A_516 : i32 to index
        %swap3A_518 = arith.index_cast %scan3A_161 : i32 to index
        %swap3A_519 = arith.constant 496 : index
        %swap3A_520 = tpu.vector_load %arg8[%swap3A_517, %swap3A_518, %swap3A_519] {strides = array<i32>} : memref<2x32x1024xf32, #tpu.memory_space<vmem>>, vector<16xf32>,
        tpu.vector_store %arg8[%swap3A_517, %swap3A_518, %swap3A_519], %mul3A_515 {strides = array<i32>} : memref<2x32x1024xf32, #tpu.memory_space<vmem>>, vector<16xf32>,
        %get3A_521 = arith.constant 0 : i32
        %get3A_522 = arith.index_cast %get3A_521 : i32 to index
        %get3A_523 = arith.index_cast %scan3A_161 : i32 to index
        %get3A_524 = arith.constant 512 : index
        %get3A_525 = tpu.vector_load %arg8[%get3A_522, %get3A_523, %get3A_524] {strides = array<i32>} : memref<2x32x1024xf32, #tpu.memory_space<vmem>>, vector<16xf32>,
        %mul3A_526 = arith.mulf %get3A_525, %gather3A : vector<16xf32>
        %swap3A_527 = arith.constant 0 : i32
        %swap3A_528 = arith.index_cast %swap3A_527 : i32 to index
        %swap3A_529 = arith.index_cast %scan3A_161 : i32 to index
        %swap3A_530 = arith.constant 512 : index
        %swap3A_531 = tpu.vector_load %arg8[%swap3A_528, %swap3A_529, %swap3A_530] {strides = array<i32>} : memref<2x32x1024xf32, #tpu.memory_space<vmem>>, vector<16xf32>,
        tpu.vector_store %arg8[%swap3A_528, %swap3A_529, %swap3A_530], %mul3A_526 {strides = array<i32>} : memref<2x32x1024xf32, #tpu.memory_space<vmem>>, vector<16xf32>,
        %get3A_532 = arith.constant 0 : i32
        %get3A_533 = arith.index_cast %get3A_532 : i32 to index
        %get3A_534 = arith.index_cast %scan3A_161 : i32 to index
        %get3A_535 = arith.constant 528 : index
        %get3A_536 = tpu.vector_load %arg8[%get3A_533, %get3A_534, %get3A_535] {strides = array<i32>} : memref<2x32x1024xf32, #tpu.memory_space<vmem>>, vector<16xf32>,
        %mul3A_537 = arith.mulf %get3A_536, %gather3A : vector<16xf32>
        %swap3A_538 = arith.constant 0 : i32
        %swap3A_539 = arith.index_cast %swap3A_538 : i32 to index
        %swap3A_540 = arith.index_cast %scan3A_161 : i32 to index
        %swap3A_541 = arith.constant 528 : index
        %swap3A_542 = tpu.vector_load %arg8[%swap3A_539, %swap3A_540, %swap3A_541] {strides = array<i32>} : memref<2x32x1024xf32, #tpu.memory_space<vmem>>, vector<16xf32>,
        tpu.vector_store %arg8[%swap3A_539, %swap3A_540, %swap3A_541], %mul3A_537 {strides = array<i32>} : memref<2x32x1024xf32, #tpu.memory_space<vmem>>, vector<16xf32>,
        %get3A_543 = arith.constant 0 : i32
        %get3A_544 = arith.index_cast %get3A_543 : i32 to index
        %get3A_545 = arith.index_cast %scan3A_161 : i32 to index
        %get3A_546 = arith.constant 544 : index
        %get3A_547 = tpu.vector_load %arg8[%get3A_544, %get3A_545, %get3A_546] {strides = array<i32>} : memref<2x32x1024xf32, #tpu.memory_space<vmem>>, vector<16xf32>,
        %mul3A_548 = arith.mulf %get3A_547, %gather3A : vector<16xf32>
        %swap3A_549 = arith.constant 0 : i32
        %swap3A_550 = arith.index_cast %swap3A_549 : i32 to index
        %swap3A_551 = arith.index_cast %scan3A_161 : i32 to index
        %swap3A_552 = arith.constant 544 : index
        %swap3A_553 = tpu.vector_load %arg8[%swap3A_550, %swap3A_551, %swap3A_552] {strides = array<i32>} : memref<2x32x1024xf32, #tpu.memory_space<vmem>>, vector<16xf32>,
        tpu.vector_store %arg8[%swap3A_550, %swap3A_551, %swap3A_552], %mul3A_548 {strides = array<i32>} : memref<2x32x1024xf32, #tpu.memory_space<vmem>>, vector<16xf32>,
        %get3A_554 = arith.constant 0 : i32
        %get3A_555 = arith.index_cast %get3A_554 : i32 to index
        %get3A_556 = arith.index_cast %scan3A_161 : i32 to index
        %get3A_557 = arith.constant 560 : index
        %get3A_558 = tpu.vector_load %arg8[%get3A_555, %get3A_556, %get3A_557] {strides = array<i32>} : memref<2x32x1024xf32, #tpu.memory_space<vmem>>, vector<16xf32>,
        %mul3A_559 = arith.mulf %get3A_558, %gather3A : vector<16xf32>
        %swap3A_560 = arith.constant 0 : i32
        %swap3A_561 = arith.index_cast %swap3A_560 : i32 to index
        %swap3A_562 = arith.index_cast %scan3A_161 : i32 to index
        %swap3A_563 = arith.constant 560 : index
        %swap3A_564 = tpu.vector_load %arg8[%swap3A_561, %swap3A_562, %swap3A_563] {strides = array<i32>} : memref<2x32x1024xf32, #tpu.memory_space<vmem>>, vector<16xf32>,
        tpu.vector_store %arg8[%swap3A_561, %swap3A_562, %swap3A_563], %mul3A_559 {strides = array<i32>} : memref<2x32x1024xf32, #tpu.memory_space<vmem>>, vector<16xf32>,
        %get3A_565 = arith.constant 0 : i32
        %get3A_566 = arith.index_cast %get3A_565 : i32 to index
        %get3A_567 = arith.index_cast %scan3A_161 : i32 to index
        %get3A_568 = arith.constant 576 : index
        %get3A_569 = tpu.vector_load %arg8[%get3A_566, %get3A_567, %get3A_568] {strides = array<i32>} : memref<2x32x1024xf32, #tpu.memory_space<vmem>>, vector<16xf32>,
        %mul3A_570 = arith.mulf %get3A_569, %gather3A : vector<16xf32>
        %swap3A_571 = arith.constant 0 : i32
        %swap3A_572 = arith.index_cast %swap3A_571 : i32 to index
        %swap3A_573 = arith.index_cast %scan3A_161 : i32 to index
        %swap3A_574 = arith.constant 576 : index
        %swap3A_575 = tpu.vector_load %arg8[%swap3A_572, %swap3A_573, %swap3A_574] {strides = array<i32>} : memref<2x32x1024xf32, #tpu.memory_space<vmem>>, vector<16xf32>,
        tpu.vector_store %arg8[%swap3A_572, %swap3A_573, %swap3A_574], %mul3A_570 {strides = array<i32>} : memref<2x32x1024xf32, #tpu.memory_space<vmem>>, vector<16xf32>,
        %get3A_576 = arith.constant 0 : i32
        %get3A_577 = arith.index_cast %get3A_576 : i32 to index
        %get3A_578 = arith.index_cast %scan3A_161 : i32 to index
        %get3A_579 = arith.constant 592 : index
        %get3A_580 = tpu.vector_load %arg8[%get3A_577, %get3A_578, %get3A_579] {strides = array<i32>} : memref<2x32x1024xf32, #tpu.memory_space<vmem>>, vector<16xf32>,
        %mul3A_581 = arith.mulf %get3A_580, %gather3A : vector<16xf32>
        %swap3A_582 = arith.constant 0 : i32
        %swap3A_583 = arith.index_cast %swap3A_582 : i32 to index
        %swap3A_584 = arith.index_cast %scan3A_161 : i32 to index
        %swap3A_585 = arith.constant 592 : index
        %swap3A_586 = tpu.vector_load %arg8[%swap3A_583, %swap3A_584, %swap3A_585] {strides = array<i32>} : memref<2x32x1024xf32, #tpu.memory_space<vmem>>, vector<16xf32>,
        tpu.vector_store %arg8[%swap3A_583, %swap3A_584, %swap3A_585], %mul3A_581 {strides = array<i32>} : memref<2x32x1024xf32, #tpu.memory_space<vmem>>, vector<16xf32>,
        %get3A_587 = arith.constant 0 : i32
        %get3A_588 = arith.index_cast %get3A_587 : i32 to index
        %get3A_589 = arith.index_cast %scan3A_161 : i32 to index
        %get3A_590 = arith.constant 608 : index
        %get3A_591 = tpu.vector_load %arg8[%get3A_588, %get3A_589, %get3A_590] {strides = array<i32>} : memref<2x32x1024xf32, #tpu.memory_space<vmem>>, vector<16xf32>,
        %mul3A_592 = arith.mulf %get3A_591, %gather3A : vector<16xf32>
        %swap3A_593 = arith.constant 0 : i32
        %swap3A_594 = arith.index_cast %swap3A_593 : i32 to index
        %swap3A_595 = arith.index_cast %scan3A_161 : i32 to index
        %swap3A_596 = arith.constant 608 : index
        %swap3A_597 = tpu.vector_load %arg8[%swap3A_594, %swap3A_595, %swap3A_596] {strides = array<i32>} : memref<2x32x1024xf32, #tpu.memory_space<vmem>>, vector<16xf32>,
        tpu.vector_store %arg8[%swap3A_594, %swap3A_595, %swap3A_596], %mul3A_592 {strides = array<i32>} : memref<2x32x1024xf32, #tpu.memory_space<vmem>>, vector<16xf32>,
        %get3A_598 = arith.constant 0 : i32
        %get3A_599 = arith.index_cast %get3A_598 : i32 to index
        %get3A_600 = arith.index_cast %scan3A_161 : i32 to index
        %get3A_601 = arith.constant 624 : index
        %get3A_602 = tpu.vector_load %arg8[%get3A_599, %get3A_600, %get3A_601] {strides = array<i32>} : memref<2x32x1024xf32, #tpu.memory_space<vmem>>, vector<16xf32>,
        %mul3A_603 = arith.mulf %get3A_602, %gather3A : vector<16xf32>
        %swap3A_604 = arith.constant 0 : i32
        %swap3A_605 = arith.index_cast %swap3A_604 : i32 to index
        %swap3A_606 = arith.index_cast %scan3A_161 : i32 to index
        %swap3A_607 = arith.constant 624 : index
        %swap3A_608 = tpu.vector_load %arg8[%swap3A_605, %swap3A_606, %swap3A_607] {strides = array<i32>} : memref<2x32x1024xf32, #tpu.memory_space<vmem>>, vector<16xf32>,
        tpu.vector_store %arg8[%swap3A_605, %swap3A_606, %swap3A_607], %mul3A_603 {strides = array<i32>} : memref<2x32x1024xf32, #tpu.memory_space<vmem>>, vector<16xf32>,
        %get3A_609 = arith.constant 0 : i32
        %get3A_610 = arith.index_cast %get3A_609 : i32 to index
        %get3A_611 = arith.index_cast %scan3A_161 : i32 to index
        %get3A_612 = arith.constant 640 : index
        %get3A_613 = tpu.vector_load %arg8[%get3A_610, %get3A_611, %get3A_612] {strides = array<i32>} : memref<2x32x1024xf32, #tpu.memory_space<vmem>>, vector<16xf32>,
        %mul3A_614 = arith.mulf %get3A_613, %gather3A : vector<16xf32>
        %swap3A_615 = arith.constant 0 : i32
        %swap3A_616 = arith.index_cast %swap3A_615 : i32 to index
        %swap3A_617 = arith.index_cast %scan3A_161 : i32 to index
        %swap3A_618 = arith.constant 640 : index
        %swap3A_619 = tpu.vector_load %arg8[%swap3A_616, %swap3A_617, %swap3A_618] {strides = array<i32>} : memref<2x32x1024xf32, #tpu.memory_space<vmem>>, vector<16xf32>,
        tpu.vector_store %arg8[%swap3A_616, %swap3A_617, %swap3A_618], %mul3A_614 {strides = array<i32>} : memref<2x32x1024xf32, #tpu.memory_space<vmem>>, vector<16xf32>,
        %get3A_620 = arith.constant 0 : i32
        %get3A_621 = arith.index_cast %get3A_620 : i32 to index
        %get3A_622 = arith.index_cast %scan3A_161 : i32 to index
        %get3A_623 = arith.constant 656 : index
        %get3A_624 = tpu.vector_load %arg8[%get3A_621, %get3A_622, %get3A_623] {strides = array<i32>} : memref<2x32x1024xf32, #tpu.memory_space<vmem>>, vector<16xf32>,
        %mul3A_625 = arith.mulf %get3A_624, %gather3A : vector<16xf32>
        %swap3A_626 = arith.constant 0 : i32
        %swap3A_627 = arith.index_cast %swap3A_626 : i32 to index
        %swap3A_628 = arith.index_cast %scan3A_161 : i32 to index
        %swap3A_629 = arith.constant 656 : index
        %swap3A_630 = tpu.vector_load %arg8[%swap3A_627, %swap3A_628, %swap3A_629] {strides = array<i32>} : memref<2x32x1024xf32, #tpu.memory_space<vmem>>, vector<16xf32>,
        tpu.vector_store %arg8[%swap3A_627, %swap3A_628, %swap3A_629], %mul3A_625 {strides = array<i32>} : memref<2x32x1024xf32, #tpu.memory_space<vmem>>, vector<16xf32>,
        %get3A_631 = arith.constant 0 : i32
        %get3A_632 = arith.index_cast %get3A_631 : i32 to index
        %get3A_633 = arith.index_cast %scan3A_161 : i32 to index
        %get3A_634 = arith.constant 672 : index
        %get3A_635 = tpu.vector_load %arg8[%get3A_632, %get3A_633, %get3A_634] {strides = array<i32>} : memref<2x32x1024xf32, #tpu.memory_space<vmem>>, vector<16xf32>,
        %mul3A_636 = arith.mulf %get3A_635, %gather3A : vector<16xf32>
        %swap3A_637 = arith.constant 0 : i32
        %swap3A_638 = arith.index_cast %swap3A_637 : i32 to index
        %swap3A_639 = arith.index_cast %scan3A_161 : i32 to index
        %swap3A_640 = arith.constant 672 : index
        %swap3A_641 = tpu.vector_load %arg8[%swap3A_638, %swap3A_639, %swap3A_640] {strides = array<i32>} : memref<2x32x1024xf32, #tpu.memory_space<vmem>>, vector<16xf32>,
        tpu.vector_store %arg8[%swap3A_638, %swap3A_639, %swap3A_640], %mul3A_636 {strides = array<i32>} : memref<2x32x1024xf32, #tpu.memory_space<vmem>>, vector<16xf32>,
        %get3A_642 = arith.constant 0 : i32
        %get3A_643 = arith.index_cast %get3A_642 : i32 to index
        %get3A_644 = arith.index_cast %scan3A_161 : i32 to index
        %get3A_645 = arith.constant 688 : index
        %get3A_646 = tpu.vector_load %arg8[%get3A_643, %get3A_644, %get3A_645] {strides = array<i32>} : memref<2x32x1024xf32, #tpu.memory_space<vmem>>, vector<16xf32>,
        %mul3A_647 = arith.mulf %get3A_646, %gather3A : vector<16xf32>
        %swap3A_648 = arith.constant 0 : i32
        %swap3A_649 = arith.index_cast %swap3A_648 : i32 to index
        %swap3A_650 = arith.index_cast %scan3A_161 : i32 to index
        %swap3A_651 = arith.constant 688 : index
        %swap3A_652 = tpu.vector_load %arg8[%swap3A_649, %swap3A_650, %swap3A_651] {strides = array<i32>} : memref<2x32x1024xf32, #tpu.memory_space<vmem>>, vector<16xf32>,
        tpu.vector_store %arg8[%swap3A_649, %swap3A_650, %swap3A_651], %mul3A_647 {strides = array<i32>} : memref<2x32x1024xf32, #tpu.memory_space<vmem>>, vector<16xf32>,
        %get3A_653 = arith.constant 0 : i32
        %get3A_654 = arith.index_cast %get3A_653 : i32 to index
        %get3A_655 = arith.index_cast %scan3A_161 : i32 to index
        %get3A_656 = arith.constant 704 : index
        %get3A_657 = tpu.vector_load %arg8[%get3A_654, %get3A_655, %get3A_656] {strides = array<i32>} : memref<2x32x1024xf32, #tpu.memory_space<vmem>>, vector<16xf32>,
        %mul3A_658 = arith.mulf %get3A_657, %gather3A : vector<16xf32>
        %swap3A_659 = arith.constant 0 : i32
        %swap3A_660 = arith.index_cast %swap3A_659 : i32 to index
        %swap3A_661 = arith.index_cast %scan3A_161 : i32 to index
        %swap3A_662 = arith.constant 704 : index
        %swap3A_663 = tpu.vector_load %arg8[%swap3A_660, %swap3A_661, %swap3A_662] {strides = array<i32>} : memref<2x32x1024xf32, #tpu.memory_space<vmem>>, vector<16xf32>,
        tpu.vector_store %arg8[%swap3A_660, %swap3A_661, %swap3A_662], %mul3A_658 {strides = array<i32>} : memref<2x32x1024xf32, #tpu.memory_space<vmem>>, vector<16xf32>,
        %get3A_664 = arith.constant 0 : i32
        %get3A_665 = arith.index_cast %get3A_664 : i32 to index
        %get3A_666 = arith.index_cast %scan3A_161 : i32 to index
        %get3A_667 = arith.constant 720 : index
        %get3A_668 = tpu.vector_load %arg8[%get3A_665, %get3A_666, %get3A_667] {strides = array<i32>} : memref<2x32x1024xf32, #tpu.memory_space<vmem>>, vector<16xf32>,
        %mul3A_669 = arith.mulf %get3A_668, %gather3A : vector<16xf32>
        %swap3A_670 = arith.constant 0 : i32
        %swap3A_671 = arith.index_cast %swap3A_670 : i32 to index
        %swap3A_672 = arith.index_cast %scan3A_161 : i32 to index
        %swap3A_673 = arith.constant 720 : index
        %swap3A_674 = tpu.vector_load %arg8[%swap3A_671, %swap3A_672, %swap3A_673] {strides = array<i32>} : memref<2x32x1024xf32, #tpu.memory_space<vmem>>, vector<16xf32>,
        tpu.vector_store %arg8[%swap3A_671, %swap3A_672, %swap3A_673], %mul3A_669 {strides = array<i32>} : memref<2x32x1024xf32, #tpu.memory_space<vmem>>, vector<16xf32>,
        %get3A_675 = arith.constant 0 : i32
        %get3A_676 = arith.index_cast %get3A_675 : i32 to index
        %get3A_677 = arith.index_cast %scan3A_161 : i32 to index
        %get3A_678 = arith.constant 736 : index
        %get3A_679 = tpu.vector_load %arg8[%get3A_676, %get3A_677, %get3A_678] {strides = array<i32>} : memref<2x32x1024xf32, #tpu.memory_space<vmem>>, vector<16xf32>,
        %mul3A_680 = arith.mulf %get3A_679, %gather3A : vector<16xf32>
        %swap3A_681 = arith.constant 0 : i32
        %swap3A_682 = arith.index_cast %swap3A_681 : i32 to index
        %swap3A_683 = arith.index_cast %scan3A_161 : i32 to index
        %swap3A_684 = arith.constant 736 : index
        %swap3A_685 = tpu.vector_load %arg8[%swap3A_682, %swap3A_683, %swap3A_684] {strides = array<i32>} : memref<2x32x1024xf32, #tpu.memory_space<vmem>>, vector<16xf32>,
        tpu.vector_store %arg8[%swap3A_682, %swap3A_683, %swap3A_684], %mul3A_680 {strides = array<i32>} : memref<2x32x1024xf32, #tpu.memory_space<vmem>>, vector<16xf32>,
        %get3A_686 = arith.constant 0 : i32
        %get3A_687 = arith.index_cast %get3A_686 : i32 to index
        %get3A_688 = arith.index_cast %scan3A_161 : i32 to index
        %get3A_689 = arith.constant 752 : index
        %get3A_690 = tpu.vector_load %arg8[%get3A_687, %get3A_688, %get3A_689] {strides = array<i32>} : memref<2x32x1024xf32, #tpu.memory_space<vmem>>, vector<16xf32>,
        %mul3A_691 = arith.mulf %get3A_690, %gather3A : vector<16xf32>
        %swap3A_692 = arith.constant 0 : i32
        %swap3A_693 = arith.index_cast %swap3A_692 : i32 to index
        %swap3A_694 = arith.index_cast %scan3A_161 : i32 to index
        %swap3A_695 = arith.constant 752 : index
        %swap3A_696 = tpu.vector_load %arg8[%swap3A_693, %swap3A_694, %swap3A_695] {strides = array<i32>} : memref<2x32x1024xf32, #tpu.memory_space<vmem>>, vector<16xf32>,
        tpu.vector_store %arg8[%swap3A_693, %swap3A_694, %swap3A_695], %mul3A_691 {strides = array<i32>} : memref<2x32x1024xf32, #tpu.memory_space<vmem>>, vector<16xf32>,
        %get3A_697 = arith.constant 0 : i32
        %get3A_698 = arith.index_cast %get3A_697 : i32 to index
        %get3A_699 = arith.index_cast %scan3A_161 : i32 to index
        %get3A_700 = arith.constant 768 : index
        %get3A_701 = tpu.vector_load %arg8[%get3A_698, %get3A_699, %get3A_700] {strides = array<i32>} : memref<2x32x1024xf32, #tpu.memory_space<vmem>>, vector<16xf32>,
        %mul3A_702 = arith.mulf %get3A_701, %gather3A : vector<16xf32>
        %swap3A_703 = arith.constant 0 : i32
        %swap3A_704 = arith.index_cast %swap3A_703 : i32 to index
        %swap3A_705 = arith.index_cast %scan3A_161 : i32 to index
        %swap3A_706 = arith.constant 768 : index
        %swap3A_707 = tpu.vector_load %arg8[%swap3A_704, %swap3A_705, %swap3A_706] {strides = array<i32>} : memref<2x32x1024xf32, #tpu.memory_space<vmem>>, vector<16xf32>,
        tpu.vector_store %arg8[%swap3A_704, %swap3A_705, %swap3A_706], %mul3A_702 {strides = array<i32>} : memref<2x32x1024xf32, #tpu.memory_space<vmem>>, vector<16xf32>,
        %get3A_708 = arith.constant 0 : i32
        %get3A_709 = arith.index_cast %get3A_708 : i32 to index
        %get3A_710 = arith.index_cast %scan3A_161 : i32 to index
        %get3A_711 = arith.constant 784 : index
        %get3A_712 = tpu.vector_load %arg8[%get3A_709, %get3A_710, %get3A_711] {strides = array<i32>} : memref<2x32x1024xf32, #tpu.memory_space<vmem>>, vector<16xf32>,
        %mul3A_713 = arith.mulf %get3A_712, %gather3A : vector<16xf32>
        %swap3A_714 = arith.constant 0 : i32
        %swap3A_715 = arith.index_cast %swap3A_714 : i32 to index
        %swap3A_716 = arith.index_cast %scan3A_161 : i32 to index
        %swap3A_717 = arith.constant 784 : index
        %swap3A_718 = tpu.vector_load %arg8[%swap3A_715, %swap3A_716, %swap3A_717] {strides = array<i32>} : memref<2x32x1024xf32, #tpu.memory_space<vmem>>, vector<16xf32>,
        tpu.vector_store %arg8[%swap3A_715, %swap3A_716, %swap3A_717], %mul3A_713 {strides = array<i32>} : memref<2x32x1024xf32, #tpu.memory_space<vmem>>, vector<16xf32>,
        %get3A_719 = arith.constant 0 : i32
        %get3A_720 = arith.index_cast %get3A_719 : i32 to index
        %get3A_721 = arith.index_cast %scan3A_161 : i32 to index
        %get3A_722 = arith.constant 800 : index
        %get3A_723 = tpu.vector_load %arg8[%get3A_720, %get3A_721, %get3A_722] {strides = array<i32>} : memref<2x32x1024xf32, #tpu.memory_space<vmem>>, vector<16xf32>,
        %mul3A_724 = arith.mulf %get3A_723, %gather3A : vector<16xf32>
        %swap3A_725 = arith.constant 0 : i32
        %swap3A_726 = arith.index_cast %swap3A_725 : i32 to index
        %swap3A_727 = arith.index_cast %scan3A_161 : i32 to index
        %swap3A_728 = arith.constant 800 : index
        %swap3A_729 = tpu.vector_load %arg8[%swap3A_726, %swap3A_727, %swap3A_728] {strides = array<i32>} : memref<2x32x1024xf32, #tpu.memory_space<vmem>>, vector<16xf32>,
        tpu.vector_store %arg8[%swap3A_726, %swap3A_727, %swap3A_728], %mul3A_724 {strides = array<i32>} : memref<2x32x1024xf32, #tpu.memory_space<vmem>>, vector<16xf32>,
        %get3A_730 = arith.constant 0 : i32
        %get3A_731 = arith.index_cast %get3A_730 : i32 to index
        %get3A_732 = arith.index_cast %scan3A_161 : i32 to index
        %get3A_733 = arith.constant 816 : index
        %get3A_734 = tpu.vector_load %arg8[%get3A_731, %get3A_732, %get3A_733] {strides = array<i32>} : memref<2x32x1024xf32, #tpu.memory_space<vmem>>, vector<16xf32>,
        %mul3A_735 = arith.mulf %get3A_734, %gather3A : vector<16xf32>
        %swap3A_736 = arith.constant 0 : i32
        %swap3A_737 = arith.index_cast %swap3A_736 : i32 to index
        %swap3A_738 = arith.index_cast %scan3A_161 : i32 to index
        %swap3A_739 = arith.constant 816 : index
        %swap3A_740 = tpu.vector_load %arg8[%swap3A_737, %swap3A_738, %swap3A_739] {strides = array<i32>} : memref<2x32x1024xf32, #tpu.memory_space<vmem>>, vector<16xf32>,
        tpu.vector_store %arg8[%swap3A_737, %swap3A_738, %swap3A_739], %mul3A_735 {strides = array<i32>} : memref<2x32x1024xf32, #tpu.memory_space<vmem>>, vector<16xf32>,
        %get3A_741 = arith.constant 0 : i32
        %get3A_742 = arith.index_cast %get3A_741 : i32 to index
        %get3A_743 = arith.index_cast %scan3A_161 : i32 to index
        %get3A_744 = arith.constant 832 : index
        %get3A_745 = tpu.vector_load %arg8[%get3A_742, %get3A_743, %get3A_744] {strides = array<i32>} : memref<2x32x1024xf32, #tpu.memory_space<vmem>>, vector<16xf32>,
        %mul3A_746 = arith.mulf %get3A_745, %gather3A : vector<16xf32>
        %swap3A_747 = arith.constant 0 : i32
        %swap3A_748 = arith.index_cast %swap3A_747 : i32 to index
        %swap3A_749 = arith.index_cast %scan3A_161 : i32 to index
        %swap3A_750 = arith.constant 832 : index
        %swap3A_751 = tpu.vector_load %arg8[%swap3A_748, %swap3A_749, %swap3A_750] {strides = array<i32>} : memref<2x32x1024xf32, #tpu.memory_space<vmem>>, vector<16xf32>,
        tpu.vector_store %arg8[%swap3A_748, %swap3A_749, %swap3A_750], %mul3A_746 {strides = array<i32>} : memref<2x32x1024xf32, #tpu.memory_space<vmem>>, vector<16xf32>,
        %get3A_752 = arith.constant 0 : i32
        %get3A_753 = arith.index_cast %get3A_752 : i32 to index
        %get3A_754 = arith.index_cast %scan3A_161 : i32 to index
        %get3A_755 = arith.constant 848 : index
        %get3A_756 = tpu.vector_load %arg8[%get3A_753, %get3A_754, %get3A_755] {strides = array<i32>} : memref<2x32x1024xf32, #tpu.memory_space<vmem>>, vector<16xf32>,
        %mul3A_757 = arith.mulf %get3A_756, %gather3A : vector<16xf32>
        %swap3A_758 = arith.constant 0 : i32
        %swap3A_759 = arith.index_cast %swap3A_758 : i32 to index
        %swap3A_760 = arith.index_cast %scan3A_161 : i32 to index
        %swap3A_761 = arith.constant 848 : index
        %swap3A_762 = tpu.vector_load %arg8[%swap3A_759, %swap3A_760, %swap3A_761] {strides = array<i32>} : memref<2x32x1024xf32, #tpu.memory_space<vmem>>, vector<16xf32>,
        tpu.vector_store %arg8[%swap3A_759, %swap3A_760, %swap3A_761], %mul3A_757 {strides = array<i32>} : memref<2x32x1024xf32, #tpu.memory_space<vmem>>, vector<16xf32>,
        %get3A_763 = arith.constant 0 : i32
        %get3A_764 = arith.index_cast %get3A_763 : i32 to index
        %get3A_765 = arith.index_cast %scan3A_161 : i32 to index
        %get3A_766 = arith.constant 864 : index
        %get3A_767 = tpu.vector_load %arg8[%get3A_764, %get3A_765, %get3A_766] {strides = array<i32>} : memref<2x32x1024xf32, #tpu.memory_space<vmem>>, vector<16xf32>,
        %mul3A_768 = arith.mulf %get3A_767, %gather3A : vector<16xf32>
        %swap3A_769 = arith.constant 0 : i32
        %swap3A_770 = arith.index_cast %swap3A_769 : i32 to index
        %swap3A_771 = arith.index_cast %scan3A_161 : i32 to index
        %swap3A_772 = arith.constant 864 : index
        %swap3A_773 = tpu.vector_load %arg8[%swap3A_770, %swap3A_771, %swap3A_772] {strides = array<i32>} : memref<2x32x1024xf32, #tpu.memory_space<vmem>>, vector<16xf32>,
        tpu.vector_store %arg8[%swap3A_770, %swap3A_771, %swap3A_772], %mul3A_768 {strides = array<i32>} : memref<2x32x1024xf32, #tpu.memory_space<vmem>>, vector<16xf32>,
        %get3A_774 = arith.constant 0 : i32
        %get3A_775 = arith.index_cast %get3A_774 : i32 to index
        %get3A_776 = arith.index_cast %scan3A_161 : i32 to index
        %get3A_777 = arith.constant 880 : index
        %get3A_778 = tpu.vector_load %arg8[%get3A_775, %get3A_776, %get3A_777] {strides = array<i32>} : memref<2x32x1024xf32, #tpu.memory_space<vmem>>, vector<16xf32>,
        %mul3A_779 = arith.mulf %get3A_778, %gather3A : vector<16xf32>
        %swap3A_780 = arith.constant 0 : i32
        %swap3A_781 = arith.index_cast %swap3A_780 : i32 to index
        %swap3A_782 = arith.index_cast %scan3A_161 : i32 to index
        %swap3A_783 = arith.constant 880 : index
        %swap3A_784 = tpu.vector_load %arg8[%swap3A_781, %swap3A_782, %swap3A_783] {strides = array<i32>} : memref<2x32x1024xf32, #tpu.memory_space<vmem>>, vector<16xf32>,
        tpu.vector_store %arg8[%swap3A_781, %swap3A_782, %swap3A_783], %mul3A_779 {strides = array<i32>} : memref<2x32x1024xf32, #tpu.memory_space<vmem>>, vector<16xf32>,
        %get3A_785 = arith.constant 0 : i32
        %get3A_786 = arith.index_cast %get3A_785 : i32 to index
        %get3A_787 = arith.index_cast %scan3A_161 : i32 to index
        %get3A_788 = arith.constant 896 : index
        %get3A_789 = tpu.vector_load %arg8[%get3A_786, %get3A_787, %get3A_788] {strides = array<i32>} : memref<2x32x1024xf32, #tpu.memory_space<vmem>>, vector<16xf32>,
        %mul3A_790 = arith.mulf %get3A_789, %gather3A : vector<16xf32>
        %swap3A_791 = arith.constant 0 : i32
        %swap3A_792 = arith.index_cast %swap3A_791 : i32 to index
        %swap3A_793 = arith.index_cast %scan3A_161 : i32 to index
        %swap3A_794 = arith.constant 896 : index
        %swap3A_795 = tpu.vector_load %arg8[%swap3A_792, %swap3A_793, %swap3A_794] {strides = array<i32>} : memref<2x32x1024xf32, #tpu.memory_space<vmem>>, vector<16xf32>,
        tpu.vector_store %arg8[%swap3A_792, %swap3A_793, %swap3A_794], %mul3A_790 {strides = array<i32>} : memref<2x32x1024xf32, #tpu.memory_space<vmem>>, vector<16xf32>,
        %get3A_796 = arith.constant 0 : i32
        %get3A_797 = arith.index_cast %get3A_796 : i32 to index
        %get3A_798 = arith.index_cast %scan3A_161 : i32 to index
        %get3A_799 = arith.constant 912 : index
        %get3A_800 = tpu.vector_load %arg8[%get3A_797, %get3A_798, %get3A_799] {strides = array<i32>} : memref<2x32x1024xf32, #tpu.memory_space<vmem>>, vector<16xf32>,
        %mul3A_801 = arith.mulf %get3A_800, %gather3A : vector<16xf32>
        %swap3A_802 = arith.constant 0 : i32
        %swap3A_803 = arith.index_cast %swap3A_802 : i32 to index
        %swap3A_804 = arith.index_cast %scan3A_161 : i32 to index
        %swap3A_805 = arith.constant 912 : index
        %swap3A_806 = tpu.vector_load %arg8[%swap3A_803, %swap3A_804, %swap3A_805] {strides = array<i32>} : memref<2x32x1024xf32, #tpu.memory_space<vmem>>, vector<16xf32>,
        tpu.vector_store %arg8[%swap3A_803, %swap3A_804, %swap3A_805], %mul3A_801 {strides = array<i32>} : memref<2x32x1024xf32, #tpu.memory_space<vmem>>, vector<16xf32>,
        %get3A_807 = arith.constant 0 : i32
        %get3A_808 = arith.index_cast %get3A_807 : i32 to index
        %get3A_809 = arith.index_cast %scan3A_161 : i32 to index
        %get3A_810 = arith.constant 928 : index
        %get3A_811 = tpu.vector_load %arg8[%get3A_808, %get3A_809, %get3A_810] {strides = array<i32>} : memref<2x32x1024xf32, #tpu.memory_space<vmem>>, vector<16xf32>,
        %mul3A_812 = arith.mulf %get3A_811, %gather3A : vector<16xf32>
        %swap3A_813 = arith.constant 0 : i32
        %swap3A_814 = arith.index_cast %swap3A_813 : i32 to index
        %swap3A_815 = arith.index_cast %scan3A_161 : i32 to index
        %swap3A_816 = arith.constant 928 : index
        %swap3A_817 = tpu.vector_load %arg8[%swap3A_814, %swap3A_815, %swap3A_816] {strides = array<i32>} : memref<2x32x1024xf32, #tpu.memory_space<vmem>>, vector<16xf32>,
        tpu.vector_store %arg8[%swap3A_814, %swap3A_815, %swap3A_816], %mul3A_812 {strides = array<i32>} : memref<2x32x1024xf32, #tpu.memory_space<vmem>>, vector<16xf32>,
        %get3A_818 = arith.constant 0 : i32
        %get3A_819 = arith.index_cast %get3A_818 : i32 to index
        %get3A_820 = arith.index_cast %scan3A_161 : i32 to index
        %get3A_821 = arith.constant 944 : index
        %get3A_822 = tpu.vector_load %arg8[%get3A_819, %get3A_820, %get3A_821] {strides = array<i32>} : memref<2x32x1024xf32, #tpu.memory_space<vmem>>, vector<16xf32>,
        %mul3A_823 = arith.mulf %get3A_822, %gather3A : vector<16xf32>
        %swap3A_824 = arith.constant 0 : i32
        %swap3A_825 = arith.index_cast %swap3A_824 : i32 to index
        %swap3A_826 = arith.index_cast %scan3A_161 : i32 to index
        %swap3A_827 = arith.constant 944 : index
        %swap3A_828 = tpu.vector_load %arg8[%swap3A_825, %swap3A_826, %swap3A_827] {strides = array<i32>} : memref<2x32x1024xf32, #tpu.memory_space<vmem>>, vector<16xf32>,
        tpu.vector_store %arg8[%swap3A_825, %swap3A_826, %swap3A_827], %mul3A_823 {strides = array<i32>} : memref<2x32x1024xf32, #tpu.memory_space<vmem>>, vector<16xf32>,
        %get3A_829 = arith.constant 0 : i32
        %get3A_830 = arith.index_cast %get3A_829 : i32 to index
        %get3A_831 = arith.index_cast %scan3A_161 : i32 to index
        %get3A_832 = arith.constant 960 : index
        %get3A_833 = tpu.vector_load %arg8[%get3A_830, %get3A_831, %get3A_832] {strides = array<i32>} : memref<2x32x1024xf32, #tpu.memory_space<vmem>>, vector<16xf32>,
        %mul3A_834 = arith.mulf %get3A_833, %gather3A : vector<16xf32>
        %swap3A_835 = arith.constant 0 : i32
        %swap3A_836 = arith.index_cast %swap3A_835 : i32 to index
        %swap3A_837 = arith.index_cast %scan3A_161 : i32 to index
        %swap3A_838 = arith.constant 960 : index
        %swap3A_839 = tpu.vector_load %arg8[%swap3A_836, %swap3A_837, %swap3A_838] {strides = array<i32>} : memref<2x32x1024xf32, #tpu.memory_space<vmem>>, vector<16xf32>,
        tpu.vector_store %arg8[%swap3A_836, %swap3A_837, %swap3A_838], %mul3A_834 {strides = array<i32>} : memref<2x32x1024xf32, #tpu.memory_space<vmem>>, vector<16xf32>,
        %get3A_840 = arith.constant 0 : i32
        %get3A_841 = arith.index_cast %get3A_840 : i32 to index
        %get3A_842 = arith.index_cast %scan3A_161 : i32 to index
        %get3A_843 = arith.constant 976 : index
        %get3A_844 = tpu.vector_load %arg8[%get3A_841, %get3A_842, %get3A_843] {strides = array<i32>} : memref<2x32x1024xf32, #tpu.memory_space<vmem>>, vector<16xf32>,
        %mul3A_845 = arith.mulf %get3A_844, %gather3A : vector<16xf32>
        %swap3A_846 = arith.constant 0 : i32
        %swap3A_847 = arith.index_cast %swap3A_846 : i32 to index
        %swap3A_848 = arith.index_cast %scan3A_161 : i32 to index
        %swap3A_849 = arith.constant 976 : index
        %swap3A_850 = tpu.vector_load %arg8[%swap3A_847, %swap3A_848, %swap3A_849] {strides = array<i32>} : memref<2x32x1024xf32, #tpu.memory_space<vmem>>, vector<16xf32>,
        tpu.vector_store %arg8[%swap3A_847, %swap3A_848, %swap3A_849], %mul3A_845 {strides = array<i32>} : memref<2x32x1024xf32, #tpu.memory_space<vmem>>, vector<16xf32>,
        %get3A_851 = arith.constant 0 : i32
        %get3A_852 = arith.index_cast %get3A_851 : i32 to index
        %get3A_853 = arith.index_cast %scan3A_161 : i32 to index
        %get3A_854 = arith.constant 992 : index
        %get3A_855 = tpu.vector_load %arg8[%get3A_852, %get3A_853, %get3A_854] {strides = array<i32>} : memref<2x32x1024xf32, #tpu.memory_space<vmem>>, vector<16xf32>,
        %mul3A_856 = arith.mulf %get3A_855, %gather3A : vector<16xf32>
        %swap3A_857 = arith.constant 0 : i32
        %swap3A_858 = arith.index_cast %swap3A_857 : i32 to index
        %swap3A_859 = arith.index_cast %scan3A_161 : i32 to index
        %swap3A_860 = arith.constant 992 : index
        %swap3A_861 = tpu.vector_load %arg8[%swap3A_858, %swap3A_859, %swap3A_860] {strides = array<i32>} : memref<2x32x1024xf32, #tpu.memory_space<vmem>>, vector<16xf32>,
        tpu.vector_store %arg8[%swap3A_858, %swap3A_859, %swap3A_860], %mul3A_856 {strides = array<i32>} : memref<2x32x1024xf32, #tpu.memory_space<vmem>>, vector<16xf32>,
        %get3A_862 = arith.constant 0 : i32
        %get3A_863 = arith.index_cast %get3A_862 : i32 to index
        %get3A_864 = arith.index_cast %scan3A_161 : i32 to index
        %get3A_865 = arith.constant 1008 : index
        %get3A_866 = tpu.vector_load %arg8[%get3A_863, %get3A_864, %get3A_865] {strides = array<i32>} : memref<2x32x1024xf32, #tpu.memory_space<vmem>>, vector<16xf32>,
        %mul3A_867 = arith.mulf %get3A_866, %gather3A : vector<16xf32>
        %swap3A_868 = arith.constant 0 : i32
        %swap3A_869 = arith.index_cast %swap3A_868 : i32 to index
        %swap3A_870 = arith.index_cast %scan3A_161 : i32 to index
        %swap3A_871 = arith.constant 1008 : index
        %swap3A_872 = tpu.vector_load %arg8[%swap3A_869, %swap3A_870, %swap3A_871] {strides = array<i32>} : memref<2x32x1024xf32, #tpu.memory_space<vmem>>, vector<16xf32>,
        tpu.vector_store %arg8[%swap3A_869, %swap3A_870, %swap3A_871], %mul3A_867 {strides = array<i32>} : memref<2x32x1024xf32, #tpu.memory_space<vmem>>, vector<16xf32>,
      }
      %scan3A_92 = arith.constant 32 : i32
      %mul3A_93 = arith.constant 512 : i32
      %mul3A_94 = arith.muli %add3A, %mul3A_93 : i32
      %mul3A_95 = arith.constant 32 : i32
      %mul3A_96 = arith.muli %add3A_75, %mul3A_95 : i32
      %add3A_97 = arith.addi %mul3A_94, %mul3A_96 : i32
      %dma_start3A_98 = arith.constant 0 : i32
      %dma_start3A_99 = arith.constant 0 : i32
      %dma_start3A_100 = arith.constant 0 : i32
      %dma_start3A_101 = tpu.memref_slice %arg8[%dma_start3A_98, %dma_start3A_99, %dma_start3A_100] : memref<2x32x1024xf32, #tpu.memory_space<vmem>> -> memref<1x32x1024xf32, #tpu.memory_space<vmem>>
      %dma_start3A_102 = tpu.memref_squeeze %dma_start3A_101 : memref<1x32x1024xf32, #tpu.memory_space<vmem>> -> memref<32x1024xf32, #tpu.memory_space<vmem>>
      %dma_start3A_103 = arith.constant 0 : i32
      %dma_start3A_104 = tpu.memref_slice %arg4[%add3A_97, %dma_start3A_103] : memref<16384x1024xf32, #tpu.memory_space<hbm>> -> memref<32x1024xf32, #tpu.memory_space<hbm>>
      %dma_start3A_105 = arith.constant 0 : i32
      %dma_start3A_106 = tpu.memref_slice %arg4[%add3A_97, %dma_start3A_105] : memref<16384x1024xf32, #tpu.memory_space<hbm>> -> memref<32x1024xf32, #tpu.memory_space<hbm>>
      %dma_start3A_107 = arith.constant 0 : i32
      %dma_start3A_108 = arith.constant 0 : i32
      %dma_start3A_109 = tpu.memref_slice %arg8[%dma_start3A_98, %dma_start3A_107, %dma_start3A_108] : memref<2x32x1024xf32, #tpu.memory_space<vmem>> -> memref<1x32x1024xf32, #tpu.memory_space<vmem>>
      %dma_start3A_110 = tpu.memref_squeeze %dma_start3A_109 : memref<1x32x1024xf32, #tpu.memory_space<vmem>> -> memref<32x1024xf32, #tpu.memory_space<vmem>>
      tpu.enqueue_dma source(%dma_start3A_110 : memref<32x1024xf32, #tpu.memory_space<vmem>>) target(%dma_start3A_106 : memref<32x1024xf32, #tpu.memory_space<hbm>>) target_semaphore(%arg11 : memref<!tpu.dma_semaphore, #tpu.memory_space<semaphore_mem>>)
      %add3A_111 = arith.constant 1 : i32
      %add3A_112 = arith.addi %add3A_75, %add3A_111 : i32
      %lt3A = arith.constant 16 : i32
      %lt3A_113 = arith.cmpi slt, %add3A_112, %lt3A : i32
      %convert_element_type3A = arith.extui %lt3A_113 : i1 to i32
      %cond3A = arith.constant 0 : i32
      %cond3A_114 = arith.cmpi ne, %convert_element_type3A, %cond3A : i32
      scf.if %cond3A_114 {
        %add3A_161 = arith.constant 1 : i32
        %add3A_162 = arith.addi %add3A_75, %add3A_161 : i32
        %sub3A = arith.constant 2 : i32
        %sub3A_163 = arith.subi %add3A_162, %sub3A : i32
        %ge3A = arith.constant 0 : i32
        %ge3A_164 = arith.cmpi sge, %sub3A_163, %ge3A : i32
        %convert_element_type3A_165 = arith.extui %ge3A_164 : i1 to i32
        %cond3A_166 = arith.constant 0 : i32
        %cond3A_167 = arith.cmpi ne, %convert_element_type3A_165, %cond3A_166 : i32
        scf.if %cond3A_167 {
          %add3A_181 = arith.constant 1 : i32
          %add3A_182 = arith.addi %add3A_75, %add3A_181 : i32
          %sub3A_183 = arith.constant 2 : i32
          %sub3A_184 = arith.subi %add3A_182, %sub3A_183 : i32
          %mul3A_185 = arith.constant 512 : i32
          %mul3A_186 = arith.muli %add3A, %mul3A_185 : i32
          %mul3A_187 = arith.constant 32 : i32
          %mul3A_188 = arith.muli %sub3A_184, %mul3A_187 : i32
          %add3A_189 = arith.addi %mul3A_186, %mul3A_188 : i32
          %dma_wait3A_190 = arith.constant 1 : i32
          %dma_wait3A_191 = arith.constant 0 : i32
          %dma_wait3A_192 = arith.constant 0 : i32
          %dma_wait3A_193 = tpu.memref_slice %arg8[%dma_wait3A_190, %dma_wait3A_191, %dma_wait3A_192] : memref<2x32x1024xf32, #tpu.memory_space<vmem>> -> memref<1x32x1024xf32, #tpu.memory_space<vmem>>
          %dma_wait3A_194 = tpu.memref_squeeze %dma_wait3A_193 : memref<1x32x1024xf32, #tpu.memory_space<vmem>> -> memref<32x1024xf32, #tpu.memory_space<vmem>>
          %dma_wait3A_195 = arith.constant 0 : i32
          %dma_wait3A_196 = tpu.memref_slice %arg4[%add3A_189, %dma_wait3A_195] : memref<16384x1024xf32, #tpu.memory_space<hbm>> -> memref<32x1024xf32, #tpu.memory_space<hbm>>
          %dma_wait3A_197 = arith.constant 0 : i32
          %dma_wait3A_198 = tpu.memref_slice %arg4[%add3A_189, %dma_wait3A_197] : memref<16384x1024xf32, #tpu.memory_space<hbm>> -> memref<32x1024xf32, #tpu.memory_space<hbm>>
          %dma_wait3A_199 = arith.constant 0 : i32
          %dma_wait3A_200 = arith.constant 0 : i32
          %dma_wait3A_201 = tpu.memref_slice %arg8[%dma_wait3A_190, %dma_wait3A_199, %dma_wait3A_200] : memref<2x32x1024xf32, #tpu.memory_space<vmem>> -> memref<1x32x1024xf32, #tpu.memory_space<vmem>>
          %dma_wait3A_202 = tpu.memref_squeeze %dma_wait3A_201 : memref<1x32x1024xf32, #tpu.memory_space<vmem>> -> memref<32x1024xf32, #tpu.memory_space<vmem>>
          tpu.wait_dma2 semaphore(%arg12 : memref<!tpu.dma_semaphore, #tpu.memory_space<semaphore_mem>>) src(%dma_wait3A_202 : memref<32x1024xf32, #tpu.memory_space<vmem>>) dst(%dma_wait3A_198 : memref<32x1024xf32, #tpu.memory_space<hbm>>)
        } else {
        }
        %add3A_168 = arith.constant 1 : i32
        %add3A_169 = arith.addi %add3A_75, %add3A_168 : i32
        %mul3A_170 = arith.constant 32 : i32
        %mul3A_171 = arith.muli %add3A_169, %mul3A_170 : i32
        %dma_start3A_172 = arith.constant 1 : i32
        %dma_start3A_173 = arith.constant 0 : i32
        %dma_start3A_174 = arith.constant 0 : i32
        %dma_start3A_175 = tpu.memref_slice %arg8[%dma_start3A_172, %dma_start3A_173, %dma_start3A_174] : memref<2x32x1024xf32, #tpu.memory_space<vmem>> -> memref<1x32x1024xf32, #tpu.memory_space<vmem>>
        %dma_start3A_176 = tpu.memref_squeeze %dma_start3A_175 : memref<1x32x1024xf32, #tpu.memory_space<vmem>> -> memref<32x1024xf32, #tpu.memory_space<vmem>>
        %dma_start3A_177 = tpu.memref_slice %arg6[%mul3A_171] : memref<512xi32, #tpu.memory_space<vmem>> -> memref<32xi32, #tpu.memory_space<vmem>>
        %dma_start3A_178 = arith.constant 0 : i32
        %dma_start3A_179 = arith.constant 0 : i32
        %dma_start3A_180 = tpu.memref_slice %arg2[%dma_start3A_178, %dma_start3A_179] : memref<16384x1024xf32, #tpu.memory_space<hbm>> -> memref<16384x1024xf32, #tpu.memory_space<hbm>>
        tpu.enqueue_indirect_dma source(%dma_start3A_180 : memref<16384x1024xf32, #tpu.memory_space<hbm>>) target(%dma_start3A_176 : memref<32x1024xf32, #tpu.memory_space<vmem>>) offsets(%dma_start3A_177 : memref<32xi32, #tpu.memory_space<vmem>>) semaphore(%arg10 : memref<!tpu.dma_semaphore, #tpu.memory_space<semaphore_mem>>)
      } else {
      }
      %mul3A_115 = arith.constant 2 : i32
      %mul3A_116 = arith.muli %scan3A_71, %mul3A_115 : i32
      %add3A_117 = arith.constant 1 : i32
      %add3A_118 = arith.addi %mul3A_116, %add3A_117 : i32
      %mul3A_119 = arith.constant 32 : i32
      %mul3A_120 = arith.muli %add3A_118, %mul3A_119 : i32
      %dma_wait3A_121 = arith.constant 1 : i32
      %dma_wait3A_122 = arith.constant 0 : i32
      %dma_wait3A_123 = arith.constant 0 : i32
      %dma_wait3A_124 = tpu.memref_slice %arg8[%dma_wait3A_121, %dma_wait3A_122, %dma_wait3A_123] : memref<2x32x1024xf32, #tpu.memory_space<vmem>> -> memref<1x32x1024xf32, #tpu.memory_space<vmem>>
      %dma_wait3A_125 = tpu.memref_squeeze %dma_wait3A_124 : memref<1x32x1024xf32, #tpu.memory_space<vmem>> -> memref<32x1024xf32, #tpu.memory_space<vmem>>
      %dma_wait3A_126 = tpu.memref_slice %arg6[%mul3A_120] : memref<512xi32, #tpu.memory_space<vmem>> -> memref<32xi32, #tpu.memory_space<vmem>>
      %dma_wait3A_127 = arith.constant 0 : i32
      %dma_wait3A_128 = arith.constant 0 : i32
      %dma_wait3A_129 = tpu.memref_slice %arg2[%dma_wait3A_127, %dma_wait3A_128] : memref<16384x1024xf32, #tpu.memory_space<hbm>> -> memref<16384x1024xf32, #tpu.memory_space<hbm>>
      tpu.wait_indirect_dma semaphore(%arg10 : memref<!tpu.dma_semaphore, #tpu.memory_space<semaphore_mem>>) src(%dma_wait3A_129 : memref<16384x1024xf32, #tpu.memory_space<hbm>>) dst(%dma_wait3A_125 : memref<32x1024xf32, #tpu.memory_space<vmem>>)
      %scan3A_130 = arith.constant 0 : i32
      %scan3A_131 = arith.constant 0 : i32
      %scan3A_132 = arith.constant 32 : i32
      %scan3A_133 = arith.addi %scan3A_131, %scan3A_132 : i32
      %scan3A_134 = arith.constant 1 : i32
      scf.for %scan3A_161 = %scan3A_131 to %scan3A_133 step %scan3A_134  : i32 {
        %mul3A_162 = arith.constant 0 : i32
        %mul3A_163 = vector.broadcast %mul3A_162 : i32 to vector<16xi32>
        %mul3A_164 = arith.muli %iota3A, %mul3A_163 : vector<16xi32>
        %mul3A_165 = arith.constant 32 : i32
        %mul3A_166 = arith.muli %add3A_118, %mul3A_165 : i32
        %add3A_167 = arith.addi %mul3A_166, %scan3A_161 : i32
        %add3A_168 = vector.broadcast %add3A_167 : i32 to vector<16xi32>
        %add3A_169 = arith.addi %mul3A_164, %add3A_168 : vector<16xi32>
        %gather3A = tpu.vector_load_idx %arg7[%add3A_169] : memref<512xf32, #tpu.memory_space<vmem>>[vector<16xi32>], vector<16xf32>,
        %get3A = arith.constant 1 : i32
        %get3A_170 = arith.index_cast %get3A : i32 to index
        %get3A_171 = arith.index_cast %scan3A_161 : i32 to index
        %get3A_172 = arith.constant 0 : index
        %get3A_173 = tpu.vector_load %arg8[%get3A_170, %get3A_171, %get3A_172] {strides = array<i32>} : memref<2x32x1024xf32, #tpu.memory_space<vmem>>, vector<16xf32>,
        %mul3A_174 = arith.mulf %get3A_173, %gather3A : vector<16xf32>
        %swap3A_175 = arith.constant 1 : i32
        %swap3A_176 = arith.index_cast %swap3A_175 : i32 to index
        %swap3A_177 = arith.index_cast %scan3A_161 : i32 to index
        %swap3A_178 = arith.constant 0 : index
        %swap3A_179 = tpu.vector_load %arg8[%swap3A_176, %swap3A_177, %swap3A_178] {strides = array<i32>} : memref<2x32x1024xf32, #tpu.memory_space<vmem>>, vector<16xf32>,
        tpu.vector_store %arg8[%swap3A_176, %swap3A_177, %swap3A_178], %mul3A_174 {strides = array<i32>} : memref<2x32x1024xf32, #tpu.memory_space<vmem>>, vector<16xf32>,
        %get3A_180 = arith.constant 1 : i32
        %get3A_181 = arith.index_cast %get3A_180 : i32 to index
        %get3A_182 = arith.index_cast %scan3A_161 : i32 to index
        %get3A_183 = arith.constant 16 : index
        %get3A_184 = tpu.vector_load %arg8[%get3A_181, %get3A_182, %get3A_183] {strides = array<i32>} : memref<2x32x1024xf32, #tpu.memory_space<vmem>>, vector<16xf32>,
        %mul3A_185 = arith.mulf %get3A_184, %gather3A : vector<16xf32>
        %swap3A_186 = arith.constant 1 : i32
        %swap3A_187 = arith.index_cast %swap3A_186 : i32 to index
        %swap3A_188 = arith.index_cast %scan3A_161 : i32 to index
        %swap3A_189 = arith.constant 16 : index
        %swap3A_190 = tpu.vector_load %arg8[%swap3A_187, %swap3A_188, %swap3A_189] {strides = array<i32>} : memref<2x32x1024xf32, #tpu.memory_space<vmem>>, vector<16xf32>,
        tpu.vector_store %arg8[%swap3A_187, %swap3A_188, %swap3A_189], %mul3A_185 {strides = array<i32>} : memref<2x32x1024xf32, #tpu.memory_space<vmem>>, vector<16xf32>,
        %get3A_191 = arith.constant 1 : i32
        %get3A_192 = arith.index_cast %get3A_191 : i32 to index
        %get3A_193 = arith.index_cast %scan3A_161 : i32 to index
        %get3A_194 = arith.constant 32 : index
        %get3A_195 = tpu.vector_load %arg8[%get3A_192, %get3A_193, %get3A_194] {strides = array<i32>} : memref<2x32x1024xf32, #tpu.memory_space<vmem>>, vector<16xf32>,
        %mul3A_196 = arith.mulf %get3A_195, %gather3A : vector<16xf32>
        %swap3A_197 = arith.constant 1 : i32
        %swap3A_198 = arith.index_cast %swap3A_197 : i32 to index
        %swap3A_199 = arith.index_cast %scan3A_161 : i32 to index
        %swap3A_200 = arith.constant 32 : index
        %swap3A_201 = tpu.vector_load %arg8[%swap3A_198, %swap3A_199, %swap3A_200] {strides = array<i32>} : memref<2x32x1024xf32, #tpu.memory_space<vmem>>, vector<16xf32>,
        tpu.vector_store %arg8[%swap3A_198, %swap3A_199, %swap3A_200], %mul3A_196 {strides = array<i32>} : memref<2x32x1024xf32, #tpu.memory_space<vmem>>, vector<16xf32>,
        %get3A_202 = arith.constant 1 : i32
        %get3A_203 = arith.index_cast %get3A_202 : i32 to index
        %get3A_204 = arith.index_cast %scan3A_161 : i32 to index
        %get3A_205 = arith.constant 48 : index
        %get3A_206 = tpu.vector_load %arg8[%get3A_203, %get3A_204, %get3A_205] {strides = array<i32>} : memref<2x32x1024xf32, #tpu.memory_space<vmem>>, vector<16xf32>,
        %mul3A_207 = arith.mulf %get3A_206, %gather3A : vector<16xf32>
        %swap3A_208 = arith.constant 1 : i32
        %swap3A_209 = arith.index_cast %swap3A_208 : i32 to index
        %swap3A_210 = arith.index_cast %scan3A_161 : i32 to index
        %swap3A_211 = arith.constant 48 : index
        %swap3A_212 = tpu.vector_load %arg8[%swap3A_209, %swap3A_210, %swap3A_211] {strides = array<i32>} : memref<2x32x1024xf32, #tpu.memory_space<vmem>>, vector<16xf32>,
        tpu.vector_store %arg8[%swap3A_209, %swap3A_210, %swap3A_211], %mul3A_207 {strides = array<i32>} : memref<2x32x1024xf32, #tpu.memory_space<vmem>>, vector<16xf32>,
        %get3A_213 = arith.constant 1 : i32
        %get3A_214 = arith.index_cast %get3A_213 : i32 to index
        %get3A_215 = arith.index_cast %scan3A_161 : i32 to index
        %get3A_216 = arith.constant 64 : index
        %get3A_217 = tpu.vector_load %arg8[%get3A_214, %get3A_215, %get3A_216] {strides = array<i32>} : memref<2x32x1024xf32, #tpu.memory_space<vmem>>, vector<16xf32>,
        %mul3A_218 = arith.mulf %get3A_217, %gather3A : vector<16xf32>
        %swap3A_219 = arith.constant 1 : i32
        %swap3A_220 = arith.index_cast %swap3A_219 : i32 to index
        %swap3A_221 = arith.index_cast %scan3A_161 : i32 to index
        %swap3A_222 = arith.constant 64 : index
        %swap3A_223 = tpu.vector_load %arg8[%swap3A_220, %swap3A_221, %swap3A_222] {strides = array<i32>} : memref<2x32x1024xf32, #tpu.memory_space<vmem>>, vector<16xf32>,
        tpu.vector_store %arg8[%swap3A_220, %swap3A_221, %swap3A_222], %mul3A_218 {strides = array<i32>} : memref<2x32x1024xf32, #tpu.memory_space<vmem>>, vector<16xf32>,
        %get3A_224 = arith.constant 1 : i32
        %get3A_225 = arith.index_cast %get3A_224 : i32 to index
        %get3A_226 = arith.index_cast %scan3A_161 : i32 to index
        %get3A_227 = arith.constant 80 : index
        %get3A_228 = tpu.vector_load %arg8[%get3A_225, %get3A_226, %get3A_227] {strides = array<i32>} : memref<2x32x1024xf32, #tpu.memory_space<vmem>>, vector<16xf32>,
        %mul3A_229 = arith.mulf %get3A_228, %gather3A : vector<16xf32>
        %swap3A_230 = arith.constant 1 : i32
        %swap3A_231 = arith.index_cast %swap3A_230 : i32 to index
        %swap3A_232 = arith.index_cast %scan3A_161 : i32 to index
        %swap3A_233 = arith.constant 80 : index
        %swap3A_234 = tpu.vector_load %arg8[%swap3A_231, %swap3A_232, %swap3A_233] {strides = array<i32>} : memref<2x32x1024xf32, #tpu.memory_space<vmem>>, vector<16xf32>,
        tpu.vector_store %arg8[%swap3A_231, %swap3A_232, %swap3A_233], %mul3A_229 {strides = array<i32>} : memref<2x32x1024xf32, #tpu.memory_space<vmem>>, vector<16xf32>,
        %get3A_235 = arith.constant 1 : i32
        %get3A_236 = arith.index_cast %get3A_235 : i32 to index
        %get3A_237 = arith.index_cast %scan3A_161 : i32 to index
        %get3A_238 = arith.constant 96 : index
        %get3A_239 = tpu.vector_load %arg8[%get3A_236, %get3A_237, %get3A_238] {strides = array<i32>} : memref<2x32x1024xf32, #tpu.memory_space<vmem>>, vector<16xf32>,
        %mul3A_240 = arith.mulf %get3A_239, %gather3A : vector<16xf32>
        %swap3A_241 = arith.constant 1 : i32
        %swap3A_242 = arith.index_cast %swap3A_241 : i32 to index
        %swap3A_243 = arith.index_cast %scan3A_161 : i32 to index
        %swap3A_244 = arith.constant 96 : index
        %swap3A_245 = tpu.vector_load %arg8[%swap3A_242, %swap3A_243, %swap3A_244] {strides = array<i32>} : memref<2x32x1024xf32, #tpu.memory_space<vmem>>, vector<16xf32>,
        tpu.vector_store %arg8[%swap3A_242, %swap3A_243, %swap3A_244], %mul3A_240 {strides = array<i32>} : memref<2x32x1024xf32, #tpu.memory_space<vmem>>, vector<16xf32>,
        %get3A_246 = arith.constant 1 : i32
        %get3A_247 = arith.index_cast %get3A_246 : i32 to index
        %get3A_248 = arith.index_cast %scan3A_161 : i32 to index
        %get3A_249 = arith.constant 112 : index
        %get3A_250 = tpu.vector_load %arg8[%get3A_247, %get3A_248, %get3A_249] {strides = array<i32>} : memref<2x32x1024xf32, #tpu.memory_space<vmem>>, vector<16xf32>,
        %mul3A_251 = arith.mulf %get3A_250, %gather3A : vector<16xf32>
        %swap3A_252 = arith.constant 1 : i32
        %swap3A_253 = arith.index_cast %swap3A_252 : i32 to index
        %swap3A_254 = arith.index_cast %scan3A_161 : i32 to index
        %swap3A_255 = arith.constant 112 : index
        %swap3A_256 = tpu.vector_load %arg8[%swap3A_253, %swap3A_254, %swap3A_255] {strides = array<i32>} : memref<2x32x1024xf32, #tpu.memory_space<vmem>>, vector<16xf32>,
        tpu.vector_store %arg8[%swap3A_253, %swap3A_254, %swap3A_255], %mul3A_251 {strides = array<i32>} : memref<2x32x1024xf32, #tpu.memory_space<vmem>>, vector<16xf32>,
        %get3A_257 = arith.constant 1 : i32
        %get3A_258 = arith.index_cast %get3A_257 : i32 to index
        %get3A_259 = arith.index_cast %scan3A_161 : i32 to index
        %get3A_260 = arith.constant 128 : index
        %get3A_261 = tpu.vector_load %arg8[%get3A_258, %get3A_259, %get3A_260] {strides = array<i32>} : memref<2x32x1024xf32, #tpu.memory_space<vmem>>, vector<16xf32>,
        %mul3A_262 = arith.mulf %get3A_261, %gather3A : vector<16xf32>
        %swap3A_263 = arith.constant 1 : i32
        %swap3A_264 = arith.index_cast %swap3A_263 : i32 to index
        %swap3A_265 = arith.index_cast %scan3A_161 : i32 to index
        %swap3A_266 = arith.constant 128 : index
        %swap3A_267 = tpu.vector_load %arg8[%swap3A_264, %swap3A_265, %swap3A_266] {strides = array<i32>} : memref<2x32x1024xf32, #tpu.memory_space<vmem>>, vector<16xf32>,
        tpu.vector_store %arg8[%swap3A_264, %swap3A_265, %swap3A_266], %mul3A_262 {strides = array<i32>} : memref<2x32x1024xf32, #tpu.memory_space<vmem>>, vector<16xf32>,
        %get3A_268 = arith.constant 1 : i32
        %get3A_269 = arith.index_cast %get3A_268 : i32 to index
        %get3A_270 = arith.index_cast %scan3A_161 : i32 to index
        %get3A_271 = arith.constant 144 : index
        %get3A_272 = tpu.vector_load %arg8[%get3A_269, %get3A_270, %get3A_271] {strides = array<i32>} : memref<2x32x1024xf32, #tpu.memory_space<vmem>>, vector<16xf32>,
        %mul3A_273 = arith.mulf %get3A_272, %gather3A : vector<16xf32>
        %swap3A_274 = arith.constant 1 : i32
        %swap3A_275 = arith.index_cast %swap3A_274 : i32 to index
        %swap3A_276 = arith.index_cast %scan3A_161 : i32 to index
        %swap3A_277 = arith.constant 144 : index
        %swap3A_278 = tpu.vector_load %arg8[%swap3A_275, %swap3A_276, %swap3A_277] {strides = array<i32>} : memref<2x32x1024xf32, #tpu.memory_space<vmem>>, vector<16xf32>,
        tpu.vector_store %arg8[%swap3A_275, %swap3A_276, %swap3A_277], %mul3A_273 {strides = array<i32>} : memref<2x32x1024xf32, #tpu.memory_space<vmem>>, vector<16xf32>,
        %get3A_279 = arith.constant 1 : i32
        %get3A_280 = arith.index_cast %get3A_279 : i32 to index
        %get3A_281 = arith.index_cast %scan3A_161 : i32 to index
        %get3A_282 = arith.constant 160 : index
        %get3A_283 = tpu.vector_load %arg8[%get3A_280, %get3A_281, %get3A_282] {strides = array<i32>} : memref<2x32x1024xf32, #tpu.memory_space<vmem>>, vector<16xf32>,
        %mul3A_284 = arith.mulf %get3A_283, %gather3A : vector<16xf32>
        %swap3A_285 = arith.constant 1 : i32
        %swap3A_286 = arith.index_cast %swap3A_285 : i32 to index
        %swap3A_287 = arith.index_cast %scan3A_161 : i32 to index
        %swap3A_288 = arith.constant 160 : index
        %swap3A_289 = tpu.vector_load %arg8[%swap3A_286, %swap3A_287, %swap3A_288] {strides = array<i32>} : memref<2x32x1024xf32, #tpu.memory_space<vmem>>, vector<16xf32>,
        tpu.vector_store %arg8[%swap3A_286, %swap3A_287, %swap3A_288], %mul3A_284 {strides = array<i32>} : memref<2x32x1024xf32, #tpu.memory_space<vmem>>, vector<16xf32>,
        %get3A_290 = arith.constant 1 : i32
        %get3A_291 = arith.index_cast %get3A_290 : i32 to index
        %get3A_292 = arith.index_cast %scan3A_161 : i32 to index
        %get3A_293 = arith.constant 176 : index
        %get3A_294 = tpu.vector_load %arg8[%get3A_291, %get3A_292, %get3A_293] {strides = array<i32>} : memref<2x32x1024xf32, #tpu.memory_space<vmem>>, vector<16xf32>,
        %mul3A_295 = arith.mulf %get3A_294, %gather3A : vector<16xf32>
        %swap3A_296 = arith.constant 1 : i32
        %swap3A_297 = arith.index_cast %swap3A_296 : i32 to index
        %swap3A_298 = arith.index_cast %scan3A_161 : i32 to index
        %swap3A_299 = arith.constant 176 : index
        %swap3A_300 = tpu.vector_load %arg8[%swap3A_297, %swap3A_298, %swap3A_299] {strides = array<i32>} : memref<2x32x1024xf32, #tpu.memory_space<vmem>>, vector<16xf32>,
        tpu.vector_store %arg8[%swap3A_297, %swap3A_298, %swap3A_299], %mul3A_295 {strides = array<i32>} : memref<2x32x1024xf32, #tpu.memory_space<vmem>>, vector<16xf32>,
        %get3A_301 = arith.constant 1 : i32
        %get3A_302 = arith.index_cast %get3A_301 : i32 to index
        %get3A_303 = arith.index_cast %scan3A_161 : i32 to index
        %get3A_304 = arith.constant 192 : index
        %get3A_305 = tpu.vector_load %arg8[%get3A_302, %get3A_303, %get3A_304] {strides = array<i32>} : memref<2x32x1024xf32, #tpu.memory_space<vmem>>, vector<16xf32>,
        %mul3A_306 = arith.mulf %get3A_305, %gather3A : vector<16xf32>
        %swap3A_307 = arith.constant 1 : i32
        %swap3A_308 = arith.index_cast %swap3A_307 : i32 to index
        %swap3A_309 = arith.index_cast %scan3A_161 : i32 to index
        %swap3A_310 = arith.constant 192 : index
        %swap3A_311 = tpu.vector_load %arg8[%swap3A_308, %swap3A_309, %swap3A_310] {strides = array<i32>} : memref<2x32x1024xf32, #tpu.memory_space<vmem>>, vector<16xf32>,
        tpu.vector_store %arg8[%swap3A_308, %swap3A_309, %swap3A_310], %mul3A_306 {strides = array<i32>} : memref<2x32x1024xf32, #tpu.memory_space<vmem>>, vector<16xf32>,
        %get3A_312 = arith.constant 1 : i32
        %get3A_313 = arith.index_cast %get3A_312 : i32 to index
        %get3A_314 = arith.index_cast %scan3A_161 : i32 to index
        %get3A_315 = arith.constant 208 : index
        %get3A_316 = tpu.vector_load %arg8[%get3A_313, %get3A_314, %get3A_315] {strides = array<i32>} : memref<2x32x1024xf32, #tpu.memory_space<vmem>>, vector<16xf32>,
        %mul3A_317 = arith.mulf %get3A_316, %gather3A : vector<16xf32>
        %swap3A_318 = arith.constant 1 : i32
        %swap3A_319 = arith.index_cast %swap3A_318 : i32 to index
        %swap3A_320 = arith.index_cast %scan3A_161 : i32 to index
        %swap3A_321 = arith.constant 208 : index
        %swap3A_322 = tpu.vector_load %arg8[%swap3A_319, %swap3A_320, %swap3A_321] {strides = array<i32>} : memref<2x32x1024xf32, #tpu.memory_space<vmem>>, vector<16xf32>,
        tpu.vector_store %arg8[%swap3A_319, %swap3A_320, %swap3A_321], %mul3A_317 {strides = array<i32>} : memref<2x32x1024xf32, #tpu.memory_space<vmem>>, vector<16xf32>,
        %get3A_323 = arith.constant 1 : i32
        %get3A_324 = arith.index_cast %get3A_323 : i32 to index
        %get3A_325 = arith.index_cast %scan3A_161 : i32 to index
        %get3A_326 = arith.constant 224 : index
        %get3A_327 = tpu.vector_load %arg8[%get3A_324, %get3A_325, %get3A_326] {strides = array<i32>} : memref<2x32x1024xf32, #tpu.memory_space<vmem>>, vector<16xf32>,
        %mul3A_328 = arith.mulf %get3A_327, %gather3A : vector<16xf32>
        %swap3A_329 = arith.constant 1 : i32
        %swap3A_330 = arith.index_cast %swap3A_329 : i32 to index
        %swap3A_331 = arith.index_cast %scan3A_161 : i32 to index
        %swap3A_332 = arith.constant 224 : index
        %swap3A_333 = tpu.vector_load %arg8[%swap3A_330, %swap3A_331, %swap3A_332] {strides = array<i32>} : memref<2x32x1024xf32, #tpu.memory_space<vmem>>, vector<16xf32>,
        tpu.vector_store %arg8[%swap3A_330, %swap3A_331, %swap3A_332], %mul3A_328 {strides = array<i32>} : memref<2x32x1024xf32, #tpu.memory_space<vmem>>, vector<16xf32>,
        %get3A_334 = arith.constant 1 : i32
        %get3A_335 = arith.index_cast %get3A_334 : i32 to index
        %get3A_336 = arith.index_cast %scan3A_161 : i32 to index
        %get3A_337 = arith.constant 240 : index
        %get3A_338 = tpu.vector_load %arg8[%get3A_335, %get3A_336, %get3A_337] {strides = array<i32>} : memref<2x32x1024xf32, #tpu.memory_space<vmem>>, vector<16xf32>,
        %mul3A_339 = arith.mulf %get3A_338, %gather3A : vector<16xf32>
        %swap3A_340 = arith.constant 1 : i32
        %swap3A_341 = arith.index_cast %swap3A_340 : i32 to index
        %swap3A_342 = arith.index_cast %scan3A_161 : i32 to index
        %swap3A_343 = arith.constant 240 : index
        %swap3A_344 = tpu.vector_load %arg8[%swap3A_341, %swap3A_342, %swap3A_343] {strides = array<i32>} : memref<2x32x1024xf32, #tpu.memory_space<vmem>>, vector<16xf32>,
        tpu.vector_store %arg8[%swap3A_341, %swap3A_342, %swap3A_343], %mul3A_339 {strides = array<i32>} : memref<2x32x1024xf32, #tpu.memory_space<vmem>>, vector<16xf32>,
        %get3A_345 = arith.constant 1 : i32
        %get3A_346 = arith.index_cast %get3A_345 : i32 to index
        %get3A_347 = arith.index_cast %scan3A_161 : i32 to index
        %get3A_348 = arith.constant 256 : index
        %get3A_349 = tpu.vector_load %arg8[%get3A_346, %get3A_347, %get3A_348] {strides = array<i32>} : memref<2x32x1024xf32, #tpu.memory_space<vmem>>, vector<16xf32>,
        %mul3A_350 = arith.mulf %get3A_349, %gather3A : vector<16xf32>
        %swap3A_351 = arith.constant 1 : i32
        %swap3A_352 = arith.index_cast %swap3A_351 : i32 to index
        %swap3A_353 = arith.index_cast %scan3A_161 : i32 to index
        %swap3A_354 = arith.constant 256 : index
        %swap3A_355 = tpu.vector_load %arg8[%swap3A_352, %swap3A_353, %swap3A_354] {strides = array<i32>} : memref<2x32x1024xf32, #tpu.memory_space<vmem>>, vector<16xf32>,
        tpu.vector_store %arg8[%swap3A_352, %swap3A_353, %swap3A_354], %mul3A_350 {strides = array<i32>} : memref<2x32x1024xf32, #tpu.memory_space<vmem>>, vector<16xf32>,
        %get3A_356 = arith.constant 1 : i32
        %get3A_357 = arith.index_cast %get3A_356 : i32 to index
        %get3A_358 = arith.index_cast %scan3A_161 : i32 to index
        %get3A_359 = arith.constant 272 : index
        %get3A_360 = tpu.vector_load %arg8[%get3A_357, %get3A_358, %get3A_359] {strides = array<i32>} : memref<2x32x1024xf32, #tpu.memory_space<vmem>>, vector<16xf32>,
        %mul3A_361 = arith.mulf %get3A_360, %gather3A : vector<16xf32>
        %swap3A_362 = arith.constant 1 : i32
        %swap3A_363 = arith.index_cast %swap3A_362 : i32 to index
        %swap3A_364 = arith.index_cast %scan3A_161 : i32 to index
        %swap3A_365 = arith.constant 272 : index
        %swap3A_366 = tpu.vector_load %arg8[%swap3A_363, %swap3A_364, %swap3A_365] {strides = array<i32>} : memref<2x32x1024xf32, #tpu.memory_space<vmem>>, vector<16xf32>,
        tpu.vector_store %arg8[%swap3A_363, %swap3A_364, %swap3A_365], %mul3A_361 {strides = array<i32>} : memref<2x32x1024xf32, #tpu.memory_space<vmem>>, vector<16xf32>,
        %get3A_367 = arith.constant 1 : i32
        %get3A_368 = arith.index_cast %get3A_367 : i32 to index
        %get3A_369 = arith.index_cast %scan3A_161 : i32 to index
        %get3A_370 = arith.constant 288 : index
        %get3A_371 = tpu.vector_load %arg8[%get3A_368, %get3A_369, %get3A_370] {strides = array<i32>} : memref<2x32x1024xf32, #tpu.memory_space<vmem>>, vector<16xf32>,
        %mul3A_372 = arith.mulf %get3A_371, %gather3A : vector<16xf32>
        %swap3A_373 = arith.constant 1 : i32
        %swap3A_374 = arith.index_cast %swap3A_373 : i32 to index
        %swap3A_375 = arith.index_cast %scan3A_161 : i32 to index
        %swap3A_376 = arith.constant 288 : index
        %swap3A_377 = tpu.vector_load %arg8[%swap3A_374, %swap3A_375, %swap3A_376] {strides = array<i32>} : memref<2x32x1024xf32, #tpu.memory_space<vmem>>, vector<16xf32>,
        tpu.vector_store %arg8[%swap3A_374, %swap3A_375, %swap3A_376], %mul3A_372 {strides = array<i32>} : memref<2x32x1024xf32, #tpu.memory_space<vmem>>, vector<16xf32>,
        %get3A_378 = arith.constant 1 : i32
        %get3A_379 = arith.index_cast %get3A_378 : i32 to index
        %get3A_380 = arith.index_cast %scan3A_161 : i32 to index
        %get3A_381 = arith.constant 304 : index
        %get3A_382 = tpu.vector_load %arg8[%get3A_379, %get3A_380, %get3A_381] {strides = array<i32>} : memref<2x32x1024xf32, #tpu.memory_space<vmem>>, vector<16xf32>,
        %mul3A_383 = arith.mulf %get3A_382, %gather3A : vector<16xf32>
        %swap3A_384 = arith.constant 1 : i32
        %swap3A_385 = arith.index_cast %swap3A_384 : i32 to index
        %swap3A_386 = arith.index_cast %scan3A_161 : i32 to index
        %swap3A_387 = arith.constant 304 : index
        %swap3A_388 = tpu.vector_load %arg8[%swap3A_385, %swap3A_386, %swap3A_387] {strides = array<i32>} : memref<2x32x1024xf32, #tpu.memory_space<vmem>>, vector<16xf32>,
        tpu.vector_store %arg8[%swap3A_385, %swap3A_386, %swap3A_387], %mul3A_383 {strides = array<i32>} : memref<2x32x1024xf32, #tpu.memory_space<vmem>>, vector<16xf32>,
        %get3A_389 = arith.constant 1 : i32
        %get3A_390 = arith.index_cast %get3A_389 : i32 to index
        %get3A_391 = arith.index_cast %scan3A_161 : i32 to index
        %get3A_392 = arith.constant 320 : index
        %get3A_393 = tpu.vector_load %arg8[%get3A_390, %get3A_391, %get3A_392] {strides = array<i32>} : memref<2x32x1024xf32, #tpu.memory_space<vmem>>, vector<16xf32>,
        %mul3A_394 = arith.mulf %get3A_393, %gather3A : vector<16xf32>
        %swap3A_395 = arith.constant 1 : i32
        %swap3A_396 = arith.index_cast %swap3A_395 : i32 to index
        %swap3A_397 = arith.index_cast %scan3A_161 : i32 to index
        %swap3A_398 = arith.constant 320 : index
        %swap3A_399 = tpu.vector_load %arg8[%swap3A_396, %swap3A_397, %swap3A_398] {strides = array<i32>} : memref<2x32x1024xf32, #tpu.memory_space<vmem>>, vector<16xf32>,
        tpu.vector_store %arg8[%swap3A_396, %swap3A_397, %swap3A_398], %mul3A_394 {strides = array<i32>} : memref<2x32x1024xf32, #tpu.memory_space<vmem>>, vector<16xf32>,
        %get3A_400 = arith.constant 1 : i32
        %get3A_401 = arith.index_cast %get3A_400 : i32 to index
        %get3A_402 = arith.index_cast %scan3A_161 : i32 to index
        %get3A_403 = arith.constant 336 : index
        %get3A_404 = tpu.vector_load %arg8[%get3A_401, %get3A_402, %get3A_403] {strides = array<i32>} : memref<2x32x1024xf32, #tpu.memory_space<vmem>>, vector<16xf32>,
        %mul3A_405 = arith.mulf %get3A_404, %gather3A : vector<16xf32>
        %swap3A_406 = arith.constant 1 : i32
        %swap3A_407 = arith.index_cast %swap3A_406 : i32 to index
        %swap3A_408 = arith.index_cast %scan3A_161 : i32 to index
        %swap3A_409 = arith.constant 336 : index
        %swap3A_410 = tpu.vector_load %arg8[%swap3A_407, %swap3A_408, %swap3A_409] {strides = array<i32>} : memref<2x32x1024xf32, #tpu.memory_space<vmem>>, vector<16xf32>,
        tpu.vector_store %arg8[%swap3A_407, %swap3A_408, %swap3A_409], %mul3A_405 {strides = array<i32>} : memref<2x32x1024xf32, #tpu.memory_space<vmem>>, vector<16xf32>,
        %get3A_411 = arith.constant 1 : i32
        %get3A_412 = arith.index_cast %get3A_411 : i32 to index
        %get3A_413 = arith.index_cast %scan3A_161 : i32 to index
        %get3A_414 = arith.constant 352 : index
        %get3A_415 = tpu.vector_load %arg8[%get3A_412, %get3A_413, %get3A_414] {strides = array<i32>} : memref<2x32x1024xf32, #tpu.memory_space<vmem>>, vector<16xf32>,
        %mul3A_416 = arith.mulf %get3A_415, %gather3A : vector<16xf32>
        %swap3A_417 = arith.constant 1 : i32
        %swap3A_418 = arith.index_cast %swap3A_417 : i32 to index
        %swap3A_419 = arith.index_cast %scan3A_161 : i32 to index
        %swap3A_420 = arith.constant 352 : index
        %swap3A_421 = tpu.vector_load %arg8[%swap3A_418, %swap3A_419, %swap3A_420] {strides = array<i32>} : memref<2x32x1024xf32, #tpu.memory_space<vmem>>, vector<16xf32>,
        tpu.vector_store %arg8[%swap3A_418, %swap3A_419, %swap3A_420], %mul3A_416 {strides = array<i32>} : memref<2x32x1024xf32, #tpu.memory_space<vmem>>, vector<16xf32>,
        %get3A_422 = arith.constant 1 : i32
        %get3A_423 = arith.index_cast %get3A_422 : i32 to index
        %get3A_424 = arith.index_cast %scan3A_161 : i32 to index
        %get3A_425 = arith.constant 368 : index
        %get3A_426 = tpu.vector_load %arg8[%get3A_423, %get3A_424, %get3A_425] {strides = array<i32>} : memref<2x32x1024xf32, #tpu.memory_space<vmem>>, vector<16xf32>,
        %mul3A_427 = arith.mulf %get3A_426, %gather3A : vector<16xf32>
        %swap3A_428 = arith.constant 1 : i32
        %swap3A_429 = arith.index_cast %swap3A_428 : i32 to index
        %swap3A_430 = arith.index_cast %scan3A_161 : i32 to index
        %swap3A_431 = arith.constant 368 : index
        %swap3A_432 = tpu.vector_load %arg8[%swap3A_429, %swap3A_430, %swap3A_431] {strides = array<i32>} : memref<2x32x1024xf32, #tpu.memory_space<vmem>>, vector<16xf32>,
        tpu.vector_store %arg8[%swap3A_429, %swap3A_430, %swap3A_431], %mul3A_427 {strides = array<i32>} : memref<2x32x1024xf32, #tpu.memory_space<vmem>>, vector<16xf32>,
        %get3A_433 = arith.constant 1 : i32
        %get3A_434 = arith.index_cast %get3A_433 : i32 to index
        %get3A_435 = arith.index_cast %scan3A_161 : i32 to index
        %get3A_436 = arith.constant 384 : index
        %get3A_437 = tpu.vector_load %arg8[%get3A_434, %get3A_435, %get3A_436] {strides = array<i32>} : memref<2x32x1024xf32, #tpu.memory_space<vmem>>, vector<16xf32>,
        %mul3A_438 = arith.mulf %get3A_437, %gather3A : vector<16xf32>
        %swap3A_439 = arith.constant 1 : i32
        %swap3A_440 = arith.index_cast %swap3A_439 : i32 to index
        %swap3A_441 = arith.index_cast %scan3A_161 : i32 to index
        %swap3A_442 = arith.constant 384 : index
        %swap3A_443 = tpu.vector_load %arg8[%swap3A_440, %swap3A_441, %swap3A_442] {strides = array<i32>} : memref<2x32x1024xf32, #tpu.memory_space<vmem>>, vector<16xf32>,
        tpu.vector_store %arg8[%swap3A_440, %swap3A_441, %swap3A_442], %mul3A_438 {strides = array<i32>} : memref<2x32x1024xf32, #tpu.memory_space<vmem>>, vector<16xf32>,
        %get3A_444 = arith.constant 1 : i32
        %get3A_445 = arith.index_cast %get3A_444 : i32 to index
        %get3A_446 = arith.index_cast %scan3A_161 : i32 to index
        %get3A_447 = arith.constant 400 : index
        %get3A_448 = tpu.vector_load %arg8[%get3A_445, %get3A_446, %get3A_447] {strides = array<i32>} : memref<2x32x1024xf32, #tpu.memory_space<vmem>>, vector<16xf32>,
        %mul3A_449 = arith.mulf %get3A_448, %gather3A : vector<16xf32>
        %swap3A_450 = arith.constant 1 : i32
        %swap3A_451 = arith.index_cast %swap3A_450 : i32 to index
        %swap3A_452 = arith.index_cast %scan3A_161 : i32 to index
        %swap3A_453 = arith.constant 400 : index
        %swap3A_454 = tpu.vector_load %arg8[%swap3A_451, %swap3A_452, %swap3A_453] {strides = array<i32>} : memref<2x32x1024xf32, #tpu.memory_space<vmem>>, vector<16xf32>,
        tpu.vector_store %arg8[%swap3A_451, %swap3A_452, %swap3A_453], %mul3A_449 {strides = array<i32>} : memref<2x32x1024xf32, #tpu.memory_space<vmem>>, vector<16xf32>,
        %get3A_455 = arith.constant 1 : i32
        %get3A_456 = arith.index_cast %get3A_455 : i32 to index
        %get3A_457 = arith.index_cast %scan3A_161 : i32 to index
        %get3A_458 = arith.constant 416 : index
        %get3A_459 = tpu.vector_load %arg8[%get3A_456, %get3A_457, %get3A_458] {strides = array<i32>} : memref<2x32x1024xf32, #tpu.memory_space<vmem>>, vector<16xf32>,
        %mul3A_460 = arith.mulf %get3A_459, %gather3A : vector<16xf32>
        %swap3A_461 = arith.constant 1 : i32
        %swap3A_462 = arith.index_cast %swap3A_461 : i32 to index
        %swap3A_463 = arith.index_cast %scan3A_161 : i32 to index
        %swap3A_464 = arith.constant 416 : index
        %swap3A_465 = tpu.vector_load %arg8[%swap3A_462, %swap3A_463, %swap3A_464] {strides = array<i32>} : memref<2x32x1024xf32, #tpu.memory_space<vmem>>, vector<16xf32>,
        tpu.vector_store %arg8[%swap3A_462, %swap3A_463, %swap3A_464], %mul3A_460 {strides = array<i32>} : memref<2x32x1024xf32, #tpu.memory_space<vmem>>, vector<16xf32>,
        %get3A_466 = arith.constant 1 : i32
        %get3A_467 = arith.index_cast %get3A_466 : i32 to index
        %get3A_468 = arith.index_cast %scan3A_161 : i32 to index
        %get3A_469 = arith.constant 432 : index
        %get3A_470 = tpu.vector_load %arg8[%get3A_467, %get3A_468, %get3A_469] {strides = array<i32>} : memref<2x32x1024xf32, #tpu.memory_space<vmem>>, vector<16xf32>,
        %mul3A_471 = arith.mulf %get3A_470, %gather3A : vector<16xf32>
        %swap3A_472 = arith.constant 1 : i32
        %swap3A_473 = arith.index_cast %swap3A_472 : i32 to index
        %swap3A_474 = arith.index_cast %scan3A_161 : i32 to index
        %swap3A_475 = arith.constant 432 : index
        %swap3A_476 = tpu.vector_load %arg8[%swap3A_473, %swap3A_474, %swap3A_475] {strides = array<i32>} : memref<2x32x1024xf32, #tpu.memory_space<vmem>>, vector<16xf32>,
        tpu.vector_store %arg8[%swap3A_473, %swap3A_474, %swap3A_475], %mul3A_471 {strides = array<i32>} : memref<2x32x1024xf32, #tpu.memory_space<vmem>>, vector<16xf32>,
        %get3A_477 = arith.constant 1 : i32
        %get3A_478 = arith.index_cast %get3A_477 : i32 to index
        %get3A_479 = arith.index_cast %scan3A_161 : i32 to index
        %get3A_480 = arith.constant 448 : index
        %get3A_481 = tpu.vector_load %arg8[%get3A_478, %get3A_479, %get3A_480] {strides = array<i32>} : memref<2x32x1024xf32, #tpu.memory_space<vmem>>, vector<16xf32>,
        %mul3A_482 = arith.mulf %get3A_481, %gather3A : vector<16xf32>
        %swap3A_483 = arith.constant 1 : i32
        %swap3A_484 = arith.index_cast %swap3A_483 : i32 to index
        %swap3A_485 = arith.index_cast %scan3A_161 : i32 to index
        %swap3A_486 = arith.constant 448 : index
        %swap3A_487 = tpu.vector_load %arg8[%swap3A_484, %swap3A_485, %swap3A_486] {strides = array<i32>} : memref<2x32x1024xf32, #tpu.memory_space<vmem>>, vector<16xf32>,
        tpu.vector_store %arg8[%swap3A_484, %swap3A_485, %swap3A_486], %mul3A_482 {strides = array<i32>} : memref<2x32x1024xf32, #tpu.memory_space<vmem>>, vector<16xf32>,
        %get3A_488 = arith.constant 1 : i32
        %get3A_489 = arith.index_cast %get3A_488 : i32 to index
        %get3A_490 = arith.index_cast %scan3A_161 : i32 to index
        %get3A_491 = arith.constant 464 : index
        %get3A_492 = tpu.vector_load %arg8[%get3A_489, %get3A_490, %get3A_491] {strides = array<i32>} : memref<2x32x1024xf32, #tpu.memory_space<vmem>>, vector<16xf32>,
        %mul3A_493 = arith.mulf %get3A_492, %gather3A : vector<16xf32>
        %swap3A_494 = arith.constant 1 : i32
        %swap3A_495 = arith.index_cast %swap3A_494 : i32 to index
        %swap3A_496 = arith.index_cast %scan3A_161 : i32 to index
        %swap3A_497 = arith.constant 464 : index
        %swap3A_498 = tpu.vector_load %arg8[%swap3A_495, %swap3A_496, %swap3A_497] {strides = array<i32>} : memref<2x32x1024xf32, #tpu.memory_space<vmem>>, vector<16xf32>,
        tpu.vector_store %arg8[%swap3A_495, %swap3A_496, %swap3A_497], %mul3A_493 {strides = array<i32>} : memref<2x32x1024xf32, #tpu.memory_space<vmem>>, vector<16xf32>,
        %get3A_499 = arith.constant 1 : i32
        %get3A_500 = arith.index_cast %get3A_499 : i32 to index
        %get3A_501 = arith.index_cast %scan3A_161 : i32 to index
        %get3A_502 = arith.constant 480 : index
        %get3A_503 = tpu.vector_load %arg8[%get3A_500, %get3A_501, %get3A_502] {strides = array<i32>} : memref<2x32x1024xf32, #tpu.memory_space<vmem>>, vector<16xf32>,
        %mul3A_504 = arith.mulf %get3A_503, %gather3A : vector<16xf32>
        %swap3A_505 = arith.constant 1 : i32
        %swap3A_506 = arith.index_cast %swap3A_505 : i32 to index
        %swap3A_507 = arith.index_cast %scan3A_161 : i32 to index
        %swap3A_508 = arith.constant 480 : index
        %swap3A_509 = tpu.vector_load %arg8[%swap3A_506, %swap3A_507, %swap3A_508] {strides = array<i32>} : memref<2x32x1024xf32, #tpu.memory_space<vmem>>, vector<16xf32>,
        tpu.vector_store %arg8[%swap3A_506, %swap3A_507, %swap3A_508], %mul3A_504 {strides = array<i32>} : memref<2x32x1024xf32, #tpu.memory_space<vmem>>, vector<16xf32>,
        %get3A_510 = arith.constant 1 : i32
        %get3A_511 = arith.index_cast %get3A_510 : i32 to index
        %get3A_512 = arith.index_cast %scan3A_161 : i32 to index
        %get3A_513 = arith.constant 496 : index
        %get3A_514 = tpu.vector_load %arg8[%get3A_511, %get3A_512, %get3A_513] {strides = array<i32>} : memref<2x32x1024xf32, #tpu.memory_space<vmem>>, vector<16xf32>,
        %mul3A_515 = arith.mulf %get3A_514, %gather3A : vector<16xf32>
        %swap3A_516 = arith.constant 1 : i32
        %swap3A_517 = arith.index_cast %swap3A_516 : i32 to index
        %swap3A_518 = arith.index_cast %scan3A_161 : i32 to index
        %swap3A_519 = arith.constant 496 : index
        %swap3A_520 = tpu.vector_load %arg8[%swap3A_517, %swap3A_518, %swap3A_519] {strides = array<i32>} : memref<2x32x1024xf32, #tpu.memory_space<vmem>>, vector<16xf32>,
        tpu.vector_store %arg8[%swap3A_517, %swap3A_518, %swap3A_519], %mul3A_515 {strides = array<i32>} : memref<2x32x1024xf32, #tpu.memory_space<vmem>>, vector<16xf32>,
        %get3A_521 = arith.constant 1 : i32
        %get3A_522 = arith.index_cast %get3A_521 : i32 to index
        %get3A_523 = arith.index_cast %scan3A_161 : i32 to index
        %get3A_524 = arith.constant 512 : index
        %get3A_525 = tpu.vector_load %arg8[%get3A_522, %get3A_523, %get3A_524] {strides = array<i32>} : memref<2x32x1024xf32, #tpu.memory_space<vmem>>, vector<16xf32>,
        %mul3A_526 = arith.mulf %get3A_525, %gather3A : vector<16xf32>
        %swap3A_527 = arith.constant 1 : i32
        %swap3A_528 = arith.index_cast %swap3A_527 : i32 to index
        %swap3A_529 = arith.index_cast %scan3A_161 : i32 to index
        %swap3A_530 = arith.constant 512 : index
        %swap3A_531 = tpu.vector_load %arg8[%swap3A_528, %swap3A_529, %swap3A_530] {strides = array<i32>} : memref<2x32x1024xf32, #tpu.memory_space<vmem>>, vector<16xf32>,
        tpu.vector_store %arg8[%swap3A_528, %swap3A_529, %swap3A_530], %mul3A_526 {strides = array<i32>} : memref<2x32x1024xf32, #tpu.memory_space<vmem>>, vector<16xf32>,
        %get3A_532 = arith.constant 1 : i32
        %get3A_533 = arith.index_cast %get3A_532 : i32 to index
        %get3A_534 = arith.index_cast %scan3A_161 : i32 to index
        %get3A_535 = arith.constant 528 : index
        %get3A_536 = tpu.vector_load %arg8[%get3A_533, %get3A_534, %get3A_535] {strides = array<i32>} : memref<2x32x1024xf32, #tpu.memory_space<vmem>>, vector<16xf32>,
        %mul3A_537 = arith.mulf %get3A_536, %gather3A : vector<16xf32>
        %swap3A_538 = arith.constant 1 : i32
        %swap3A_539 = arith.index_cast %swap3A_538 : i32 to index
        %swap3A_540 = arith.index_cast %scan3A_161 : i32 to index
        %swap3A_541 = arith.constant 528 : index
        %swap3A_542 = tpu.vector_load %arg8[%swap3A_539, %swap3A_540, %swap3A_541] {strides = array<i32>} : memref<2x32x1024xf32, #tpu.memory_space<vmem>>, vector<16xf32>,
        tpu.vector_store %arg8[%swap3A_539, %swap3A_540, %swap3A_541], %mul3A_537 {strides = array<i32>} : memref<2x32x1024xf32, #tpu.memory_space<vmem>>, vector<16xf32>,
        %get3A_543 = arith.constant 1 : i32
        %get3A_544 = arith.index_cast %get3A_543 : i32 to index
        %get3A_545 = arith.index_cast %scan3A_161 : i32 to index
        %get3A_546 = arith.constant 544 : index
        %get3A_547 = tpu.vector_load %arg8[%get3A_544, %get3A_545, %get3A_546] {strides = array<i32>} : memref<2x32x1024xf32, #tpu.memory_space<vmem>>, vector<16xf32>,
        %mul3A_548 = arith.mulf %get3A_547, %gather3A : vector<16xf32>
        %swap3A_549 = arith.constant 1 : i32
        %swap3A_550 = arith.index_cast %swap3A_549 : i32 to index
        %swap3A_551 = arith.index_cast %scan3A_161 : i32 to index
        %swap3A_552 = arith.constant 544 : index
        %swap3A_553 = tpu.vector_load %arg8[%swap3A_550, %swap3A_551, %swap3A_552] {strides = array<i32>} : memref<2x32x1024xf32, #tpu.memory_space<vmem>>, vector<16xf32>,
        tpu.vector_store %arg8[%swap3A_550, %swap3A_551, %swap3A_552], %mul3A_548 {strides = array<i32>} : memref<2x32x1024xf32, #tpu.memory_space<vmem>>, vector<16xf32>,
        %get3A_554 = arith.constant 1 : i32
        %get3A_555 = arith.index_cast %get3A_554 : i32 to index
        %get3A_556 = arith.index_cast %scan3A_161 : i32 to index
        %get3A_557 = arith.constant 560 : index
        %get3A_558 = tpu.vector_load %arg8[%get3A_555, %get3A_556, %get3A_557] {strides = array<i32>} : memref<2x32x1024xf32, #tpu.memory_space<vmem>>, vector<16xf32>,
        %mul3A_559 = arith.mulf %get3A_558, %gather3A : vector<16xf32>
        %swap3A_560 = arith.constant 1 : i32
        %swap3A_561 = arith.index_cast %swap3A_560 : i32 to index
        %swap3A_562 = arith.index_cast %scan3A_161 : i32 to index
        %swap3A_563 = arith.constant 560 : index
        %swap3A_564 = tpu.vector_load %arg8[%swap3A_561, %swap3A_562, %swap3A_563] {strides = array<i32>} : memref<2x32x1024xf32, #tpu.memory_space<vmem>>, vector<16xf32>,
        tpu.vector_store %arg8[%swap3A_561, %swap3A_562, %swap3A_563], %mul3A_559 {strides = array<i32>} : memref<2x32x1024xf32, #tpu.memory_space<vmem>>, vector<16xf32>,
        %get3A_565 = arith.constant 1 : i32
        %get3A_566 = arith.index_cast %get3A_565 : i32 to index
        %get3A_567 = arith.index_cast %scan3A_161 : i32 to index
        %get3A_568 = arith.constant 576 : index
        %get3A_569 = tpu.vector_load %arg8[%get3A_566, %get3A_567, %get3A_568] {strides = array<i32>} : memref<2x32x1024xf32, #tpu.memory_space<vmem>>, vector<16xf32>,
        %mul3A_570 = arith.mulf %get3A_569, %gather3A : vector<16xf32>
        %swap3A_571 = arith.constant 1 : i32
        %swap3A_572 = arith.index_cast %swap3A_571 : i32 to index
        %swap3A_573 = arith.index_cast %scan3A_161 : i32 to index
        %swap3A_574 = arith.constant 576 : index
        %swap3A_575 = tpu.vector_load %arg8[%swap3A_572, %swap3A_573, %swap3A_574] {strides = array<i32>} : memref<2x32x1024xf32, #tpu.memory_space<vmem>>, vector<16xf32>,
        tpu.vector_store %arg8[%swap3A_572, %swap3A_573, %swap3A_574], %mul3A_570 {strides = array<i32>} : memref<2x32x1024xf32, #tpu.memory_space<vmem>>, vector<16xf32>,
        %get3A_576 = arith.constant 1 : i32
        %get3A_577 = arith.index_cast %get3A_576 : i32 to index
        %get3A_578 = arith.index_cast %scan3A_161 : i32 to index
        %get3A_579 = arith.constant 592 : index
        %get3A_580 = tpu.vector_load %arg8[%get3A_577, %get3A_578, %get3A_579] {strides = array<i32>} : memref<2x32x1024xf32, #tpu.memory_space<vmem>>, vector<16xf32>,
        %mul3A_581 = arith.mulf %get3A_580, %gather3A : vector<16xf32>
        %swap3A_582 = arith.constant 1 : i32
        %swap3A_583 = arith.index_cast %swap3A_582 : i32 to index
        %swap3A_584 = arith.index_cast %scan3A_161 : i32 to index
        %swap3A_585 = arith.constant 592 : index
        %swap3A_586 = tpu.vector_load %arg8[%swap3A_583, %swap3A_584, %swap3A_585] {strides = array<i32>} : memref<2x32x1024xf32, #tpu.memory_space<vmem>>, vector<16xf32>,
        tpu.vector_store %arg8[%swap3A_583, %swap3A_584, %swap3A_585], %mul3A_581 {strides = array<i32>} : memref<2x32x1024xf32, #tpu.memory_space<vmem>>, vector<16xf32>,
        %get3A_587 = arith.constant 1 : i32
        %get3A_588 = arith.index_cast %get3A_587 : i32 to index
        %get3A_589 = arith.index_cast %scan3A_161 : i32 to index
        %get3A_590 = arith.constant 608 : index
        %get3A_591 = tpu.vector_load %arg8[%get3A_588, %get3A_589, %get3A_590] {strides = array<i32>} : memref<2x32x1024xf32, #tpu.memory_space<vmem>>, vector<16xf32>,
        %mul3A_592 = arith.mulf %get3A_591, %gather3A : vector<16xf32>
        %swap3A_593 = arith.constant 1 : i32
        %swap3A_594 = arith.index_cast %swap3A_593 : i32 to index
        %swap3A_595 = arith.index_cast %scan3A_161 : i32 to index
        %swap3A_596 = arith.constant 608 : index
        %swap3A_597 = tpu.vector_load %arg8[%swap3A_594, %swap3A_595, %swap3A_596] {strides = array<i32>} : memref<2x32x1024xf32, #tpu.memory_space<vmem>>, vector<16xf32>,
        tpu.vector_store %arg8[%swap3A_594, %swap3A_595, %swap3A_596], %mul3A_592 {strides = array<i32>} : memref<2x32x1024xf32, #tpu.memory_space<vmem>>, vector<16xf32>,
        %get3A_598 = arith.constant 1 : i32
        %get3A_599 = arith.index_cast %get3A_598 : i32 to index
        %get3A_600 = arith.index_cast %scan3A_161 : i32 to index
        %get3A_601 = arith.constant 624 : index
        %get3A_602 = tpu.vector_load %arg8[%get3A_599, %get3A_600, %get3A_601] {strides = array<i32>} : memref<2x32x1024xf32, #tpu.memory_space<vmem>>, vector<16xf32>,
        %mul3A_603 = arith.mulf %get3A_602, %gather3A : vector<16xf32>
        %swap3A_604 = arith.constant 1 : i32
        %swap3A_605 = arith.index_cast %swap3A_604 : i32 to index
        %swap3A_606 = arith.index_cast %scan3A_161 : i32 to index
        %swap3A_607 = arith.constant 624 : index
        %swap3A_608 = tpu.vector_load %arg8[%swap3A_605, %swap3A_606, %swap3A_607] {strides = array<i32>} : memref<2x32x1024xf32, #tpu.memory_space<vmem>>, vector<16xf32>,
        tpu.vector_store %arg8[%swap3A_605, %swap3A_606, %swap3A_607], %mul3A_603 {strides = array<i32>} : memref<2x32x1024xf32, #tpu.memory_space<vmem>>, vector<16xf32>,
        %get3A_609 = arith.constant 1 : i32
        %get3A_610 = arith.index_cast %get3A_609 : i32 to index
        %get3A_611 = arith.index_cast %scan3A_161 : i32 to index
        %get3A_612 = arith.constant 640 : index
        %get3A_613 = tpu.vector_load %arg8[%get3A_610, %get3A_611, %get3A_612] {strides = array<i32>} : memref<2x32x1024xf32, #tpu.memory_space<vmem>>, vector<16xf32>,
        %mul3A_614 = arith.mulf %get3A_613, %gather3A : vector<16xf32>
        %swap3A_615 = arith.constant 1 : i32
        %swap3A_616 = arith.index_cast %swap3A_615 : i32 to index
        %swap3A_617 = arith.index_cast %scan3A_161 : i32 to index
        %swap3A_618 = arith.constant 640 : index
        %swap3A_619 = tpu.vector_load %arg8[%swap3A_616, %swap3A_617, %swap3A_618] {strides = array<i32>} : memref<2x32x1024xf32, #tpu.memory_space<vmem>>, vector<16xf32>,
        tpu.vector_store %arg8[%swap3A_616, %swap3A_617, %swap3A_618], %mul3A_614 {strides = array<i32>} : memref<2x32x1024xf32, #tpu.memory_space<vmem>>, vector<16xf32>,
        %get3A_620 = arith.constant 1 : i32
        %get3A_621 = arith.index_cast %get3A_620 : i32 to index
        %get3A_622 = arith.index_cast %scan3A_161 : i32 to index
        %get3A_623 = arith.constant 656 : index
        %get3A_624 = tpu.vector_load %arg8[%get3A_621, %get3A_622, %get3A_623] {strides = array<i32>} : memref<2x32x1024xf32, #tpu.memory_space<vmem>>, vector<16xf32>,
        %mul3A_625 = arith.mulf %get3A_624, %gather3A : vector<16xf32>
        %swap3A_626 = arith.constant 1 : i32
        %swap3A_627 = arith.index_cast %swap3A_626 : i32 to index
        %swap3A_628 = arith.index_cast %scan3A_161 : i32 to index
        %swap3A_629 = arith.constant 656 : index
        %swap3A_630 = tpu.vector_load %arg8[%swap3A_627, %swap3A_628, %swap3A_629] {strides = array<i32>} : memref<2x32x1024xf32, #tpu.memory_space<vmem>>, vector<16xf32>,
        tpu.vector_store %arg8[%swap3A_627, %swap3A_628, %swap3A_629], %mul3A_625 {strides = array<i32>} : memref<2x32x1024xf32, #tpu.memory_space<vmem>>, vector<16xf32>,
        %get3A_631 = arith.constant 1 : i32
        %get3A_632 = arith.index_cast %get3A_631 : i32 to index
        %get3A_633 = arith.index_cast %scan3A_161 : i32 to index
        %get3A_634 = arith.constant 672 : index
        %get3A_635 = tpu.vector_load %arg8[%get3A_632, %get3A_633, %get3A_634] {strides = array<i32>} : memref<2x32x1024xf32, #tpu.memory_space<vmem>>, vector<16xf32>,
        %mul3A_636 = arith.mulf %get3A_635, %gather3A : vector<16xf32>
        %swap3A_637 = arith.constant 1 : i32
        %swap3A_638 = arith.index_cast %swap3A_637 : i32 to index
        %swap3A_639 = arith.index_cast %scan3A_161 : i32 to index
        %swap3A_640 = arith.constant 672 : index
        %swap3A_641 = tpu.vector_load %arg8[%swap3A_638, %swap3A_639, %swap3A_640] {strides = array<i32>} : memref<2x32x1024xf32, #tpu.memory_space<vmem>>, vector<16xf32>,
        tpu.vector_store %arg8[%swap3A_638, %swap3A_639, %swap3A_640], %mul3A_636 {strides = array<i32>} : memref<2x32x1024xf32, #tpu.memory_space<vmem>>, vector<16xf32>,
        %get3A_642 = arith.constant 1 : i32
        %get3A_643 = arith.index_cast %get3A_642 : i32 to index
        %get3A_644 = arith.index_cast %scan3A_161 : i32 to index
        %get3A_645 = arith.constant 688 : index
        %get3A_646 = tpu.vector_load %arg8[%get3A_643, %get3A_644, %get3A_645] {strides = array<i32>} : memref<2x32x1024xf32, #tpu.memory_space<vmem>>, vector<16xf32>,
        %mul3A_647 = arith.mulf %get3A_646, %gather3A : vector<16xf32>
        %swap3A_648 = arith.constant 1 : i32
        %swap3A_649 = arith.index_cast %swap3A_648 : i32 to index
        %swap3A_650 = arith.index_cast %scan3A_161 : i32 to index
        %swap3A_651 = arith.constant 688 : index
        %swap3A_652 = tpu.vector_load %arg8[%swap3A_649, %swap3A_650, %swap3A_651] {strides = array<i32>} : memref<2x32x1024xf32, #tpu.memory_space<vmem>>, vector<16xf32>,
        tpu.vector_store %arg8[%swap3A_649, %swap3A_650, %swap3A_651], %mul3A_647 {strides = array<i32>} : memref<2x32x1024xf32, #tpu.memory_space<vmem>>, vector<16xf32>,
        %get3A_653 = arith.constant 1 : i32
        %get3A_654 = arith.index_cast %get3A_653 : i32 to index
        %get3A_655 = arith.index_cast %scan3A_161 : i32 to index
        %get3A_656 = arith.constant 704 : index
        %get3A_657 = tpu.vector_load %arg8[%get3A_654, %get3A_655, %get3A_656] {strides = array<i32>} : memref<2x32x1024xf32, #tpu.memory_space<vmem>>, vector<16xf32>,
        %mul3A_658 = arith.mulf %get3A_657, %gather3A : vector<16xf32>
        %swap3A_659 = arith.constant 1 : i32
        %swap3A_660 = arith.index_cast %swap3A_659 : i32 to index
        %swap3A_661 = arith.index_cast %scan3A_161 : i32 to index
        %swap3A_662 = arith.constant 704 : index
        %swap3A_663 = tpu.vector_load %arg8[%swap3A_660, %swap3A_661, %swap3A_662] {strides = array<i32>} : memref<2x32x1024xf32, #tpu.memory_space<vmem>>, vector<16xf32>,
        tpu.vector_store %arg8[%swap3A_660, %swap3A_661, %swap3A_662], %mul3A_658 {strides = array<i32>} : memref<2x32x1024xf32, #tpu.memory_space<vmem>>, vector<16xf32>,
        %get3A_664 = arith.constant 1 : i32
        %get3A_665 = arith.index_cast %get3A_664 : i32 to index
        %get3A_666 = arith.index_cast %scan3A_161 : i32 to index
        %get3A_667 = arith.constant 720 : index
        %get3A_668 = tpu.vector_load %arg8[%get3A_665, %get3A_666, %get3A_667] {strides = array<i32>} : memref<2x32x1024xf32, #tpu.memory_space<vmem>>, vector<16xf32>,
        %mul3A_669 = arith.mulf %get3A_668, %gather3A : vector<16xf32>
        %swap3A_670 = arith.constant 1 : i32
        %swap3A_671 = arith.index_cast %swap3A_670 : i32 to index
        %swap3A_672 = arith.index_cast %scan3A_161 : i32 to index
        %swap3A_673 = arith.constant 720 : index
        %swap3A_674 = tpu.vector_load %arg8[%swap3A_671, %swap3A_672, %swap3A_673] {strides = array<i32>} : memref<2x32x1024xf32, #tpu.memory_space<vmem>>, vector<16xf32>,
        tpu.vector_store %arg8[%swap3A_671, %swap3A_672, %swap3A_673], %mul3A_669 {strides = array<i32>} : memref<2x32x1024xf32, #tpu.memory_space<vmem>>, vector<16xf32>,
        %get3A_675 = arith.constant 1 : i32
        %get3A_676 = arith.index_cast %get3A_675 : i32 to index
        %get3A_677 = arith.index_cast %scan3A_161 : i32 to index
        %get3A_678 = arith.constant 736 : index
        %get3A_679 = tpu.vector_load %arg8[%get3A_676, %get3A_677, %get3A_678] {strides = array<i32>} : memref<2x32x1024xf32, #tpu.memory_space<vmem>>, vector<16xf32>,
        %mul3A_680 = arith.mulf %get3A_679, %gather3A : vector<16xf32>
        %swap3A_681 = arith.constant 1 : i32
        %swap3A_682 = arith.index_cast %swap3A_681 : i32 to index
        %swap3A_683 = arith.index_cast %scan3A_161 : i32 to index
        %swap3A_684 = arith.constant 736 : index
        %swap3A_685 = tpu.vector_load %arg8[%swap3A_682, %swap3A_683, %swap3A_684] {strides = array<i32>} : memref<2x32x1024xf32, #tpu.memory_space<vmem>>, vector<16xf32>,
        tpu.vector_store %arg8[%swap3A_682, %swap3A_683, %swap3A_684], %mul3A_680 {strides = array<i32>} : memref<2x32x1024xf32, #tpu.memory_space<vmem>>, vector<16xf32>,
        %get3A_686 = arith.constant 1 : i32
        %get3A_687 = arith.index_cast %get3A_686 : i32 to index
        %get3A_688 = arith.index_cast %scan3A_161 : i32 to index
        %get3A_689 = arith.constant 752 : index
        %get3A_690 = tpu.vector_load %arg8[%get3A_687, %get3A_688, %get3A_689] {strides = array<i32>} : memref<2x32x1024xf32, #tpu.memory_space<vmem>>, vector<16xf32>,
        %mul3A_691 = arith.mulf %get3A_690, %gather3A : vector<16xf32>
        %swap3A_692 = arith.constant 1 : i32
        %swap3A_693 = arith.index_cast %swap3A_692 : i32 to index
        %swap3A_694 = arith.index_cast %scan3A_161 : i32 to index
        %swap3A_695 = arith.constant 752 : index
        %swap3A_696 = tpu.vector_load %arg8[%swap3A_693, %swap3A_694, %swap3A_695] {strides = array<i32>} : memref<2x32x1024xf32, #tpu.memory_space<vmem>>, vector<16xf32>,
        tpu.vector_store %arg8[%swap3A_693, %swap3A_694, %swap3A_695], %mul3A_691 {strides = array<i32>} : memref<2x32x1024xf32, #tpu.memory_space<vmem>>, vector<16xf32>,
        %get3A_697 = arith.constant 1 : i32
        %get3A_698 = arith.index_cast %get3A_697 : i32 to index
        %get3A_699 = arith.index_cast %scan3A_161 : i32 to index
        %get3A_700 = arith.constant 768 : index
        %get3A_701 = tpu.vector_load %arg8[%get3A_698, %get3A_699, %get3A_700] {strides = array<i32>} : memref<2x32x1024xf32, #tpu.memory_space<vmem>>, vector<16xf32>,
        %mul3A_702 = arith.mulf %get3A_701, %gather3A : vector<16xf32>
        %swap3A_703 = arith.constant 1 : i32
        %swap3A_704 = arith.index_cast %swap3A_703 : i32 to index
        %swap3A_705 = arith.index_cast %scan3A_161 : i32 to index
        %swap3A_706 = arith.constant 768 : index
        %swap3A_707 = tpu.vector_load %arg8[%swap3A_704, %swap3A_705, %swap3A_706] {strides = array<i32>} : memref<2x32x1024xf32, #tpu.memory_space<vmem>>, vector<16xf32>,
        tpu.vector_store %arg8[%swap3A_704, %swap3A_705, %swap3A_706], %mul3A_702 {strides = array<i32>} : memref<2x32x1024xf32, #tpu.memory_space<vmem>>, vector<16xf32>,
        %get3A_708 = arith.constant 1 : i32
        %get3A_709 = arith.index_cast %get3A_708 : i32 to index
        %get3A_710 = arith.index_cast %scan3A_161 : i32 to index
        %get3A_711 = arith.constant 784 : index
        %get3A_712 = tpu.vector_load %arg8[%get3A_709, %get3A_710, %get3A_711] {strides = array<i32>} : memref<2x32x1024xf32, #tpu.memory_space<vmem>>, vector<16xf32>,
        %mul3A_713 = arith.mulf %get3A_712, %gather3A : vector<16xf32>
        %swap3A_714 = arith.constant 1 : i32
        %swap3A_715 = arith.index_cast %swap3A_714 : i32 to index
        %swap3A_716 = arith.index_cast %scan3A_161 : i32 to index
        %swap3A_717 = arith.constant 784 : index
        %swap3A_718 = tpu.vector_load %arg8[%swap3A_715, %swap3A_716, %swap3A_717] {strides = array<i32>} : memref<2x32x1024xf32, #tpu.memory_space<vmem>>, vector<16xf32>,
        tpu.vector_store %arg8[%swap3A_715, %swap3A_716, %swap3A_717], %mul3A_713 {strides = array<i32>} : memref<2x32x1024xf32, #tpu.memory_space<vmem>>, vector<16xf32>,
        %get3A_719 = arith.constant 1 : i32
        %get3A_720 = arith.index_cast %get3A_719 : i32 to index
        %get3A_721 = arith.index_cast %scan3A_161 : i32 to index
        %get3A_722 = arith.constant 800 : index
        %get3A_723 = tpu.vector_load %arg8[%get3A_720, %get3A_721, %get3A_722] {strides = array<i32>} : memref<2x32x1024xf32, #tpu.memory_space<vmem>>, vector<16xf32>,
        %mul3A_724 = arith.mulf %get3A_723, %gather3A : vector<16xf32>
        %swap3A_725 = arith.constant 1 : i32
        %swap3A_726 = arith.index_cast %swap3A_725 : i32 to index
        %swap3A_727 = arith.index_cast %scan3A_161 : i32 to index
        %swap3A_728 = arith.constant 800 : index
        %swap3A_729 = tpu.vector_load %arg8[%swap3A_726, %swap3A_727, %swap3A_728] {strides = array<i32>} : memref<2x32x1024xf32, #tpu.memory_space<vmem>>, vector<16xf32>,
        tpu.vector_store %arg8[%swap3A_726, %swap3A_727, %swap3A_728], %mul3A_724 {strides = array<i32>} : memref<2x32x1024xf32, #tpu.memory_space<vmem>>, vector<16xf32>,
        %get3A_730 = arith.constant 1 : i32
        %get3A_731 = arith.index_cast %get3A_730 : i32 to index
        %get3A_732 = arith.index_cast %scan3A_161 : i32 to index
        %get3A_733 = arith.constant 816 : index
        %get3A_734 = tpu.vector_load %arg8[%get3A_731, %get3A_732, %get3A_733] {strides = array<i32>} : memref<2x32x1024xf32, #tpu.memory_space<vmem>>, vector<16xf32>,
        %mul3A_735 = arith.mulf %get3A_734, %gather3A : vector<16xf32>
        %swap3A_736 = arith.constant 1 : i32
        %swap3A_737 = arith.index_cast %swap3A_736 : i32 to index
        %swap3A_738 = arith.index_cast %scan3A_161 : i32 to index
        %swap3A_739 = arith.constant 816 : index
        %swap3A_740 = tpu.vector_load %arg8[%swap3A_737, %swap3A_738, %swap3A_739] {strides = array<i32>} : memref<2x32x1024xf32, #tpu.memory_space<vmem>>, vector<16xf32>,
        tpu.vector_store %arg8[%swap3A_737, %swap3A_738, %swap3A_739], %mul3A_735 {strides = array<i32>} : memref<2x32x1024xf32, #tpu.memory_space<vmem>>, vector<16xf32>,
        %get3A_741 = arith.constant 1 : i32
        %get3A_742 = arith.index_cast %get3A_741 : i32 to index
        %get3A_743 = arith.index_cast %scan3A_161 : i32 to index
        %get3A_744 = arith.constant 832 : index
        %get3A_745 = tpu.vector_load %arg8[%get3A_742, %get3A_743, %get3A_744] {strides = array<i32>} : memref<2x32x1024xf32, #tpu.memory_space<vmem>>, vector<16xf32>,
        %mul3A_746 = arith.mulf %get3A_745, %gather3A : vector<16xf32>
        %swap3A_747 = arith.constant 1 : i32
        %swap3A_748 = arith.index_cast %swap3A_747 : i32 to index
        %swap3A_749 = arith.index_cast %scan3A_161 : i32 to index
        %swap3A_750 = arith.constant 832 : index
        %swap3A_751 = tpu.vector_load %arg8[%swap3A_748, %swap3A_749, %swap3A_750] {strides = array<i32>} : memref<2x32x1024xf32, #tpu.memory_space<vmem>>, vector<16xf32>,
        tpu.vector_store %arg8[%swap3A_748, %swap3A_749, %swap3A_750], %mul3A_746 {strides = array<i32>} : memref<2x32x1024xf32, #tpu.memory_space<vmem>>, vector<16xf32>,
        %get3A_752 = arith.constant 1 : i32
        %get3A_753 = arith.index_cast %get3A_752 : i32 to index
        %get3A_754 = arith.index_cast %scan3A_161 : i32 to index
        %get3A_755 = arith.constant 848 : index
        %get3A_756 = tpu.vector_load %arg8[%get3A_753, %get3A_754, %get3A_755] {strides = array<i32>} : memref<2x32x1024xf32, #tpu.memory_space<vmem>>, vector<16xf32>,
        %mul3A_757 = arith.mulf %get3A_756, %gather3A : vector<16xf32>
        %swap3A_758 = arith.constant 1 : i32
        %swap3A_759 = arith.index_cast %swap3A_758 : i32 to index
        %swap3A_760 = arith.index_cast %scan3A_161 : i32 to index
        %swap3A_761 = arith.constant 848 : index
        %swap3A_762 = tpu.vector_load %arg8[%swap3A_759, %swap3A_760, %swap3A_761] {strides = array<i32>} : memref<2x32x1024xf32, #tpu.memory_space<vmem>>, vector<16xf32>,
        tpu.vector_store %arg8[%swap3A_759, %swap3A_760, %swap3A_761], %mul3A_757 {strides = array<i32>} : memref<2x32x1024xf32, #tpu.memory_space<vmem>>, vector<16xf32>,
        %get3A_763 = arith.constant 1 : i32
        %get3A_764 = arith.index_cast %get3A_763 : i32 to index
        %get3A_765 = arith.index_cast %scan3A_161 : i32 to index
        %get3A_766 = arith.constant 864 : index
        %get3A_767 = tpu.vector_load %arg8[%get3A_764, %get3A_765, %get3A_766] {strides = array<i32>} : memref<2x32x1024xf32, #tpu.memory_space<vmem>>, vector<16xf32>,
        %mul3A_768 = arith.mulf %get3A_767, %gather3A : vector<16xf32>
        %swap3A_769 = arith.constant 1 : i32
        %swap3A_770 = arith.index_cast %swap3A_769 : i32 to index
        %swap3A_771 = arith.index_cast %scan3A_161 : i32 to index
        %swap3A_772 = arith.constant 864 : index
        %swap3A_773 = tpu.vector_load %arg8[%swap3A_770, %swap3A_771, %swap3A_772] {strides = array<i32>} : memref<2x32x1024xf32, #tpu.memory_space<vmem>>, vector<16xf32>,
        tpu.vector_store %arg8[%swap3A_770, %swap3A_771, %swap3A_772], %mul3A_768 {strides = array<i32>} : memref<2x32x1024xf32, #tpu.memory_space<vmem>>, vector<16xf32>,
        %get3A_774 = arith.constant 1 : i32
        %get3A_775 = arith.index_cast %get3A_774 : i32 to index
        %get3A_776 = arith.index_cast %scan3A_161 : i32 to index
        %get3A_777 = arith.constant 880 : index
        %get3A_778 = tpu.vector_load %arg8[%get3A_775, %get3A_776, %get3A_777] {strides = array<i32>} : memref<2x32x1024xf32, #tpu.memory_space<vmem>>, vector<16xf32>,
        %mul3A_779 = arith.mulf %get3A_778, %gather3A : vector<16xf32>
        %swap3A_780 = arith.constant 1 : i32
        %swap3A_781 = arith.index_cast %swap3A_780 : i32 to index
        %swap3A_782 = arith.index_cast %scan3A_161 : i32 to index
        %swap3A_783 = arith.constant 880 : index
        %swap3A_784 = tpu.vector_load %arg8[%swap3A_781, %swap3A_782, %swap3A_783] {strides = array<i32>} : memref<2x32x1024xf32, #tpu.memory_space<vmem>>, vector<16xf32>,
        tpu.vector_store %arg8[%swap3A_781, %swap3A_782, %swap3A_783], %mul3A_779 {strides = array<i32>} : memref<2x32x1024xf32, #tpu.memory_space<vmem>>, vector<16xf32>,
        %get3A_785 = arith.constant 1 : i32
        %get3A_786 = arith.index_cast %get3A_785 : i32 to index
        %get3A_787 = arith.index_cast %scan3A_161 : i32 to index
        %get3A_788 = arith.constant 896 : index
        %get3A_789 = tpu.vector_load %arg8[%get3A_786, %get3A_787, %get3A_788] {strides = array<i32>} : memref<2x32x1024xf32, #tpu.memory_space<vmem>>, vector<16xf32>,
        %mul3A_790 = arith.mulf %get3A_789, %gather3A : vector<16xf32>
        %swap3A_791 = arith.constant 1 : i32
        %swap3A_792 = arith.index_cast %swap3A_791 : i32 to index
        %swap3A_793 = arith.index_cast %scan3A_161 : i32 to index
        %swap3A_794 = arith.constant 896 : index
        %swap3A_795 = tpu.vector_load %arg8[%swap3A_792, %swap3A_793, %swap3A_794] {strides = array<i32>} : memref<2x32x1024xf32, #tpu.memory_space<vmem>>, vector<16xf32>,
        tpu.vector_store %arg8[%swap3A_792, %swap3A_793, %swap3A_794], %mul3A_790 {strides = array<i32>} : memref<2x32x1024xf32, #tpu.memory_space<vmem>>, vector<16xf32>,
        %get3A_796 = arith.constant 1 : i32
        %get3A_797 = arith.index_cast %get3A_796 : i32 to index
        %get3A_798 = arith.index_cast %scan3A_161 : i32 to index
        %get3A_799 = arith.constant 912 : index
        %get3A_800 = tpu.vector_load %arg8[%get3A_797, %get3A_798, %get3A_799] {strides = array<i32>} : memref<2x32x1024xf32, #tpu.memory_space<vmem>>, vector<16xf32>,
        %mul3A_801 = arith.mulf %get3A_800, %gather3A : vector<16xf32>
        %swap3A_802 = arith.constant 1 : i32
        %swap3A_803 = arith.index_cast %swap3A_802 : i32 to index
        %swap3A_804 = arith.index_cast %scan3A_161 : i32 to index
        %swap3A_805 = arith.constant 912 : index
        %swap3A_806 = tpu.vector_load %arg8[%swap3A_803, %swap3A_804, %swap3A_805] {strides = array<i32>} : memref<2x32x1024xf32, #tpu.memory_space<vmem>>, vector<16xf32>,
        tpu.vector_store %arg8[%swap3A_803, %swap3A_804, %swap3A_805], %mul3A_801 {strides = array<i32>} : memref<2x32x1024xf32, #tpu.memory_space<vmem>>, vector<16xf32>,
        %get3A_807 = arith.constant 1 : i32
        %get3A_808 = arith.index_cast %get3A_807 : i32 to index
        %get3A_809 = arith.index_cast %scan3A_161 : i32 to index
        %get3A_810 = arith.constant 928 : index
        %get3A_811 = tpu.vector_load %arg8[%get3A_808, %get3A_809, %get3A_810] {strides = array<i32>} : memref<2x32x1024xf32, #tpu.memory_space<vmem>>, vector<16xf32>,
        %mul3A_812 = arith.mulf %get3A_811, %gather3A : vector<16xf32>
        %swap3A_813 = arith.constant 1 : i32
        %swap3A_814 = arith.index_cast %swap3A_813 : i32 to index
        %swap3A_815 = arith.index_cast %scan3A_161 : i32 to index
        %swap3A_816 = arith.constant 928 : index
        %swap3A_817 = tpu.vector_load %arg8[%swap3A_814, %swap3A_815, %swap3A_816] {strides = array<i32>} : memref<2x32x1024xf32, #tpu.memory_space<vmem>>, vector<16xf32>,
        tpu.vector_store %arg8[%swap3A_814, %swap3A_815, %swap3A_816], %mul3A_812 {strides = array<i32>} : memref<2x32x1024xf32, #tpu.memory_space<vmem>>, vector<16xf32>,
        %get3A_818 = arith.constant 1 : i32
        %get3A_819 = arith.index_cast %get3A_818 : i32 to index
        %get3A_820 = arith.index_cast %scan3A_161 : i32 to index
        %get3A_821 = arith.constant 944 : index
        %get3A_822 = tpu.vector_load %arg8[%get3A_819, %get3A_820, %get3A_821] {strides = array<i32>} : memref<2x32x1024xf32, #tpu.memory_space<vmem>>, vector<16xf32>,
        %mul3A_823 = arith.mulf %get3A_822, %gather3A : vector<16xf32>
        %swap3A_824 = arith.constant 1 : i32
        %swap3A_825 = arith.index_cast %swap3A_824 : i32 to index
        %swap3A_826 = arith.index_cast %scan3A_161 : i32 to index
        %swap3A_827 = arith.constant 944 : index
        %swap3A_828 = tpu.vector_load %arg8[%swap3A_825, %swap3A_826, %swap3A_827] {strides = array<i32>} : memref<2x32x1024xf32, #tpu.memory_space<vmem>>, vector<16xf32>,
        tpu.vector_store %arg8[%swap3A_825, %swap3A_826, %swap3A_827], %mul3A_823 {strides = array<i32>} : memref<2x32x1024xf32, #tpu.memory_space<vmem>>, vector<16xf32>,
        %get3A_829 = arith.constant 1 : i32
        %get3A_830 = arith.index_cast %get3A_829 : i32 to index
        %get3A_831 = arith.index_cast %scan3A_161 : i32 to index
        %get3A_832 = arith.constant 960 : index
        %get3A_833 = tpu.vector_load %arg8[%get3A_830, %get3A_831, %get3A_832] {strides = array<i32>} : memref<2x32x1024xf32, #tpu.memory_space<vmem>>, vector<16xf32>,
        %mul3A_834 = arith.mulf %get3A_833, %gather3A : vector<16xf32>
        %swap3A_835 = arith.constant 1 : i32
        %swap3A_836 = arith.index_cast %swap3A_835 : i32 to index
        %swap3A_837 = arith.index_cast %scan3A_161 : i32 to index
        %swap3A_838 = arith.constant 960 : index
        %swap3A_839 = tpu.vector_load %arg8[%swap3A_836, %swap3A_837, %swap3A_838] {strides = array<i32>} : memref<2x32x1024xf32, #tpu.memory_space<vmem>>, vector<16xf32>,
        tpu.vector_store %arg8[%swap3A_836, %swap3A_837, %swap3A_838], %mul3A_834 {strides = array<i32>} : memref<2x32x1024xf32, #tpu.memory_space<vmem>>, vector<16xf32>,
        %get3A_840 = arith.constant 1 : i32
        %get3A_841 = arith.index_cast %get3A_840 : i32 to index
        %get3A_842 = arith.index_cast %scan3A_161 : i32 to index
        %get3A_843 = arith.constant 976 : index
        %get3A_844 = tpu.vector_load %arg8[%get3A_841, %get3A_842, %get3A_843] {strides = array<i32>} : memref<2x32x1024xf32, #tpu.memory_space<vmem>>, vector<16xf32>,
        %mul3A_845 = arith.mulf %get3A_844, %gather3A : vector<16xf32>
        %swap3A_846 = arith.constant 1 : i32
        %swap3A_847 = arith.index_cast %swap3A_846 : i32 to index
        %swap3A_848 = arith.index_cast %scan3A_161 : i32 to index
        %swap3A_849 = arith.constant 976 : index
        %swap3A_850 = tpu.vector_load %arg8[%swap3A_847, %swap3A_848, %swap3A_849] {strides = array<i32>} : memref<2x32x1024xf32, #tpu.memory_space<vmem>>, vector<16xf32>,
        tpu.vector_store %arg8[%swap3A_847, %swap3A_848, %swap3A_849], %mul3A_845 {strides = array<i32>} : memref<2x32x1024xf32, #tpu.memory_space<vmem>>, vector<16xf32>,
        %get3A_851 = arith.constant 1 : i32
        %get3A_852 = arith.index_cast %get3A_851 : i32 to index
        %get3A_853 = arith.index_cast %scan3A_161 : i32 to index
        %get3A_854 = arith.constant 992 : index
        %get3A_855 = tpu.vector_load %arg8[%get3A_852, %get3A_853, %get3A_854] {strides = array<i32>} : memref<2x32x1024xf32, #tpu.memory_space<vmem>>, vector<16xf32>,
        %mul3A_856 = arith.mulf %get3A_855, %gather3A : vector<16xf32>
        %swap3A_857 = arith.constant 1 : i32
        %swap3A_858 = arith.index_cast %swap3A_857 : i32 to index
        %swap3A_859 = arith.index_cast %scan3A_161 : i32 to index
        %swap3A_860 = arith.constant 992 : index
        %swap3A_861 = tpu.vector_load %arg8[%swap3A_858, %swap3A_859, %swap3A_860] {strides = array<i32>} : memref<2x32x1024xf32, #tpu.memory_space<vmem>>, vector<16xf32>,
        tpu.vector_store %arg8[%swap3A_858, %swap3A_859, %swap3A_860], %mul3A_856 {strides = array<i32>} : memref<2x32x1024xf32, #tpu.memory_space<vmem>>, vector<16xf32>,
        %get3A_862 = arith.constant 1 : i32
        %get3A_863 = arith.index_cast %get3A_862 : i32 to index
        %get3A_864 = arith.index_cast %scan3A_161 : i32 to index
        %get3A_865 = arith.constant 1008 : index
        %get3A_866 = tpu.vector_load %arg8[%get3A_863, %get3A_864, %get3A_865] {strides = array<i32>} : memref<2x32x1024xf32, #tpu.memory_space<vmem>>, vector<16xf32>,
        %mul3A_867 = arith.mulf %get3A_866, %gather3A : vector<16xf32>
        %swap3A_868 = arith.constant 1 : i32
        %swap3A_869 = arith.index_cast %swap3A_868 : i32 to index
        %swap3A_870 = arith.index_cast %scan3A_161 : i32 to index
        %swap3A_871 = arith.constant 1008 : index
        %swap3A_872 = tpu.vector_load %arg8[%swap3A_869, %swap3A_870, %swap3A_871] {strides = array<i32>} : memref<2x32x1024xf32, #tpu.memory_space<vmem>>, vector<16xf32>,
        tpu.vector_store %arg8[%swap3A_869, %swap3A_870, %swap3A_871], %mul3A_867 {strides = array<i32>} : memref<2x32x1024xf32, #tpu.memory_space<vmem>>, vector<16xf32>,
      }
      %scan3A_135 = arith.constant 32 : i32
      %mul3A_136 = arith.constant 512 : i32
      %mul3A_137 = arith.muli %add3A, %mul3A_136 : i32
      %mul3A_138 = arith.constant 32 : i32
      %mul3A_139 = arith.muli %add3A_118, %mul3A_138 : i32
      %add3A_140 = arith.addi %mul3A_137, %mul3A_139 : i32
      %dma_start3A_141 = arith.constant 1 : i32
      %dma_start3A_142 = arith.constant 0 : i32
      %dma_start3A_143 = arith.constant 0 : i32
      %dma_start3A_144 = tpu.memref_slice %arg8[%dma_start3A_141, %dma_start3A_142, %dma_start3A_143] : memref<2x32x1024xf32, #tpu.memory_space<vmem>> -> memref<1x32x1024xf32, #tpu.memory_space<vmem>>
      %dma_start3A_145 = tpu.memref_squeeze %dma_start3A_144 : memref<1x32x1024xf32, #tpu.memory_space<vmem>> -> memref<32x1024xf32, #tpu.memory_space<vmem>>
      %dma_start3A_146 = arith.constant 0 : i32
      %dma_start3A_147 = tpu.memref_slice %arg4[%add3A_140, %dma_start3A_146] : memref<16384x1024xf32, #tpu.memory_space<hbm>> -> memref<32x1024xf32, #tpu.memory_space<hbm>>
      %dma_start3A_148 = arith.constant 0 : i32
      %dma_start3A_149 = tpu.memref_slice %arg4[%add3A_140, %dma_start3A_148] : memref<16384x1024xf32, #tpu.memory_space<hbm>> -> memref<32x1024xf32, #tpu.memory_space<hbm>>
      %dma_start3A_150 = arith.constant 0 : i32
      %dma_start3A_151 = arith.constant 0 : i32
      %dma_start3A_152 = tpu.memref_slice %arg8[%dma_start3A_141, %dma_start3A_150, %dma_start3A_151] : memref<2x32x1024xf32, #tpu.memory_space<vmem>> -> memref<1x32x1024xf32, #tpu.memory_space<vmem>>
      %dma_start3A_153 = tpu.memref_squeeze %dma_start3A_152 : memref<1x32x1024xf32, #tpu.memory_space<vmem>> -> memref<32x1024xf32, #tpu.memory_space<vmem>>
      tpu.enqueue_dma source(%dma_start3A_153 : memref<32x1024xf32, #tpu.memory_space<vmem>>) target(%dma_start3A_149 : memref<32x1024xf32, #tpu.memory_space<hbm>>) target_semaphore(%arg12 : memref<!tpu.dma_semaphore, #tpu.memory_space<semaphore_mem>>)
      %add3A_154 = arith.constant 1 : i32
      %add3A_155 = arith.addi %add3A_118, %add3A_154 : i32
      %lt3A_156 = arith.constant 16 : i32
      %lt3A_157 = arith.cmpi slt, %add3A_155, %lt3A_156 : i32
      %convert_element_type3A_158 = arith.extui %lt3A_157 : i1 to i32
      %cond3A_159 = arith.constant 0 : i32
      %cond3A_160 = arith.cmpi ne, %convert_element_type3A_158, %cond3A_159 : i32
      scf.if %cond3A_160 {
        %add3A_161 = arith.constant 1 : i32
        %add3A_162 = arith.addi %add3A_118, %add3A_161 : i32
        %sub3A = arith.constant 2 : i32
        %sub3A_163 = arith.subi %add3A_162, %sub3A : i32
        %ge3A = arith.constant 0 : i32
        %ge3A_164 = arith.cmpi sge, %sub3A_163, %ge3A : i32
        %convert_element_type3A_165 = arith.extui %ge3A_164 : i1 to i32
        %cond3A_166 = arith.constant 0 : i32
        %cond3A_167 = arith.cmpi ne, %convert_element_type3A_165, %cond3A_166 : i32
        scf.if %cond3A_167 {
          %add3A_181 = arith.constant 1 : i32
          %add3A_182 = arith.addi %add3A_118, %add3A_181 : i32
          %sub3A_183 = arith.constant 2 : i32
          %sub3A_184 = arith.subi %add3A_182, %sub3A_183 : i32
          %mul3A_185 = arith.constant 512 : i32
          %mul3A_186 = arith.muli %add3A, %mul3A_185 : i32
          %mul3A_187 = arith.constant 32 : i32
          %mul3A_188 = arith.muli %sub3A_184, %mul3A_187 : i32
          %add3A_189 = arith.addi %mul3A_186, %mul3A_188 : i32
          %dma_wait3A_190 = arith.constant 0 : i32
          %dma_wait3A_191 = arith.constant 0 : i32
          %dma_wait3A_192 = arith.constant 0 : i32
          %dma_wait3A_193 = tpu.memref_slice %arg8[%dma_wait3A_190, %dma_wait3A_191, %dma_wait3A_192] : memref<2x32x1024xf32, #tpu.memory_space<vmem>> -> memref<1x32x1024xf32, #tpu.memory_space<vmem>>
          %dma_wait3A_194 = tpu.memref_squeeze %dma_wait3A_193 : memref<1x32x1024xf32, #tpu.memory_space<vmem>> -> memref<32x1024xf32, #tpu.memory_space<vmem>>
          %dma_wait3A_195 = arith.constant 0 : i32
          %dma_wait3A_196 = tpu.memref_slice %arg4[%add3A_189, %dma_wait3A_195] : memref<16384x1024xf32, #tpu.memory_space<hbm>> -> memref<32x1024xf32, #tpu.memory_space<hbm>>
          %dma_wait3A_197 = arith.constant 0 : i32
          %dma_wait3A_198 = tpu.memref_slice %arg4[%add3A_189, %dma_wait3A_197] : memref<16384x1024xf32, #tpu.memory_space<hbm>> -> memref<32x1024xf32, #tpu.memory_space<hbm>>
          %dma_wait3A_199 = arith.constant 0 : i32
          %dma_wait3A_200 = arith.constant 0 : i32
          %dma_wait3A_201 = tpu.memref_slice %arg8[%dma_wait3A_190, %dma_wait3A_199, %dma_wait3A_200] : memref<2x32x1024xf32, #tpu.memory_space<vmem>> -> memref<1x32x1024xf32, #tpu.memory_space<vmem>>
          %dma_wait3A_202 = tpu.memref_squeeze %dma_wait3A_201 : memref<1x32x1024xf32, #tpu.memory_space<vmem>> -> memref<32x1024xf32, #tpu.memory_space<vmem>>
          tpu.wait_dma2 semaphore(%arg11 : memref<!tpu.dma_semaphore, #tpu.memory_space<semaphore_mem>>) src(%dma_wait3A_202 : memref<32x1024xf32, #tpu.memory_space<vmem>>) dst(%dma_wait3A_198 : memref<32x1024xf32, #tpu.memory_space<hbm>>)
        } else {
        }
        %add3A_168 = arith.constant 1 : i32
        %add3A_169 = arith.addi %add3A_118, %add3A_168 : i32
        %mul3A_170 = arith.constant 32 : i32
        %mul3A_171 = arith.muli %add3A_169, %mul3A_170 : i32
        %dma_start3A_172 = arith.constant 0 : i32
        %dma_start3A_173 = arith.constant 0 : i32
        %dma_start3A_174 = arith.constant 0 : i32
        %dma_start3A_175 = tpu.memref_slice %arg8[%dma_start3A_172, %dma_start3A_173, %dma_start3A_174] : memref<2x32x1024xf32, #tpu.memory_space<vmem>> -> memref<1x32x1024xf32, #tpu.memory_space<vmem>>
        %dma_start3A_176 = tpu.memref_squeeze %dma_start3A_175 : memref<1x32x1024xf32, #tpu.memory_space<vmem>> -> memref<32x1024xf32, #tpu.memory_space<vmem>>
        %dma_start3A_177 = tpu.memref_slice %arg6[%mul3A_171] : memref<512xi32, #tpu.memory_space<vmem>> -> memref<32xi32, #tpu.memory_space<vmem>>
        %dma_start3A_178 = arith.constant 0 : i32
        %dma_start3A_179 = arith.constant 0 : i32
        %dma_start3A_180 = tpu.memref_slice %arg2[%dma_start3A_178, %dma_start3A_179] : memref<16384x1024xf32, #tpu.memory_space<hbm>> -> memref<16384x1024xf32, #tpu.memory_space<hbm>>
        tpu.enqueue_indirect_dma source(%dma_start3A_180 : memref<16384x1024xf32, #tpu.memory_space<hbm>>) target(%dma_start3A_176 : memref<32x1024xf32, #tpu.memory_space<vmem>>) offsets(%dma_start3A_177 : memref<32xi32, #tpu.memory_space<vmem>>) semaphore(%arg9 : memref<!tpu.dma_semaphore, #tpu.memory_space<semaphore_mem>>)
      } else {
      }
    }
    %scan3A_37 = arith.constant 8 : i32
    %mul3A_38 = arith.constant 512 : i32
    %mul3A_39 = arith.muli %add3A, %mul3A_38 : i32
    %add3A_40 = arith.constant 448 : i32
    %add3A_41 = arith.addi %mul3A_39, %add3A_40 : i32
    %dma_wait3A = arith.constant 0 : i32
    %dma_wait3A_42 = arith.constant 0 : i32
    %dma_wait3A_43 = arith.constant 0 : i32
    %dma_wait3A_44 = tpu.memref_slice %arg8[%dma_wait3A, %dma_wait3A_42, %dma_wait3A_43] : memref<2x32x1024xf32, #tpu.memory_space<vmem>> -> memref<1x32x1024xf32, #tpu.memory_space<vmem>>
    %dma_wait3A_45 = tpu.memref_squeeze %dma_wait3A_44 : memref<1x32x1024xf32, #tpu.memory_space<vmem>> -> memref<32x1024xf32, #tpu.memory_space<vmem>>
    %dma_wait3A_46 = arith.constant 0 : i32
    %dma_wait3A_47 = tpu.memref_slice %arg4[%add3A_41, %dma_wait3A_46] : memref<16384x1024xf32, #tpu.memory_space<hbm>> -> memref<32x1024xf32, #tpu.memory_space<hbm>>
    %dma_wait3A_48 = arith.constant 0 : i32
    %dma_wait3A_49 = tpu.memref_slice %arg4[%add3A_41, %dma_wait3A_48] : memref<16384x1024xf32, #tpu.memory_space<hbm>> -> memref<32x1024xf32, #tpu.memory_space<hbm>>
    %dma_wait3A_50 = arith.constant 0 : i32
    %dma_wait3A_51 = arith.constant 0 : i32
    %dma_wait3A_52 = tpu.memref_slice %arg8[%dma_wait3A, %dma_wait3A_50, %dma_wait3A_51] : memref<2x32x1024xf32, #tpu.memory_space<vmem>> -> memref<1x32x1024xf32, #tpu.memory_space<vmem>>
    %dma_wait3A_53 = tpu.memref_squeeze %dma_wait3A_52 : memref<1x32x1024xf32, #tpu.memory_space<vmem>> -> memref<32x1024xf32, #tpu.memory_space<vmem>>
    tpu.wait_dma2 semaphore(%arg11 : memref<!tpu.dma_semaphore, #tpu.memory_space<semaphore_mem>>) src(%dma_wait3A_53 : memref<32x1024xf32, #tpu.memory_space<vmem>>) dst(%dma_wait3A_49 : memref<32x1024xf32, #tpu.memory_space<hbm>>)
    %mul3A_54 = arith.constant 512 : i32
    %mul3A_55 = arith.muli %add3A, %mul3A_54 : i32
    %add3A_56 = arith.constant 480 : i32
    %add3A_57 = arith.addi %mul3A_55, %add3A_56 : i32
    %dma_wait3A_58 = arith.constant 1 : i32
    %dma_wait3A_59 = arith.constant 0 : i32
    %dma_wait3A_60 = arith.constant 0 : i32
    %dma_wait3A_61 = tpu.memref_slice %arg8[%dma_wait3A_58, %dma_wait3A_59, %dma_wait3A_60] : memref<2x32x1024xf32, #tpu.memory_space<vmem>> -> memref<1x32x1024xf32, #tpu.memory_space<vmem>>
    %dma_wait3A_62 = tpu.memref_squeeze %dma_wait3A_61 : memref<1x32x1024xf32, #tpu.memory_space<vmem>> -> memref<32x1024xf32, #tpu.memory_space<vmem>>
    %dma_wait3A_63 = arith.constant 0 : i32
    %dma_wait3A_64 = tpu.memref_slice %arg4[%add3A_57, %dma_wait3A_63] : memref<16384x1024xf32, #tpu.memory_space<hbm>> -> memref<32x1024xf32, #tpu.memory_space<hbm>>
    %dma_wait3A_65 = arith.constant 0 : i32
    %dma_wait3A_66 = tpu.memref_slice %arg4[%add3A_57, %dma_wait3A_65] : memref<16384x1024xf32, #tpu.memory_space<hbm>> -> memref<32x1024xf32, #tpu.memory_space<hbm>>
    %dma_wait3A_67 = arith.constant 0 : i32
    %dma_wait3A_68 = arith.constant 0 : i32
    %dma_wait3A_69 = tpu.memref_slice %arg8[%dma_wait3A_58, %dma_wait3A_67, %dma_wait3A_68] : memref<2x32x1024xf32, #tpu.memory_space<vmem>> -> memref<1x32x1024xf32, #tpu.memory_space<vmem>>
    %dma_wait3A_70 = tpu.memref_squeeze %dma_wait3A_69 : memref<1x32x1024xf32, #tpu.memory_space<vmem>> -> memref<32x1024xf32, #tpu.memory_space<vmem>>
    tpu.wait_dma2 semaphore(%arg12 : memref<!tpu.dma_semaphore, #tpu.memory_space<semaphore_mem>>) src(%dma_wait3A_70 : memref<32x1024xf32, #tpu.memory_space<vmem>>) dst(%dma_wait3A_66 : memref<32x1024xf32, #tpu.memory_space<hbm>>)
    return
  }
}

</mosaic_0001>

<sc_bundles>
// kernel: kernel.3.cloned.1.call-start
scs
__scs_entry_jumppad:
0x0: {  	(pc) =	sbr.rel $0x88, $3  }
0x1: {  	(tag) =	ssettag $0x0;
	lr =	simm.s32 $0x1  }
0x2: {  	[smem:$0x3F9F] =	sst lr;
	_ =	strace $0xD0000000  }
0x3: {  	_ = 	snop  }
0x4: {  	_ = 	snop  }
0x5: {  	_ = 	snop  }
0x6: {  	_ = 	snop  }
0x7: {  	_ = 	snop  }
__scs_overlays_trampoline_lowered:
0x8: {  	[smem:$0x3FAE] =	sst s0  }
0x9: {  	[smem:$0x3FAF] =	sst s1  }
0xa: {  	[smem:$0x3FB0] =	sst s2  }
0xb: {  	[smem:$0x3FB1] =	sst s3  }
0xc: {  	[smem:$0x3FB2] =	sst s4  }
0xd: {  	[smem:$0x3FB3] =	sst s5  }
0xe: {  	[smem:$0x3FB4] =	sst s6  }
0xf: {  	[smem:$0x3FB5] =	sst s7  }
0x10: {  	[smem:$0x3FB6] =	sst s8  }
0x11: {  	[smem:$0x3FB7] =	sst s9;
	s0 =	simm.s32 @!p0 $0x0  }
0x12: {  	s1 =	sld [smem:$0x3F9D];
	s0 =	simm.s32 @p0 $0x1  }
0x13: {  	[smem:$0x3FB8] =	sst s0;
	s0 =	simm.s32 @!p1 $0x0  }
0x14: {  	s2 =	sld [smem:$0x3F9C];
	s0 =	simm.s32 @p1 $0x1  }
0x15: {  	[smem:$0x3FB9] =	sst s0;
	s0 =	simm.s32 @!p2 $0x0  }
0x16: {  	s3 =	sld [smem:$0x3FDB];
	s0 =	simm.s32 @p2 $0x1  }
0x17: {  	s4 =	simm.s32 $0x1BF5;
	[smem:$0x3FBB] =	sst s0  }
0x18: {  	s0 =	sld [smem:$0x3F9E];
	_ =	swait.ge [sflag:s4], $0x0  }
0x19: {  	s7 =	sld [smem:$0x3F9F]  }
0x1a: {  	s8 =	sadd.s32 $0xFFFFE003, lr  }
0x1b: {  	s9 =	sadd.s32 $0xFFFFFEF7, lr;
	s5 =	simm.s32 $0xFFFFFFFF;
	p2 =	slt.u32 s8, $0xFFFFF086  }
0x1c: {  	p1 =	slt.u32 s9, $0xF7A;
	s5 =	simm.s32 @!p2 $0x0  }
0x1d: {  	s5 =	simm.s32 @p1 $0x1;
	p0 =	seq.s32 s7, s2  }
0x1e: {  	s7 =	smul.u32 @!p0 $0xF7A, s2;
	p2 =	seq.s32 @!p0 s5, $0x0  }
0x1f: {  	s9 =	smul.u32 $0xF7A, s1;
	s8 =	simm.s32 @!p0 $0x1BF5;
	p2 =	por !p2, p0  }
0x20: {  	[sflag:s8] =	ssyncset.s32 @!p0 $0xFFFFF086;
	s6 =	sadd.s32 @!p0 s3, s7;
	s7 =	simm.s32 @!p0 $0x108  }
0x21: {  	s3 =	sadd.s32 s3, s9;
	s6 =	sadd.s32 @!p0 $0x88, s6;
	s7 =	simm.s32 @p2 $0x1082  }
0x22: {  	[simem:s7], [sflag:s8] =	dma.local @!p0 [hbm:s6], $0xF7A  }
0x23: {  	s9 =	sor.u32 $0xD0000000, s2;
	s6 =	simm.s32 $0x108;
	_ =	swait.ge @!p0 [sflag:s8], $0x0  }
0x24: {  	s3 =	sadd.s32 $0x88, s3;
	s6 =	simm.s32 @!p1 $0x1082;
	[sflag:s4] =	ssyncset.s32 $0xFFFFF086  }
0x25: {  	[simem:s6], [sflag:s4] =	dma.local [hbm:s3], $0xF7A  }
0x26: {  	[smem:$0x3F9F] =	sst s1;
	(tag) =	ssettag s2;
	_ =	strace s9  }
0x27: {  	s1 =	sld [smem:$0x3FAF]  }
0x28: {  	s2 =	sld [smem:$0x3FB0]  }
0x29: {  	s4 =	sld [smem:$0x3FB2]  }
0x2a: {  	p0 =	seq.s32 s5, $0x0;
	s5 =	sld [smem:$0x3FB3]  }
0x2b: {  	s6 =	sld [smem:$0x3FB4]  }
0x2c: {  	s7 =	sld [smem:$0x3FB5]  }
0x2d: {  	s3 =	simm.s32 $0x108;
	s8 =	sld [smem:$0x3FB6]  }
0x2e: {  	s3 =	simm.s32 @!p0 $0x1082;
	s9 =	sld [smem:$0x3FB7]  }
0x2f: {  	lr =	sadd.s32 s0, s3;
	s0 =	sld [smem:$0x3FAE]  }
0x30: {  	s3 =	sld [smem:$0x3FB1]  }
0x31: {  	[smem:$0x3FBA] =	sst s10  }
0x32: {  	s10 =	sld [smem:$0x3FB8];
	_ =	sdelay $0x3  }
0x33: {  	p0 =	seq.s32 s10, $0x1;
	s10 =	sld [smem:$0x3FBA];
	_ =	sdelay $0x3  }
0x34: {  	[smem:$0x3FBA] =	sst s10  }
0x35: {  	s10 =	sld [smem:$0x3FB9];
	_ =	sdelay $0x3  }
0x36: {  	p1 =	seq.s32 s10, $0x1;
	s10 =	sld [smem:$0x3FBA];
	_ =	sdelay $0x3  }
0x37: {  	[smem:$0x3FBA] =	sst s10  }
0x38: {  	s10 =	sld [smem:$0x3FBB]  }
0x39: {  	_ = 	snop;
	(pc) =	sbr.ind lr, $3  }
0x3a: {  	_ = 	snop  }
0x3b: {  	_ = 	snop  }
0x3c: {  	p2 =	seq.s32 s10, $0x1;
	s10 =	sld [smem:$0x3FBA]  }
0x3d: {  	_ =	shalt  }
0x3e: {  	_ =	shalt  }
0x3f: {  	_ =	shalt  }
0x40: {  	_ =	shalt  }
0x41: {  	_ =	shalt  }
0x42: {  	_ =	shalt  }
0x43: {  	_ =	shalt  }
0x44: {  	_ =	shalt  }
0x45: {  	_ =	shalt  }
0x46: {  	_ =	shalt  }
0x47: {  	_ =	shalt  }
0x48: {  	_ =	shalt  }
0x49: {  	_ =	shalt  }
0x4a: {  	_ =	shalt  }
0x4b: {  	_ =	shalt  }
0x4c: {  	_ =	shalt  }
0x4d: {  	_ =	shalt  }
0x4e: {  	_ =	shalt  }
0x4f: {  	_ =	shalt  }
0x50: {  	_ =	shalt  }
0x51: {  	_ =	shalt  }
0x52: {  	_ =	shalt  }
0x53: {  	_ =	shalt  }
0x54: {  	_ =	shalt  }
0x55: {  	_ =	shalt  }
0x56: {  	_ =	shalt  }
0x57: {  	_ =	shalt  }
0x58: {  	_ =	shalt  }
0x59: {  	_ =	shalt  }
0x5a: {  	_ =	shalt  }
0x5b: {  	_ =	shalt  }
0x5c: {  	_ =	shalt  }
0x5d: {  	_ =	shalt  }
0x5e: {  	_ =	shalt  }
0x5f: {  	_ =	shalt  }
0x60: {  	_ =	shalt  }
0x61: {  	_ =	shalt  }
0x62: {  	_ =	shalt  }
0x63: {  	_ =	shalt  }
0x64: {  	_ =	shalt  }
0x65: {  	_ =	shalt  }
0x66: {  	_ =	shalt  }
0x67: {  	_ =	shalt  }
0x68: {  	_ =	shalt  }
0x69: {  	_ =	shalt  }
0x6a: {  	_ =	shalt  }
0x6b: {  	_ =	shalt  }
0x6c: {  	_ =	shalt  }
0x6d: {  	_ =	shalt  }
0x6e: {  	_ =	shalt  }
0x6f: {  	_ =	shalt  }
0x70: {  	_ =	shalt  }
0x71: {  	_ =	shalt  }
0x72: {  	_ =	shalt  }
0x73: {  	_ =	shalt  }
0x74: {  	_ =	shalt  }
0x75: {  	_ =	shalt  }
0x76: {  	_ =	shalt  }
0x77: {  	_ =	shalt  }
0x78: {  	_ =	shalt  }
0x79: {  	_ =	shalt  }
0x7a: {  	_ =	shalt  }
0x7b: {  	_ =	shalt  }
0x7c: {  	_ =	shalt  }
0x7d: {  	_ =	shalt  }
0x7e: {  	_ =	shalt  }
0x7f: {  	_ =	shalt  }
0x80: {  	_ =	shalt  }
0x81: {  	_ =	shalt  }
0x82: {  	_ =	shalt  }
0x83: {  	_ =	shalt  }
0x84: {  	_ =	shalt  }
0x85: {  	_ =	shalt  }
0x86: {  	_ =	shalt  }
0x87: {  	_ =	shalt  }
.Lfunc_end0:
.L_simem_size_0:
called_computation_lowered:
.L_overlay_start_0:
0x88: {  	s2 =	sld [smem:$0x3FD9]  }
0x89: {  	s3 =	sld [smem:$0x3FFE];
	_ =	sdelay $0x1  }
0x8a: {  	s1 =	srdreg.scid  }
0x8b: {  	s0 =	sand.u32 $0x1, s1  }
0x8c: {  	s17 =	sshll.u32 s0, $0xA;
	s2 =	sadd.s32 s3, s2  }
0x8d: {  	s2 =	sadd.s32 s2, s17  }
0x8e: {  	[smem:$0x3FC6] =	sst s2  }
0x8f: {  	_ = 	snop  }
0x90: {  	s2 =	sld [smem:$0x3FC9]  }
0x91: {  	s18 =	sld [smem:$0x3FD0];
	(tm) =	ssettm $0x1  }
0x92: {  	s4 =	sld [smem:$0x3FFB];
	_ =	sdelay $0x3  }
0x93: {  	_ =	strace s4  }
0x94: {  	s4 =	sld [smem:$0x3FFC];
	_ =	sdelay $0x3  }
0x95: {  	_ =	strace s4  }
0x96: {  	s4 =	sld [smem:$0x3FFD];
	_ =	sdelay $0x3  }
0x97: {  	_ =	strace s4  }
0x98: {  	_ =	strace $0x8FFFFFFF  }
0x99: {  	s19 =	sld [smem:$0x3FDB];
	_ =	sdelay $0x1  }
0x9a: {  	s5 =	simm.s32 $_scs_section_size  }
0x9b: {  	s6 =	simm.s32 $_size__tile_overlayer_lowered;
	s7 =	simm.s32 $_tile_overlayer_lowered  }
0x9c: {  	s22 =	simm.s32 $0x1BFF;
	s21 =	sshll.u32 s7, $0x1;
	s4 =	sadd.s32 s5, s19  }
0x9d: {  	s8 =	simm.s32 $0x0;
	s20 =	sshll.u32 s6, $0x1;
	s6 =	sadd.s32 s21, s4  }
0x9e: {  	[timem:s8], [sflag:s22] =	dma.local [hbm:s6], s20  }
0x9f: {  	_ =	swait.ge [sflag:s22], s20  }
0xa0: {  	s5 =	ssub.s32 $0x0, s20;
	[sflag:s22] =	ssyncset.done $0x0  }
0xa1: {  	[sflag:s22] =	ssyncadd.s32 s5;
	_ =	sdelay $0x1  }
0xa2: {  	s23 =	simm.s32 $0x1B8B  }
0xa3: {  	_ =	swait.ge [sflag:s23], $0x1  }
0xa4: {  	[sflag:s23] =	ssyncset.done $0x0  }
0xa5: {  	s25 =	simm.s32 $0x1B8E;
	s24 =	sld [smem:$0x3FFE];
	[sflag:s23] =	ssyncadd.s32 $0xFFFFFFFF  }
0xa6: {  	s26 =	simm.s32 $execute0_lowered;
	[smem:$0x3FD2] =	sst s25  }
0xa7: {  	s6 =	sshll.u32 s26, $0x1;
	_ =	strace $0x80000046;
	[dreg:$0x1] =	wrdreg $0xFFFFFFFF  }
0xa8: {  	s28 =	simm.s32 $_size_execute0_lowered;
	s4 =	sadd.s32 s4, s6;
	[dreg:$0x0] =	wrdreg $0x0  }
0xa9: {  	s6 =	sshll.u32 s28, $0x1;
	[dreg:$0x2] =	wrdreg s4  }
0xaa: {  	[dreg:$0x3] =	wrdreg s6  }
0xab: {  	[dreg:$0x4] =	wrdreg $0xC0  }
0xac: {  	_ =	task [dreg:s8], $0x5FFFF  }
0xad: {  	[dreg:$0x1] =	wrdreg $0xFFFFFFFF  }
0xae: {  	[dreg:$0x0] =	wrdreg $0x60  }
0xaf: {  	[dreg:$0x2] =	wrdreg s2  }
0xb0: {  	[dreg:$0x3] =	wrdreg s24  }
0xb1: {  	[dreg:$0x4] =	wrdreg s18  }
0xb2: {  	[dreg:$0x5] =	wrdreg $0x9  }
0xb3: {  	_ =	task.clear_ibuf [dreg:s8], $0x6FFFF;
	_ =	strace $0x90000046  }
0xb4: {  	s29 =	simm.s32 $0x9;
	_ =	strace $0x80000048  }
0xb5: {  	_ =	swait.ge [sflag:s29], $0x1  }
0xb6: {  	[sflag:s29] =	ssyncadd.s32 $0xFFFFFFFF  }
0xb7: {  	_ =	strace $0x90000048  }
0xb8: {  	_ =	sfence  }
0xb9: {  	s30 =	sld [smem:$0x0];
	_ =	sdelay $0x2  }
0xba: {  	s31 =	sshll.u32 s1, $0xD;
	s1 =	sshrl.u32 s1, $0x2  }
0xbb: {  	s3 =	sand.u32 $0x4000, s31;
	s1 =	sadd.s32 s1, s30  }
0xbc: {  	s0 =	sor.u32 s3, s0;
	s1 =	sshll.u32 s1, $0x11  }
0xbd: {  	s0 =	sor.u32 s1, s0  }
0xbe: {  	s0 =	sadd.s32 $0x8F2B, s0  }
0xbf: {  	[sflag:s0] =	ssyncadd.remote.s32 $0x1  }
0xc0: {  	_ =	sfence.sel $0xFFFF  }
0xc1: {  	[dreg:$0x0] =	wrdreg $0xFFFFFFFF;
	(pc) =	sbr.abs _section_cstart, $3  }
0xc2: {  	[dreg:$0x1] =	wrdreg $0xFFFFFFFF  }
0xc3: {  	_ =	task.clear_ibuf [dreg:s8], $0x2FFFF;
	_ =	strace $0x9FFFFFFF  }
0xc4: {  	(tm) =	ssettm $0x7FFFFFFF  }
0xc5: {  	_ =	shalt  }
tec
execute0_lowered:
.L_overlay_start_1:
0x0: {  	(tag) =	ssettag $0x1  }
0x1: {  	s1 =	rddreg [dreg:$0x0]  }
0x2: {  	s0 =	srdreg.scid;
	s2 =	rddreg [dreg:$0x1]  }
0x3: {  	s3 =	stileid.u32;
	s4 =	rddreg [dreg:$0x2];
	s12 =	simm.s32 $0x680  }
0x4: {  	s29 =	simm.s32 $0x1;
	s30 =	simm.s32 $0x480;
	s31 =	simm.s32 $0x8680  }
0x5: {  	s14 =	simm.s32 $0xC680;
	s15 =	simm.s32 $0xCE80;
	s16 =	simm.s32 $0xD680  }
0x6: {  	s17 =	simm.s32 $0xDE80;
	s18 =	simm.s32 $0xE680;
	s19 =	simm.s32 $0xEE80  }
0x7: {  	s20 =	simm.s32 $0xF680;
	s21 =	simm.s32 $0xFE80;
	s22 =	simm.s32 $0x2  }
0x8: {  	s23 =	simm.s32 $0x3;
	s0 =	sand.u32 $0x1, s0;
	s5 =	sshll.u32 s3, $0xA  }
0x9: {  	s3 =	simm.s32 $0x0;
	s7 =	sadd.s32 $0x300, s1;
	s6 =	sshll.u32 s0, $0x9  }
0xa: {  	[smem:$0x7FF] =	sst s3;
	s0 =	ssub.s32 $0x2, s0;
	s9 =	sor.u32 s6, s5  }
.Ltmp0:
0xb: {  	v11 =	vlaneseq.u32;
	v1 =	vimm.s32 $0x63;
	v7 =	vimm.s32 $0x0;
	_ =	strace $0x80000047;
	s26 =	sshrl.u32 s0, $0x1;
	(pc) =	sbr.rel .LBB2_1-.Ltmp0, $4  }
0xc: {  	v8 =	vimm.f32 $0.0e+00;
	vm0 =	vmmov $0xffff;
	v2 =	vor.u32 $0x10, v11;
	s6 =	sadd.s32 $0x200, s1;
	s5 =	sshrl.u32 s9, $0x3;
	s0 =	ssub.s32 s0, s26  }
0xd: {  	v3 =	vadd.s32 $0x12, v11;
	v4 =	vadd.s32 $0x11, v11;
	v5 =	vadd.s32 $0xF, v11;
	s28 =	sshll.u32 s9, $0x7;
	s2 =	sadd.s32 s5, s2;
	s0 =	smax.u32 s0, $0x1  }
0xe: {  	v6 =	vadd.s32 $0xE, v11;
	v9 =	vand.u32 $0x7, v11;
	v10 =	vshrl.u32 v11, $0x3;
	s5 =	sadd.s32 $0x100, s1;
	s2 =	sadd.s32 $0x400, s2;
	[dreg:$0x5] =	wrdreg s0  }
0xf: {  	v10 =	vmul.u32 $0x8, v10;
	v0 =	vor.u32 s9, v11;
	v11 =	vor.u32 $0x8, v11;
	s8 =	sadd.s32 s4, s28;
	s4 =	simm.s32 $0x0;
	[dreg:$0x4] =	wrdreg s2  }
.LBB2_10:
0x10: {  	s2 =	simm.s32 $0x4  }
0x11: {  	_ =	swait.ge [sflag:s2], $0x8000  }
0x12: {  	s4 =	rddreg [dreg:$0x6]  }
0x13: {  	s0 =	rddreg [dreg:$0x5];
	s4 =	sadd.s32 $0x1, s4  }
0x14: {  	p0 =	sne.s32 s4, s0  }
.Ltmp1:
0x15: {  	_ = 	snop;
	(pc) =	sbr.rel @!p0 .LBB2_11-.Ltmp1, $3  }
0x16: {  	_ =	sdelay $0x1  }
0x17: {  	[sflag:s2] =	ssyncset.done $0x0  }
0x18: {  	[sflag:s2] =	ssyncadd.s32 $0xFFFF8000  }
.LBB2_1:
0x19: {  	[dreg:$0x6] =	wrdreg s4;
	[tilespmem:$0x0] =	vst v1  }
0x1a: {  	[tilespmem:$0x210] =	vst v1;
	v12 =	vadd.s32 s3, v5;
	s0 =	rddreg [dreg:$0x4];
	s2 =	simm.s32 $0x10;
	s26 =	simm.s32 $0x5  }
0x1b: {  	v13 =	vadd.s32 s3, v4;
	[tilespmem:s2], [sflag:$0x5] =	stream.linear.gather [hbm4b:s0+s3], $0x200, $0x38;
	[tilespmem:$0x10680] =	vst v63  }
0x1c: {  	v14 =	vadd.s32 s3, v6;
	_ =	swait.ge [sflag:s26], $0x200  }
0x1d: {  	v15 =	vadd.s32 s3, v3;
	[sflag:s26] =	ssyncset.done $0x0  }
0x1e: {  	v16 =	vadd.s32 s3, v2;
	[sflag:s26] =	ssyncadd.s32 $0xFFFFFE00  }
0x1f: {  	v12 =	vld.idx.msk [tilespmem:v12+s3+$0x0], $0xffff  }
0x20: {  	v17 =	vld.idx.msk [tilespmem:v13+s3+$0x0], $0xffff  }
0x21: {  	v14 =	vld.idx.msk [tilespmem:v14+s3+$0x0], $0xffff  }
0x22: {  	v15 =	vld.idx.msk [tilespmem:v15+s3+$0x0], $0xffff  }
0x23: {  	v16 =	vld.idx.msk [tilespmem:v16+s3+$0x0], $0xffff  }
0x24: {  	s9 =	simm.s32 $0x10  }
0x25: {  	v13 =	vadd.s32 s9, v6  }
0x26: {  	s25 =	simm.s32 $0x280;
	s11 =	simm.s32 $0x30;
	s2 =	simm.s32 $0x20;
	vm2 =	veq.s32 v17, $0xFFFFFFFF;
	vm3 =	veq.s32 v12, $0x1;
	vm1 =	veq.s32 v14, $0x2  }
0x27: {  	s4 =	simm.s32 $0x290;
	s28 =	simm.s32 $0x0;
	s24 =	simm.s32 $0x290;
	v12 =	vadd.s32 s2, v6;
	vm4 =	veq.s32 v15, $0xFFFFFFFE;
	v14 =	vsel vm1, $0xFFFFFFFE, v7  }
0x28: {  	s10 =	simm.s32 $0x490;
	s0 =	simm.s32 $0x490;
	s26 =	simm.s32 $0x480;
	vm5 =	veq.s32 v16, $0x0;
	vm6 =	vmor vm4, vm2;
	v14 =	vsel vm3, $0xFFFFFFFF, v14  }
.LBB2_2:
0x29: {  	s4 =	sadd.s32 $0x10, s4;
	s0 =	sadd.s32 $0x10, s0;
	v15 =	vadd.s32 s28, v0;
	s28 =	smov.u32 s9  }
0x2a: {  	v14 =	vsel vm5, $0x0, v14;
	vm5 =	vmor vm6, vm5;
	s9 =	smov.u32 s2;
	s2 =	smov.u32 s11;
	s13 =	sadd.s32 $0x10, s11  }
0x2b: {  	p0 =	sne.s32 s11, $0x1F0;
	v16 =	vadd.s32 s28, v5;
	v14 =	vsel vm2, $0x1, v14;
	vm2 =	vmor vm5, vm3  }
0x2c: {  	v17 =	vadd.s32 s28, v4;
	v14 =	vsel vm4, $0x2, v14;
	vm1 =	vmor vm2, vm1  }
0x2d: {  	v14 =	vadd.s32 v14, v15;
	v15 =	vsel vm1, $0x3F800000, v8  }
0x2e: {  	v18 =	vadd.s32 s28, v3;
	[tilespmem:s25+$0x0] =	vst v14;
	s25 =	smov.u32 s24;
	s24 =	smov.u32 s4  }
0x2f: {  	v14 =	vadd.s32 s28, v2;
	[tilespmem:s26+$0x0] =	vst v15;
	s26 =	smov.u32 s10;
	s10 =	smov.u32 s0  }
0x30: {  	v15 =	vld.idx.msk [tilespmem:v16+s3+$0x0], $0xffff  }
0x31: {  	v16 =	vld.idx.msk [tilespmem:v17+s3+$0x0], $0xffff  }
0x32: {  	v17 =	vld.idx.msk [tilespmem:v13+s3+$0x0], $0xffff;
	v13 =	vmov v12  }
0x33: {  	v18 =	vld.idx.msk [tilespmem:v18+s3+$0x0], $0xffff  }
0x34: {  	v14 =	vld.idx.msk [tilespmem:v14+s3+$0x0], $0xffff;
	_ =	sdelay $0x1  }
.Ltmp2:
0x35: {  	(pc) =	sbr.rel @p0 .LBB2_2-.Ltmp2, $4  }
0x36: {  	_ = 	snop  }
0x37: {  	vm3 =	veq.s32 v15, $0x1;
	vm2 =	veq.s32 v16, $0xFFFFFFFF;
	vm1 =	veq.s32 v17, $0x2  }
0x38: {  	v12 =	vadd.s32 s2, v6;
	vm4 =	veq.s32 v18, $0xFFFFFFFE;
	v15 =	vsel vm1, $0xFFFFFFFE, v7  }
0x39: {  	s11 =	smov.u32 s13;
	vm5 =	veq.s32 v14, $0x0;
	v14 =	vsel vm3, $0xFFFFFFFF, v15;
	vm6 =	vmor vm4, vm2  }
0x3a: {  	v15 =	vadd.s32 s28, v0;
	v14 =	vsel vm5, $0x0, v14  }
0x3b: {  	vm9 =	vmor vm6, vm5;
	v16 =	vadd.s32 s9, v5;
	v14 =	vsel vm2, $0x1, v14  }
0x3c: {  	v17 =	vadd.s32 s9, v4;
	vm2 =	vmor vm9, vm3;
	v14 =	vsel vm4, $0x2, v14  }
0x3d: {  	vm1 =	vmor vm2, vm1;
	v14 =	vadd.s32 v14, v15  }
0x3e: {  	v52 =	vadd.s32 s9, v3;
	v51 =	vsel vm1, $0x3F800000, v8;
	[tilespmem:s25+$0x0] =	vst v14  }
0x3f: {  	v53 =	vadd.s32 s9, v2;
	[tilespmem:s26+$0x0] =	vst v51  }
0x40: {  	v16 =	vld.idx.msk [tilespmem:v16+s3+$0x0], $0xffff  }
0x41: {  	v17 =	vld.idx.msk [tilespmem:v17+s3+$0x0], $0xffff  }
0x42: {  	v13 =	vld.idx.msk [tilespmem:v13+s3+$0x0], $0xffff  }
0x43: {  	v15 =	vld.idx.msk [tilespmem:v52+s3+$0x0], $0xffff  }
0x44: {  	v14 =	vld.idx.msk [tilespmem:v53+s3+$0x0], $0xffff;
	_ =	sdelay $0x2  }
0x45: {  	vm1 =	veq.s32 v13, $0x2  }
0x46: {  	vm2 =	veq.s32 v17, $0xFFFFFFFF;
	vm3 =	veq.s32 v16, $0x1;
	v13 =	vsel vm1, $0xFFFFFFFE, v7  }
0x47: {  	vm10 =	veq.s32 v15, $0xFFFFFFFE;
	vm11 =	veq.s32 v14, $0x0;
	v13 =	vsel vm3, $0xFFFFFFFF, v13  }
0x48: {  	v54 =	vadd.s32 s9, v0;
	vm12 =	vmor vm10, vm2;
	v13 =	vsel vm11, $0x0, v13  }
0x49: {  	v55 =	vadd.s32 s2, v5;
	vm5 =	vmor vm12, vm11;
	v13 =	vsel vm2, $0x1, v13  }
0x4a: {  	v56 =	vadd.s32 s2, v4;
	vm2 =	vmor vm5, vm3;
	v13 =	vsel vm10, $0x2, v13  }
0x4b: {  	vm1 =	vmor vm2, vm1;
	v13 =	vadd.s32 v13, v54  }
0x4c: {  	v58 =	vadd.s32 s2, v3;
	v57 =	vsel vm1, $0x3F800000, v8;
	[tilespmem:s24+$0x0] =	vst v13  }
0x4d: {  	v59 =	vadd.s32 s2, v2;
	[tilespmem:s10+$0x0] =	vst v57  }
0x4e: {  	v15 =	vld.idx.msk [tilespmem:v55+s3+$0x0], $0xffff  }
0x4f: {  	v16 =	vld.idx.msk [tilespmem:v56+s3+$0x0], $0xffff  }
0x50: {  	v12 =	vld.idx.msk [tilespmem:v12+s3+$0x0], $0xffff  }
0x51: {  	v14 =	vld.idx.msk [tilespmem:v58+s3+$0x0], $0xffff  }
0x52: {  	v13 =	vld.idx.msk [tilespmem:v59+s3+$0x0], $0xffff;
	_ =	sdelay $0x2  }
0x53: {  	vm1 =	veq.s32 v12, $0x2  }
0x54: {  	vm2 =	veq.s32 v16, $0xFFFFFFFF;
	vm3 =	veq.s32 v15, $0x1;
	v12 =	vsel vm1, $0xFFFFFFFE, v7  }
0x55: {  	vm13 =	veq.s32 v14, $0xFFFFFFFE;
	vm14 =	veq.s32 v13, $0x0;
	v12 =	vsel vm3, $0xFFFFFFFF, v12  }
0x56: {  	vm15 =	vmor vm13, vm2;
	v12 =	vsel vm14, $0x0, v12  }
0x57: {  	vm5 =	vmor vm15, vm14;
	v12 =	vsel vm2, $0x1, v12  }
0x58: {  	v60 =	vadd.s32 s2, v0;
	vm2 =	vmor vm5, vm3;
	v12 =	vsel vm13, $0x2, v12  }
0x59: {  	s9 =	sadd.s32 $0x10, s4;
	vm1 =	vmor vm2, vm1;
	v12 =	vadd.s32 v12, v60  }
0x5a: {  	s0 =	sadd.s32 $0x10, s0;
	v61 =	vsel vm1, $0x3F800000, v8;
	[tilespmem:s9+$0x0] =	vst v12  }
0x5b: {  	[tilespmem:s0+$0x0] =	vst v61  }
0x5c: {  	v12 =	vld [tilespmem:$0x280];
	_ =	sdelay $0x4  }
0x5d: {  	v62 =	vshll.u32 v12, $0x3  }
0x5e: {  	v12 =	vand.u32 $0x7, v12;
	v13 =	vand.u32 $0xFFFFFFC0, v62  }
0x5f: {  	v12 =	vor.u32 v12, v13  }
0x60: {  	v13 =	vperm.xlane v12, v9;
	_ =	sdelay $0x1  }
0x61: {  	v13 =	vadd.s32 v10, v13;
	_ =	sdelay $0x3  }
0x62: {  	s24 =	simm.s32 $0x0  }
0x63: {  	[tilespmem:s12], [sflag:$0x1] =	stream.indirect_vreg.gather [hbm4b:s1+s24], $0x80, v13, vm0, $0xb8;
	[tilespmem:$0x10680] =	vst v63  }
0x64: {  	s10 =	simm.s32 $0xE80;
	v12 =	vperm.xlane v12, v11  }
0x65: {  	[tilespmem:s10], [sflag:$0x1] =	stream.indirect_vreg.gather [hbm4b:s5+s24], $0x80, v13, vm0, $0xb8;
	[tilespmem:$0x10680] =	vst v63  }
0x66: {  	s11 =	simm.s32 $0x1680;
	v12 =	vadd.s32 v10, v12  }
0x67: {  	[tilespmem:s11], [sflag:$0x1] =	stream.indirect_vreg.gather [hbm4b:s6+s24], $0x80, v13, vm0, $0xb8;
	[tilespmem:$0x10680] =	vst v63  }
0x68: {  	s13 =	simm.s32 $0x1E80  }
0x69: {  	[tilespmem:s13], [sflag:$0x1] =	stream.indirect_vreg.gather [hbm4b:s7+s24], $0x80, v13, vm0, $0xb8;
	[tilespmem:$0x10680] =	vst v63  }
0x6a: {  	s25 =	simm.s32 $0x2680  }
0x6b: {  	[tilespmem:s25], [sflag:$0x1] =	stream.indirect_vreg.gather [hbm4b:s1+s24], $0x80, v12, vm0, $0xb8;
	[tilespmem:$0x10680] =	vst v63  }
0x6c: {  	s26 =	simm.s32 $0x2E80  }
0x6d: {  	[tilespmem:s26], [sflag:$0x1] =	stream.indirect_vreg.gather [hbm4b:s5+s24], $0x80, v12, vm0, $0xb8;
	[tilespmem:$0x10680] =	vst v63  }
0x6e: {  	s28 =	simm.s32 $0x3680  }
0x6f: {  	[tilespmem:s28], [sflag:$0x1] =	stream.indirect_vreg.gather [hbm4b:s6+s24], $0x80, v12, vm0, $0xb8;
	[tilespmem:$0x10680] =	vst v63  }
0x70: {  	s2 =	simm.s32 $0x3E80  }
0x71: {  	[tilespmem:s2], [sflag:$0x1] =	stream.indirect_vreg.gather [hbm4b:s7+s24], $0x80, v12, vm0, $0xb8;
	[tilespmem:$0x10680] =	vst v63  }
0x72: {  	v12 =	vld [tilespmem:$0x290];
	_ =	sdelay $0x4  }
0x73: {  	v63 =	vshll.u32 v12, $0x3  }
0x74: {  	v12 =	vand.u32 $0x7, v12;
	v13 =	vand.u32 $0xFFFFFFC0, v63  }
0x75: {  	v12 =	vor.u32 v12, v13  }
0x76: {  	v13 =	vperm.xlane v12, v9;
	_ =	sdelay $0x1  }
0x77: {  	v13 =	vadd.s32 v10, v13;
	_ =	sdelay $0x3  }
0x78: {  	s4 =	simm.s32 $0x4680  }
0x79: {  	[tilespmem:s4], [sflag:$0x1] =	stream.indirect_vreg.gather [hbm4b:s1+s24], $0x80, v13, vm0, $0xb8;
	[tilespmem:$0x10680] =	vst v63  }
0x7a: {  	s9 =	simm.s32 $0x4E80;
	v12 =	vperm.xlane v12, v11  }
0x7b: {  	[tilespmem:s9], [sflag:$0x1] =	stream.indirect_vreg.gather [hbm4b:s5+s24], $0x80, v13, vm0, $0xb8;
	[tilespmem:$0x10680] =	vst v63  }
0x7c: {  	s10 =	simm.s32 $0x5680;
	v12 =	vadd.s32 v10, v12  }
0x7d: {  	[tilespmem:s10], [sflag:$0x1] =	stream.indirect_vreg.gather [hbm4b:s6+s24], $0x80, v13, vm0, $0xb8;
	[tilespmem:$0x10680] =	vst v63  }
0x7e: {  	s11 =	simm.s32 $0x5E80  }
0x7f: {  	[tilespmem:s11], [sflag:$0x1] =	stream.indirect_vreg.gather [hbm4b:s7+s24], $0x80, v13, vm0, $0xb8;
	[tilespmem:$0x10680] =	vst v63  }
0x80: {  	s13 =	simm.s32 $0x6680  }
0x81: {  	[tilespmem:s13], [sflag:$0x1] =	stream.indirect_vreg.gather [hbm4b:s1+s24], $0x80, v12, vm0, $0xb8;
	[tilespmem:$0x10680] =	vst v63  }
0x82: {  	s25 =	simm.s32 $0x6E80  }
0x83: {  	[tilespmem:s25], [sflag:$0x1] =	stream.indirect_vreg.gather [hbm4b:s5+s24], $0x80, v12, vm0, $0xb8;
	[tilespmem:$0x10680] =	vst v63  }
0x84: {  	s26 =	simm.s32 $0x7680  }
0x85: {  	[tilespmem:s26], [sflag:$0x1] =	stream.indirect_vreg.gather [hbm4b:s6+s24], $0x80, v12, vm0, $0xb8;
	[tilespmem:$0x10680] =	vst v63  }
0x86: {  	s28 =	simm.s32 $0x7E80;
	s25 =	simm.s32 $0x20;
	s26 =	simm.s32 $0x0  }
0x87: {  	[tilespmem:s28], [sflag:$0x1] =	stream.indirect_vreg.gather [hbm4b:s7+s24], $0x80, v12, vm0, $0xb8;
	[tilespmem:$0x10680] =	vst v63  }
.LBB2_4:
0x88: {  	_ =	swait.ge [sflag:s29], $0x8000;
	s2 =	simm.s32 $0xFFFF8000  }
0x89: {  	s28 =	smov.u32 s24;
	s0 =	simm.s32 $0x0;
	[sflag:s29] =	ssyncset.done $0x0  }
0x8a: {  	s10 =	simm.s32 $0x0;
	s4 =	simm.s32 $0x0;
	[sflag:s29] =	ssyncadd.s32 $0xFFFF8000  }
.LBB2_5:
0x8b: {  	v12 =	vmov s28  }
0x8c: {  	s9 =	sadd.s32 $0x8000, s2  }
0x8d: {  	s11 =	sand.u32 $0x380, s4;
	s9 =	sand.u32 $0x6000, s9  }
0x8e: {  	s9 =	sor.u32 s11, s9  }
0x8f: {  	v13 =	vld [tilespmem:s9+$0x680]  }
0x90: {  	v12 =	vld.idx.msk [tilespmem:v12+s30+$0x0], $0xffff  }
0x91: {  	v14 =	vld [tilespmem:s9+$0x690]  }
0x92: {  	v15 =	vld [tilespmem:s9+$0x6A0]  }
0x93: {  	v16 =	vld [tilespmem:s9+$0x6B0]  }
0x94: {  	v17 =	vld [tilespmem:s9+$0x6D0]  }
0x95: {  	v18 =	vld [tilespmem:s9+$0x6E0];
	v13 =	vmul.f32 v13, v12  }
0x96: {  	v19 =	vld [tilespmem:s9+$0x6F0];
	v14 =	vmul.f32 v14, v12  }
0x97: {  	v53 =	vld [tilespmem:s9+$0xA80];
	v52 =	vmul.f32 v15, v12;
	[tilespmem:s9+$0x680] =	vst v13  }
0x98: {  	v55 =	vld [tilespmem:s9+$0xA90];
	v54 =	vmul.f32 v16, v12;
	[tilespmem:s9+$0x690] =	vst v14  }
0x99: {  	v57 =	vld [tilespmem:s9+$0xAA0];
	v56 =	vmul.f32 v17, v12;
	[tilespmem:s9+$0x6A0] =	vst v52  }
0x9a: {  	v59 =	vld [tilespmem:s9+$0xAB0];
	v58 =	vmul.f32 v18, v12;
	[tilespmem:s9+$0x6B0] =	vst v54  }
0x9b: {  	v61 =	vld [tilespmem:s9+$0xAD0];
	v60 =	vmul.f32 v19, v12;
	[tilespmem:s9+$0x6D0] =	vst v56  }
0x9c: {  	v63 =	vld [tilespmem:s9+$0xAE0];
	v62 =	vmul.f32 v53, v12;
	[tilespmem:s9+$0x6E0] =	vst v58  }
0x9d: {  	v22 =	vld [tilespmem:s9+$0xAF0];
	v21 =	vmul.f32 v55, v12;
	[tilespmem:s9+$0x6F0] =	vst v60  }
0x9e: {  	v24 =	vld [tilespmem:s9+$0xE80];
	v23 =	vmul.f32 v57, v12;
	[tilespmem:s9+$0xA80] =	vst v62  }
0x9f: {  	v26 =	vld [tilespmem:s9+$0xE90];
	v25 =	vmul.f32 v59, v12;
	[tilespmem:s9+$0xA90] =	vst v21  }
0xa0: {  	v28 =	vld [tilespmem:s9+$0xEA0];
	v27 =	vmul.f32 v61, v12;
	[tilespmem:s9+$0xAA0] =	vst v23  }
0xa1: {  	v30 =	vld [tilespmem:s9+$0xEB0];
	v29 =	vmul.f32 v63, v12;
	[tilespmem:s9+$0xAB0] =	vst v25  }
0xa2: {  	v32 =	vld [tilespmem:s9+$0xED0];
	v31 =	vmul.f32 v22, v12;
	[tilespmem:s9+$0xAD0] =	vst v27  }
0xa3: {  	v34 =	vld [tilespmem:s9+$0xEE0];
	v33 =	vmul.f32 v24, v12;
	[tilespmem:s9+$0xAE0] =	vst v29  }
0xa4: {  	v36 =	vld [tilespmem:s9+$0xEF0];
	v35 =	vmul.f32 v26, v12;
	[tilespmem:s9+$0xAF0] =	vst v31  }
0xa5: {  	v38 =	vld [tilespmem:s9+$0x1280];
	v37 =	vmul.f32 v28, v12;
	[tilespmem:s9+$0xE80] =	vst v33  }
0xa6: {  	v40 =	vld [tilespmem:s9+$0x1290];
	v39 =	vmul.f32 v30, v12;
	[tilespmem:s9+$0xE90] =	vst v35  }
0xa7: {  	v42 =	vld [tilespmem:s9+$0x12A0];
	v41 =	vmul.f32 v32, v12;
	[tilespmem:s9+$0xEA0] =	vst v37  }
0xa8: {  	v44 =	vld [tilespmem:s9+$0x12B0];
	v43 =	vmul.f32 v34, v12;
	[tilespmem:s9+$0xEB0] =	vst v39  }
0xa9: {  	v46 =	vld [tilespmem:s9+$0x12D0];
	v45 =	vmul.f32 v36, v12;
	[tilespmem:s9+$0xED0] =	vst v41  }
0xaa: {  	v48 =	vld [tilespmem:s9+$0x12E0];
	v47 =	vmul.f32 v38, v12;
	[tilespmem:s9+$0xEE0] =	vst v43  }
0xab: {  	v50 =	vld [tilespmem:s9+$0x12F0];
	v49 =	vmul.f32 v40, v12;
	[tilespmem:s9+$0xEF0] =	vst v45  }
0xac: {  	v51 =	vmul.f32 v42, v12;
	[tilespmem:s9+$0x1280] =	vst v47;
	v52 =	vld [tilespmem:s9+$0x1680]  }
0xad: {  	v53 =	vmul.f32 v44, v12;
	[tilespmem:s9+$0x1290] =	vst v49;
	v54 =	vld [tilespmem:s9+$0x1690]  }
0xae: {  	v55 =	vmul.f32 v46, v12;
	[tilespmem:s9+$0x12A0] =	vst v51;
	v56 =	vld [tilespmem:s9+$0x16A0]  }
0xaf: {  	v57 =	vmul.f32 v48, v12;
	[tilespmem:s9+$0x12B0] =	vst v53;
	v58 =	vld [tilespmem:s9+$0x16B0]  }
0xb0: {  	v59 =	vmul.f32 v50, v12;
	[tilespmem:s9+$0x12D0] =	vst v55;
	v60 =	vld [tilespmem:s9+$0x16D0]  }
0xb1: {  	[tilespmem:s9+$0x12E0] =	vst v57;
	v62 =	vld [tilespmem:s9+$0x16E0];
	v61 =	vmul.f32 v52, v12  }
0xb2: {  	[tilespmem:s9+$0x12F0] =	vst v59;
	v21 =	vld [tilespmem:s9+$0x16F0];
	v63 =	vmul.f32 v54, v12  }
0xb3: {  	v23 =	vld [tilespmem:s9+$0x1A80];
	v22 =	vmul.f32 v56, v12;
	[tilespmem:s9+$0x1680] =	vst v61  }
0xb4: {  	v25 =	vld [tilespmem:s9+$0x1A90];
	v24 =	vmul.f32 v58, v12;
	[tilespmem:s9+$0x1690] =	vst v63  }
0xb5: {  	v27 =	vld [tilespmem:s9+$0x1AA0];
	v26 =	vmul.f32 v60, v12;
	[tilespmem:s9+$0x16A0] =	vst v22  }
0xb6: {  	v29 =	vld [tilespmem:s9+$0x1AB0];
	v28 =	vmul.f32 v62, v12;
	[tilespmem:s9+$0x16B0] =	vst v24  }
0xb7: {  	v31 =	vld [tilespmem:s9+$0x1AD0];
	v30 =	vmul.f32 v21, v12;
	[tilespmem:s9+$0x16D0] =	vst v26  }
0xb8: {  	v33 =	vld [tilespmem:s9+$0x1AE0];
	v32 =	vmul.f32 v23, v12;
	[tilespmem:s9+$0x16E0] =	vst v28  }
0xb9: {  	v35 =	vld [tilespmem:s9+$0x1AF0];
	v34 =	vmul.f32 v25, v12;
	[tilespmem:s9+$0x16F0] =	vst v30  }
0xba: {  	v37 =	vld [tilespmem:s9+$0x1E80];
	v36 =	vmul.f32 v27, v12;
	[tilespmem:s9+$0x1A80] =	vst v32  }
0xbb: {  	v39 =	vld [tilespmem:s9+$0x1E90];
	v38 =	vmul.f32 v29, v12;
	[tilespmem:s9+$0x1A90] =	vst v34  }
0xbc: {  	v41 =	vld [tilespmem:s9+$0x1EA0];
	v40 =	vmul.f32 v31, v12;
	[tilespmem:s9+$0x1AA0] =	vst v36  }
0xbd: {  	v43 =	vld [tilespmem:s9+$0x1EB0];
	v42 =	vmul.f32 v33, v12;
	[tilespmem:s9+$0x1AB0] =	vst v38  }
0xbe: {  	v45 =	vld [tilespmem:s9+$0x1ED0];
	v44 =	vmul.f32 v35, v12;
	[tilespmem:s9+$0x1AD0] =	vst v40  }
0xbf: {  	v47 =	vld [tilespmem:s9+$0x1EE0];
	v46 =	vmul.f32 v37, v12;
	[tilespmem:s9+$0x1AE0] =	vst v42  }
0xc0: {  	v49 =	vld [tilespmem:s9+$0x1EF0];
	v48 =	vmul.f32 v39, v12;
	[tilespmem:s9+$0x1AF0] =	vst v44  }
0xc1: {  	v50 =	vld [tilespmem:s9+$0x6C0];
	v17 =	vmul.f32 v41, v12;
	[tilespmem:s9+$0x1E80] =	vst v46  }
0xc2: {  	v51 =	vld [tilespmem:s9+$0xAC0];
	v18 =	vmul.f32 v43, v12;
	[tilespmem:s9+$0x1E90] =	vst v48  }
0xc3: {  	v53 =	vld [tilespmem:s9+$0x12C0];
	v19 =	vmul.f32 v45, v12;
	[tilespmem:s9+$0x1EA0] =	vst v17  }
0xc4: {  	s13 =	sand.u32 $0x7, s0;
	v55 =	vld [tilespmem:s9+$0x1AC0];
	v15 =	vmul.f32 v47, v12;
	[tilespmem:s9+$0x1EB0] =	vst v18  }
0xc5: {  	s11 =	sshll.u32 s13, $0x7;
	v52 =	vld [tilespmem:s9+$0xEC0];
	v16 =	vmul.f32 v49, v12;
	[tilespmem:s9+$0x1ED0] =	vst v19  }
0xc6: {  	s11 =	sadd.s32 s11, s10;
	v13 =	vmul.f32 v50, v12;
	v54 =	vld [tilespmem:s9+$0x16C0];
	[tilespmem:s9+$0x1EE0] =	vst v15  }
0xc7: {  	s13 =	sor.u32 $0x1C00, s11;
	v14 =	vmul.f32 v51, v12;
	v56 =	vld [tilespmem:s9+$0x1EC0];
	[tilespmem:s9+$0x1EF0] =	vst v16  }
0xc8: {  	[tilespmem:s9+$0x6C0] =	vst v13;
	v59 =	vmul.f32 v53, v12;
	v58 =	vld [tilespmem:s13+$0x680]  }
0xc9: {  	[tilespmem:s9+$0xAC0] =	vst v14;
	v61 =	vmul.f32 v55, v12  }
0xca: {  	[tilespmem:s9+$0x12C0] =	vst v59;
	v57 =	vmul.f32 v52, v12  }
0xcb: {  	[tilespmem:s9+$0x1AC0] =	vst v61;
	v60 =	vmul.f32 v54, v12  }
0xcc: {  	v62 =	vmul.f32 v56, v12;
	[tilespmem:s9+$0xEC0] =	vst v57  }
0xcd: {  	[tilespmem:s9+$0x16C0] =	vst v60;
	v63 =	vmul.f32 v58, v12  }
0xce: {  	[tilespmem:s9+$0x1EC0] =	vst v62  }
0xcf: {  	[tilespmem:s13+$0x680] =	vst v63;
	s13 =	sor.u32 $0x1C10, s11  }
0xd0: {  	v13 =	vld [tilespmem:s13+$0x680];
	_ =	sdelay $0x4  }
0xd1: {  	v13 =	vmul.f32 v13, v12;
	_ =	sdelay $0x1  }
0xd2: {  	[tilespmem:s13+$0x680] =	vst v13;
	s13 =	sor.u32 $0x1C20, s11  }
0xd3: {  	v13 =	vld [tilespmem:s13+$0x680];
	_ =	sdelay $0x4  }
0xd4: {  	v13 =	vmul.f32 v13, v12;
	_ =	sdelay $0x1  }
0xd5: {  	[tilespmem:s13+$0x680] =	vst v13;
	s13 =	sor.u32 $0x1C30, s11  }
0xd6: {  	v13 =	vld [tilespmem:s13+$0x680];
	_ =	sdelay $0x4  }
0xd7: {  	v13 =	vmul.f32 v13, v12;
	_ =	sdelay $0x1  }
0xd8: {  	[tilespmem:s13+$0x680] =	vst v13;
	s13 =	sor.u32 $0x1C40, s11  }
0xd9: {  	v13 =	vld [tilespmem:s13+$0x680];
	_ =	sdelay $0x4  }
0xda: {  	v13 =	vmul.f32 v13, v12;
	_ =	sdelay $0x1  }
0xdb: {  	[tilespmem:s13+$0x680] =	vst v13;
	s13 =	sor.u32 $0x1C50, s11  }
0xdc: {  	v13 =	vld [tilespmem:s13+$0x680];
	_ =	sdelay $0x4  }
0xdd: {  	v13 =	vmul.f32 v13, v12;
	_ =	sdelay $0x1  }
0xde: {  	[tilespmem:s13+$0x680] =	vst v13;
	s13 =	sor.u32 $0x1C60, s11  }
0xdf: {  	v13 =	vld [tilespmem:s13+$0x680];
	_ =	sdelay $0x4  }
0xe0: {  	v13 =	vmul.f32 v13, v12;
	_ =	sdelay $0x1  }
0xe1: {  	[tilespmem:s13+$0x680] =	vst v13;
	s13 =	sor.u32 $0x1C70, s11  }
0xe2: {  	v13 =	vld [tilespmem:s13+$0x680];
	_ =	sdelay $0x1  }
0xe3: {  	p0 =	sne.s32 s4, $0xF80  }
.Ltmp3:
0xe4: {  	_ = 	snop;
	(pc) =	sbr.rel @p0 .LBB2_5-.Ltmp3, $4  }
0xe5: {  	_ = 	snop  }
0xe6: {  	v12 =	vmul.f32 v13, v12  }
0xe7: {  	s0 =	sadd.s32 $0x1, s0;
	s2 =	sadd.s32 $0x400, s2  }
0xe8: {  	s28 =	sadd.s32 $0x1, s28;
	s4 =	sadd.s32 $0x80, s4;
	s10 =	sadd.s32 $0x400, s10;
	[tilespmem:s13+$0x680] =	vst v12  }
0xe9: {  	s0 =	sshll.u32 s26, $0xD  }
0xea: {  	p0 =	seq.s32 s26, $0x0;
	s0 =	sadd.s32 s0, s8  }
0xeb: {  	[hbm4b:s0+s3] =	stream.linear.scatter [tilespmem:s12], [sflag:$0x3], $0x8000, $0x38;
	[tilespmem:$0x10680] =	vst v63  }
0xec: {  	s0 =	simm.s32 @!p0 $0x4  }
0xed: {  	s28 =	sshllo.u32 s26, $0x1;
	_ =	swait.ge @!p0 [sflag:s0], $0x8000  }
0xee: {  	s2 =	sshll.u32 s28, $0x5;
	[sflag:s0] =	ssyncset.done @!p0 $0x0  }
0xef: {  	[sflag:s0] =	ssyncadd.s32 @!p0 $0xFFFF8000;
	s0 =	sand.u32 $0x3FFFFFE0, s2  }
0xf0: {  	v12 =	vld [tilespmem:s0+$0x280];
	_ =	sdelay $0x4  }
0xf1: {  	v13 =	vshll.u32 v12, $0x3  }
0xf2: {  	v12 =	vand.u32 $0x7, v12;
	v13 =	vand.u32 $0xFFFFFFC0, v13  }
0xf3: {  	v12 =	vor.u32 v12, v13  }
0xf4: {  	v13 =	vperm.xlane v12, v9;
	_ =	sdelay $0x1  }
0xf5: {  	v13 =	vadd.s32 v10, v13;
	_ =	sdelay $0x3  }
0xf6: {  	s2 =	simm.s32 $0x0  }
0xf7: {  	[tilespmem:s31], [sflag:$0x2] =	stream.indirect_vreg.gather [hbm4b:s1+s2], $0x80, v13, vm0, $0xb8;
	[tilespmem:$0x10680] =	vst v63  }
0xf8: {  	s4 =	simm.s32 $0x8E80;
	v12 =	vperm.xlane v12, v11  }
0xf9: {  	[tilespmem:s4], [sflag:$0x2] =	stream.indirect_vreg.gather [hbm4b:s5+s2], $0x80, v13, vm0, $0xb8;
	[tilespmem:$0x10680] =	vst v63  }
0xfa: {  	s11 =	simm.s32 $0x9680;
	v12 =	vadd.s32 v10, v12  }
0xfb: {  	[tilespmem:s11], [sflag:$0x2] =	stream.indirect_vreg.gather [hbm4b:s6+s2], $0x80, v13, vm0, $0xb8;
	[tilespmem:$0x10680] =	vst v63  }
0xfc: {  	s13 =	simm.s32 $0x9E80  }
0xfd: {  	[tilespmem:s13], [sflag:$0x2] =	stream.indirect_vreg.gather [hbm4b:s7+s2], $0x80, v13, vm0, $0xb8;
	[tilespmem:$0x10680] =	vst v63  }
0xfe: {  	s9 =	simm.s32 $0xA680  }
0xff: {  	[tilespmem:s9], [sflag:$0x2] =	stream.indirect_vreg.gather [hbm4b:s1+s2], $0x80, v12, vm0, $0xb8;
	[tilespmem:$0x10680] =	vst v63  }
0x100: {  	s10 =	simm.s32 $0xAE80  }
0x101: {  	[tilespmem:s10], [sflag:$0x2] =	stream.indirect_vreg.gather [hbm4b:s5+s2], $0x80, v12, vm0, $0xb8;
	[tilespmem:$0x10680] =	vst v63  }
0x102: {  	s11 =	simm.s32 $0xB680  }
0x103: {  	[tilespmem:s11], [sflag:$0x2] =	stream.indirect_vreg.gather [hbm4b:s6+s2], $0x80, v12, vm0, $0xb8;
	[tilespmem:$0x10680] =	vst v63  }
0x104: {  	s13 =	simm.s32 $0xBE80  }
0x105: {  	[tilespmem:s13], [sflag:$0x2] =	stream.indirect_vreg.gather [hbm4b:s7+s2], $0x80, v12, vm0, $0xb8;
	[tilespmem:$0x10680] =	vst v63  }
0x106: {  	v12 =	vld [tilespmem:s0+$0x290];
	_ =	sdelay $0x4  }
0x107: {  	v63 =	vshll.u32 v12, $0x3  }
0x108: {  	v12 =	vand.u32 $0x7, v12;
	v13 =	vand.u32 $0xFFFFFFC0, v63  }
0x109: {  	v12 =	vor.u32 v12, v13  }
0x10a: {  	v13 =	vperm.xlane v12, v9;
	_ =	sdelay $0x1  }
0x10b: {  	v13 =	vadd.s32 v10, v13;
	_ =	sdelay $0x4  }
0x10c: {  	[tilespmem:s14], [sflag:$0x2] =	stream.indirect_vreg.gather [hbm4b:s1+s2], $0x80, v13, vm0, $0xb8;
	[tilespmem:$0x10680] =	vst v63  }
0x10d: {  	v12 =	vperm.xlane v12, v11  }
0x10e: {  	[tilespmem:s15], [sflag:$0x2] =	stream.indirect_vreg.gather [hbm4b:s5+s2], $0x80, v13, vm0, $0xb8;
	[tilespmem:$0x10680] =	vst v63  }
0x10f: {  	v12 =	vadd.s32 v10, v12  }
0x110: {  	[tilespmem:s16], [sflag:$0x2] =	stream.indirect_vreg.gather [hbm4b:s6+s2], $0x80, v13, vm0, $0xb8;
	[tilespmem:$0x10680] =	vst v63  }
0x111: {  	_ = 	snop  }
0x112: {  	[tilespmem:s17], [sflag:$0x2] =	stream.indirect_vreg.gather [hbm4b:s7+s2], $0x80, v13, vm0, $0xb8;
	[tilespmem:$0x10680] =	vst v63  }
0x113: {  	_ = 	snop  }
0x114: {  	[tilespmem:s18], [sflag:$0x2] =	stream.indirect_vreg.gather [hbm4b:s1+s2], $0x80, v12, vm0, $0xb8;
	[tilespmem:$0x10680] =	vst v63  }
0x115: {  	_ = 	snop  }
0x116: {  	[tilespmem:s19], [sflag:$0x2] =	stream.indirect_vreg.gather [hbm4b:s5+s2], $0x80, v12, vm0, $0xb8;
	[tilespmem:$0x10680] =	vst v63  }
0x117: {  	_ = 	snop  }
0x118: {  	[tilespmem:s20], [sflag:$0x2] =	stream.indirect_vreg.gather [hbm4b:s6+s2], $0x80, v12, vm0, $0xb8;
	[tilespmem:$0x10680] =	vst v63  }
0x119: {  	_ = 	snop  }
0x11a: {  	[tilespmem:s21], [sflag:$0x2] =	stream.indirect_vreg.gather [hbm4b:s7+s2], $0x80, v12, vm0, $0xb8;
	[tilespmem:$0x10680] =	vst v63  }
0x11b: {  	_ =	swait.ge [sflag:s22], $0x8000  }
0x11c: {  	[sflag:s22] =	ssyncset.done $0x0  }
0x11d: {  	s4 =	simm.s32 $0x0;
	s0 =	smov.u32 s25;
	[sflag:s22] =	ssyncadd.s32 $0xFFFF8000  }
.LBB2_7:
0x11e: {  	v12 =	vmov s0;
	_ =	sdelay $0x1  }
0x11f: {  	s10 =	sand.u32 $0x6000, s4;
	s9 =	sand.u32 $0x380, s2  }
0x120: {  	s9 =	sor.u32 s9, s10  }
0x121: {  	v13 =	vld [tilespmem:s9+$0x8680]  }
0x122: {  	v12 =	vld.idx.msk [tilespmem:v12+s30+$0x0], $0xffff  }
0x123: {  	v14 =	vld [tilespmem:s9+$0x8690]  }
0x124: {  	v15 =	vld [tilespmem:s9+$0x86A0]  }
0x125: {  	v16 =	vld [tilespmem:s9+$0x86B0]  }
0x126: {  	v17 =	vld [tilespmem:s9+$0x86C0]  }
0x127: {  	v18 =	vld [tilespmem:s9+$0x86D0];
	v13 =	vmul.f32 v13, v12  }
0x128: {  	v19 =	vld [tilespmem:s9+$0x86E0];
	v14 =	vmul.f32 v14, v12  }
0x129: {  	v47 =	vld [tilespmem:s9+$0x86F0];
	v46 =	vmul.f32 v15, v12;
	[tilespmem:s9+$0x8680] =	vst v13  }
0x12a: {  	v49 =	vld [tilespmem:s9+$0x8A80];
	v48 =	vmul.f32 v16, v12;
	[tilespmem:s9+$0x8690] =	vst v14  }
0x12b: {  	v51 =	vld [tilespmem:s9+$0x8A90];
	v50 =	vmul.f32 v17, v12;
	[tilespmem:s9+$0x86A0] =	vst v46  }
0x12c: {  	v53 =	vld [tilespmem:s9+$0x8AA0];
	v52 =	vmul.f32 v18, v12;
	[tilespmem:s9+$0x86B0] =	vst v48  }
0x12d: {  	v55 =	vld [tilespmem:s9+$0x8AB0];
	v54 =	vmul.f32 v19, v12;
	[tilespmem:s9+$0x86C0] =	vst v50  }
0x12e: {  	v57 =	vld [tilespmem:s9+$0x8AC0];
	v56 =	vmul.f32 v47, v12;
	[tilespmem:s9+$0x86D0] =	vst v52  }
0x12f: {  	v59 =	vld [tilespmem:s9+$0x8AD0];
	v58 =	vmul.f32 v49, v12;
	[tilespmem:s9+$0x86E0] =	vst v54  }
0x130: {  	v61 =	vld [tilespmem:s9+$0x8AE0];
	v60 =	vmul.f32 v51, v12;
	[tilespmem:s9+$0x86F0] =	vst v56  }
0x131: {  	v63 =	vld [tilespmem:s9+$0x8AF0];
	v62 =	vmul.f32 v53, v12;
	[tilespmem:s9+$0x8A80] =	vst v58  }
0x132: {  	v22 =	vld [tilespmem:s9+$0x8E80];
	v21 =	vmul.f32 v55, v12;
	[tilespmem:s9+$0x8A90] =	vst v60  }
0x133: {  	v24 =	vld [tilespmem:s9+$0x8E90];
	v23 =	vmul.f32 v57, v12;
	[tilespmem:s9+$0x8AA0] =	vst v62  }
0x134: {  	v26 =	vld [tilespmem:s9+$0x8EA0];
	v25 =	vmul.f32 v59, v12;
	[tilespmem:s9+$0x8AB0] =	vst v21  }
0x135: {  	v28 =	vld [tilespmem:s9+$0x8EB0];
	v27 =	vmul.f32 v61, v12;
	[tilespmem:s9+$0x8AC0] =	vst v23  }
0x136: {  	v30 =	vld [tilespmem:s9+$0x8ED0];
	v29 =	vmul.f32 v63, v12;
	[tilespmem:s9+$0x8AD0] =	vst v25  }
0x137: {  	v32 =	vld [tilespmem:s9+$0x8EE0];
	v31 =	vmul.f32 v22, v12;
	[tilespmem:s9+$0x8AE0] =	vst v27  }
0x138: {  	v34 =	vld [tilespmem:s9+$0x8EF0];
	v33 =	vmul.f32 v24, v12;
	[tilespmem:s9+$0x8AF0] =	vst v29  }
0x139: {  	v36 =	vld [tilespmem:s9+$0x8EC0];
	v35 =	vmul.f32 v26, v12;
	[tilespmem:s9+$0x8E80] =	vst v31  }
0x13a: {  	v37 =	vmul.f32 v28, v12;
	[tilespmem:s9+$0x8E90] =	vst v33  }
0x13b: {  	v38 =	vmul.f32 v30, v12;
	[tilespmem:s9+$0x8EA0] =	vst v35  }
0x13c: {  	v39 =	vmul.f32 v32, v12;
	[tilespmem:s9+$0x8EB0] =	vst v37  }
0x13d: {  	v40 =	vmul.f32 v34, v12;
	[tilespmem:s9+$0x8ED0] =	vst v38  }
0x13e: {  	s10 =	sor.u32 s10, s2;
	v41 =	vmul.f32 v36, v12;
	[tilespmem:s9+$0x8EE0] =	vst v39  }
0x13f: {  	s10 =	sor.u32 $0x8C00, s10;
	[tilespmem:s9+$0x8EF0] =	vst v40  }
0x140: {  	[tilespmem:s9+$0x8EC0] =	vst v41;
	v13 =	vld [tilespmem:s10+$0x680]  }
0x141: {  	v14 =	vld [tilespmem:s10+$0x690]  }
0x142: {  	v15 =	vld [tilespmem:s10+$0x6A0]  }
0x143: {  	v42 =	vld [tilespmem:s10+$0x6B0]  }
0x144: {  	v43 =	vld [tilespmem:s10+$0x6C0]  }
0x145: {  	v44 =	vld [tilespmem:s10+$0x6D0];
	v13 =	vmul.f32 v13, v12  }
0x146: {  	v45 =	vld [tilespmem:s10+$0x6E0];
	v14 =	vmul.f32 v14, v12  }
0x147: {  	v47 =	vld [tilespmem:s10+$0x6F0];
	v46 =	vmul.f32 v15, v12;
	[tilespmem:s10+$0x680] =	vst v13  }
0x148: {  	v48 =	vmul.f32 v42, v12;
	[tilespmem:s10+$0x690] =	vst v14  }
0x149: {  	v49 =	vmul.f32 v43, v12;
	[tilespmem:s10+$0x6A0] =	vst v46  }
0x14a: {  	v50 =	vmul.f32 v44, v12;
	[tilespmem:s10+$0x6B0] =	vst v48  }
0x14b: {  	v51 =	vmul.f32 v45, v12;
	[tilespmem:s10+$0x6C0] =	vst v49  }
0x14c: {  	v52 =	vmul.f32 v47, v12;
	[tilespmem:s10+$0x6D0] =	vst v50  }
0x14d: {  	[tilespmem:s10+$0x6E0] =	vst v51  }
0x14e: {  	[tilespmem:s10+$0x6F0] =	vst v52  }
0x14f: {  	v13 =	vld [tilespmem:s9+$0x9680]  }
0x150: {  	v14 =	vld [tilespmem:s9+$0x9690]  }
0x151: {  	v53 =	vld [tilespmem:s9+$0x96A0]  }
0x152: {  	v54 =	vld [tilespmem:s9+$0x96B0]  }
0x153: {  	v55 =	vld [tilespmem:s9+$0x96C0]  }
0x154: {  	v56 =	vld [tilespmem:s9+$0x96D0];
	v13 =	vmul.f32 v13, v12  }
0x155: {  	v57 =	vld [tilespmem:s9+$0x96E0];
	v14 =	vmul.f32 v14, v12  }
0x156: {  	v59 =	vld [tilespmem:s9+$0x96F0];
	v58 =	vmul.f32 v53, v12;
	[tilespmem:s9+$0x9680] =	vst v13  }
0x157: {  	v61 =	vld [tilespmem:s9+$0x9A80];
	v60 =	vmul.f32 v54, v12;
	[tilespmem:s9+$0x9690] =	vst v14  }
0x158: {  	v63 =	vld [tilespmem:s9+$0x9A90];
	v62 =	vmul.f32 v55, v12;
	[tilespmem:s9+$0x96A0] =	vst v58  }
0x159: {  	v22 =	vld [tilespmem:s9+$0x9AA0];
	v21 =	vmul.f32 v56, v12;
	[tilespmem:s9+$0x96B0] =	vst v60  }
0x15a: {  	v24 =	vld [tilespmem:s9+$0x9AB0];
	v23 =	vmul.f32 v57, v12;
	[tilespmem:s9+$0x96C0] =	vst v62  }
0x15b: {  	v26 =	vld [tilespmem:s9+$0x9AC0];
	v25 =	vmul.f32 v59, v12;
	[tilespmem:s9+$0x96D0] =	vst v21  }
0x15c: {  	v28 =	vld [tilespmem:s9+$0x9AD0];
	v27 =	vmul.f32 v61, v12;
	[tilespmem:s9+$0x96E0] =	vst v23  }
0x15d: {  	v30 =	vld [tilespmem:s9+$0x9AE0];
	v29 =	vmul.f32 v63, v12;
	[tilespmem:s9+$0x96F0] =	vst v25  }
0x15e: {  	v32 =	vld [tilespmem:s9+$0x9AF0];
	v31 =	vmul.f32 v22, v12;
	[tilespmem:s9+$0x9A80] =	vst v27  }
0x15f: {  	v34 =	vld [tilespmem:s9+$0x9E80];
	v33 =	vmul.f32 v24, v12;
	[tilespmem:s9+$0x9A90] =	vst v29  }
0x160: {  	v36 =	vld [tilespmem:s9+$0x9E90];
	v35 =	vmul.f32 v26, v12;
	[tilespmem:s9+$0x9AA0] =	vst v31  }
0x161: {  	v38 =	vld [tilespmem:s9+$0x9EA0];
	v37 =	vmul.f32 v28, v12;
	[tilespmem:s9+$0x9AB0] =	vst v33  }
0x162: {  	v40 =	vld [tilespmem:s9+$0x9EB0];
	v39 =	vmul.f32 v30, v12;
	[tilespmem:s9+$0x9AC0] =	vst v35  }
0x163: {  	v42 =	vld [tilespmem:s9+$0x9ED0];
	v41 =	vmul.f32 v32, v12;
	[tilespmem:s9+$0x9AD0] =	vst v37  }
0x164: {  	v44 =	vld [tilespmem:s9+$0x9EE0];
	v43 =	vmul.f32 v34, v12;
	[tilespmem:s9+$0x9AE0] =	vst v39  }
0x165: {  	v46 =	vld [tilespmem:s9+$0x9EF0];
	v45 =	vmul.f32 v36, v12;
	[tilespmem:s9+$0x9AF0] =	vst v41  }
0x166: {  	v48 =	vld [tilespmem:s9+$0x9EC0];
	v47 =	vmul.f32 v38, v12;
	[tilespmem:s9+$0x9E80] =	vst v43  }
0x167: {  	v49 =	vmul.f32 v40, v12;
	[tilespmem:s9+$0x9E90] =	vst v45  }
0x168: {  	v50 =	vmul.f32 v42, v12;
	[tilespmem:s9+$0x9EA0] =	vst v47  }
0x169: {  	v51 =	vmul.f32 v44, v12;
	[tilespmem:s9+$0x9EB0] =	vst v49  }
0x16a: {  	v52 =	vmul.f32 v46, v12;
	[tilespmem:s9+$0x9ED0] =	vst v50  }
0x16b: {  	s13 =	sor.u32 s4, s2;
	v53 =	vmul.f32 v48, v12;
	[tilespmem:s9+$0x9EE0] =	vst v51  }
0x16c: {  	s10 =	sor.u32 $0x9C00, s13;
	[tilespmem:s9+$0x9EF0] =	vst v52  }
0x16d: {  	[tilespmem:s9+$0x9EC0] =	vst v53;
	v13 =	vld [tilespmem:s10+$0x680]  }
0x16e: {  	v14 =	vld [tilespmem:s10+$0x690]  }
0x16f: {  	v15 =	vld [tilespmem:s10+$0x6A0]  }
0x170: {  	v54 =	vld [tilespmem:s10+$0x6B0]  }
0x171: {  	v55 =	vld [tilespmem:s10+$0x6C0]  }
0x172: {  	v56 =	vld [tilespmem:s10+$0x6D0];
	v13 =	vmul.f32 v13, v12  }
0x173: {  	v57 =	vld [tilespmem:s10+$0x6E0];
	v14 =	vmul.f32 v14, v12  }
0x174: {  	v59 =	vld [tilespmem:s10+$0x6F0];
	v58 =	vmul.f32 v15, v12;
	[tilespmem:s10+$0x680] =	vst v13  }
0x175: {  	v60 =	vmul.f32 v54, v12;
	[tilespmem:s10+$0x690] =	vst v14  }
0x176: {  	p0 =	sne.s32 s4, $0x7C00;
	v61 =	vmul.f32 v55, v12;
	[tilespmem:s10+$0x6A0] =	vst v58  }
.Ltmp4:
0x177: {  	v62 =	vmul.f32 v56, v12;
	[tilespmem:s10+$0x6B0] =	vst v60;
	(pc) =	sbr.rel @p0 .LBB2_7-.Ltmp4, $4  }
0x178: {  	v63 =	vmul.f32 v57, v12;
	[tilespmem:s10+$0x6C0] =	vst v61  }
0x179: {  	v12 =	vmul.f32 v59, v12;
	[tilespmem:s10+$0x6D0] =	vst v62  }
0x17a: {  	[tilespmem:s10+$0x6E0] =	vst v63  }
0x17b: {  	s0 =	sadd.s32 $0x1, s0;
	s4 =	sadd.s32 $0x400, s4;
	s2 =	sadd.s32 $0x80, s2;
	[tilespmem:s10+$0x6F0] =	vst v12  }
0x17c: {  	s0 =	sshll.u32 s28, $0xC;
	p0 =	seq.s32 s26, $0x7  }
.Ltmp5:
0x17d: {  	s0 =	sadd.s32 s0, s8;
	(pc) =	sbr.rel @p0 .LBB2_10-.Ltmp5, $4  }
0x17e: {  	[hbm4b:s0+s3] =	stream.linear.scatter [tilespmem:s31], [sflag:$0x4], $0x8000, $0x38;
	[tilespmem:$0x10680] =	vst v63  }
0x17f: {  	_ =	swait.ge [sflag:s23], $0x8000  }
0x180: {  	[sflag:s23] =	ssyncset.done $0x0  }
0x181: {  	[sflag:s23] =	ssyncadd.s32 $0xFFFF8000  }
0x182: {  	s0 =	sshll.u32 s26, $0x6  }
0x183: {  	s0 =	sand.u32 $0x3FFFFFC0, s0  }
0x184: {  	v12 =	vld [tilespmem:s0+$0x2C0];
	_ =	sdelay $0x4  }
0x185: {  	v13 =	vshll.u32 v12, $0x3  }
0x186: {  	v12 =	vand.u32 $0x7, v12;
	v13 =	vand.u32 $0xFFFFFFC0, v13  }
0x187: {  	v12 =	vor.u32 v12, v13  }
0x188: {  	v13 =	vperm.xlane v12, v9;
	_ =	sdelay $0x1  }
0x189: {  	v13 =	vadd.s32 v10, v13;
	_ =	sdelay $0x4  }
0x18a: {  	[tilespmem:s12], [sflag:$0x1] =	stream.indirect_vreg.gather [hbm4b:s1+s3], $0x80, v13, vm0, $0xb8;
	[tilespmem:$0x10680] =	vst v63  }
0x18b: {  	s2 =	simm.s32 $0xE80;
	v12 =	vperm.xlane v12, v11  }
0x18c: {  	[tilespmem:s2], [sflag:$0x1] =	stream.indirect_vreg.gather [hbm4b:s5+s3], $0x80, v13, vm0, $0xb8;
	[tilespmem:$0x10680] =	vst v63  }
0x18d: {  	s28 =	simm.s32 $0x1680;
	v12 =	vadd.s32 v10, v12  }
0x18e: {  	[tilespmem:s28], [sflag:$0x1] =	stream.indirect_vreg.gather [hbm4b:s6+s3], $0x80, v13, vm0, $0xb8;
	[tilespmem:$0x10680] =	vst v63  }
0x18f: {  	s4 =	simm.s32 $0x1E80  }
0x190: {  	[tilespmem:s4], [sflag:$0x1] =	stream.indirect_vreg.gather [hbm4b:s7+s3], $0x80, v13, vm0, $0xb8;
	[tilespmem:$0x10680] =	vst v63  }
0x191: {  	s9 =	simm.s32 $0x2680  }
0x192: {  	[tilespmem:s9], [sflag:$0x1] =	stream.indirect_vreg.gather [hbm4b:s1+s3], $0x80, v12, vm0, $0xb8;
	[tilespmem:$0x10680] =	vst v63  }
0x193: {  	s10 =	simm.s32 $0x2E80  }
0x194: {  	[tilespmem:s10], [sflag:$0x1] =	stream.indirect_vreg.gather [hbm4b:s5+s3], $0x80, v12, vm0, $0xb8;
	[tilespmem:$0x10680] =	vst v63  }
0x195: {  	s11 =	simm.s32 $0x3680  }
0x196: {  	[tilespmem:s11], [sflag:$0x1] =	stream.indirect_vreg.gather [hbm4b:s6+s3], $0x80, v12, vm0, $0xb8;
	[tilespmem:$0x10680] =	vst v63  }
0x197: {  	s13 =	simm.s32 $0x3E80  }
0x198: {  	[tilespmem:s13], [sflag:$0x1] =	stream.indirect_vreg.gather [hbm4b:s7+s3], $0x80, v12, vm0, $0xb8;
	[tilespmem:$0x10680] =	vst v63  }
0x199: {  	v12 =	vld [tilespmem:s0+$0x2D0];
	_ =	sdelay $0x4  }
0x19a: {  	v63 =	vshll.u32 v12, $0x3  }
0x19b: {  	v12 =	vand.u32 $0x7, v12;
	v13 =	vand.u32 $0xFFFFFFC0, v63  }
0x19c: {  	v12 =	vor.u32 v12, v13  }
0x19d: {  	v13 =	vperm.xlane v12, v9;
	_ =	sdelay $0x1  }
0x19e: {  	v13 =	vadd.s32 v10, v13;
	_ =	sdelay $0x3  }
0x19f: {  	s28 =	simm.s32 $0x4680  }
0x1a0: {  	[tilespmem:s28], [sflag:$0x1] =	stream.indirect_vreg.gather [hbm4b:s1+s3], $0x80, v13, vm0, $0xb8;
	[tilespmem:$0x10680] =	vst v63  }
0x1a1: {  	s2 =	simm.s32 $0x4E80;
	v12 =	vperm.xlane v12, v11  }
0x1a2: {  	[tilespmem:s2], [sflag:$0x1] =	stream.indirect_vreg.gather [hbm4b:s5+s3], $0x80, v13, vm0, $0xb8;
	[tilespmem:$0x10680] =	vst v63  }
0x1a3: {  	s4 =	simm.s32 $0x5680;
	v12 =	vadd.s32 v10, v12  }
0x1a4: {  	[tilespmem:s4], [sflag:$0x1] =	stream.indirect_vreg.gather [hbm4b:s6+s3], $0x80, v13, vm0, $0xb8;
	[tilespmem:$0x10680] =	vst v63  }
0x1a5: {  	s9 =	simm.s32 $0x5E80  }
0x1a6: {  	[tilespmem:s9], [sflag:$0x1] =	stream.indirect_vreg.gather [hbm4b:s7+s3], $0x80, v13, vm0, $0xb8;
	[tilespmem:$0x10680] =	vst v63  }
0x1a7: {  	s10 =	simm.s32 $0x6680  }
0x1a8: {  	[tilespmem:s10], [sflag:$0x1] =	stream.indirect_vreg.gather [hbm4b:s1+s3], $0x80, v12, vm0, $0xb8;
	[tilespmem:$0x10680] =	vst v63  }
0x1a9: {  	s11 =	simm.s32 $0x6E80  }
0x1aa: {  	[tilespmem:s11], [sflag:$0x1] =	stream.indirect_vreg.gather [hbm4b:s5+s3], $0x80, v12, vm0, $0xb8;
	[tilespmem:$0x10680] =	vst v63  }
.Ltmp6:
0x1ab: {  	_ = 	snop;
	(pc) =	sbr.rel .LBB2_4-.Ltmp6, $4  }
0x1ac: {  	s26 =	sadd.s32 $0x1, s26;
	s13 =	simm.s32 $0x7680  }
0x1ad: {  	[tilespmem:s13], [sflag:$0x1] =	stream.indirect_vreg.gather [hbm4b:s6+s3], $0x80, v12, vm0, $0xb8;
	[tilespmem:$0x10680] =	vst v63  }
0x1ae: {  	s24 =	sadd.s32 $0x40, s24;
	s25 =	sadd.s32 $0x40, s25;
	s28 =	simm.s32 $0x7E80  }
0x1af: {  	[tilespmem:s28], [sflag:$0x1] =	stream.indirect_vreg.gather [hbm4b:s7+s3], $0x80, v12, vm0, $0xb8;
	[tilespmem:$0x10680] =	vst v63  }
.LBB2_11:
0x1b0: {  	_ =	sfence.sel $0x180000  }
0x1b1: {  	[bflag:$0x0] =	sbarrier.arrive $0xFFFF  }
0x1b2: {  	_ =	strace $0x90000047  }
0x1b3: {  	s0 =	stileid.u32;
	[bflag:$0x2] =	sbarrier.arrive $0xFFFF  }
0x1b4: {  	p0 =	sne.s32 s0, $0x0;
	s0 =	rddreg [dreg:$0x3]  }
0x1b5: {  	s0 =	sadd.s32 @!p0 $0x100000, s0  }
0x1b6: {  	[sflag:s0] =	ssyncadd.tile.s32 @!p0 $0x1;
	_ =	shalt  }
.Lfunc_end2:
_tile_overlayer_lowered:
.L_overlay_start_2:
0x1b7: {  	(tag) =	ssettag $0x2  }
0x1b8: {  	s0 =	rddreg [dreg:$0x0];
	s2 =	stileid.u32  }
0x1b9: {  	s1 =	rddreg [dreg:$0x1];
	p0 =	sne.s32 s2, $0x0  }
0x1ba: {  	s3 =	rddreg [dreg:$0x2];
	[bflag:$0x3] =	sbarrier.arrive $0xFFFF;
	s2 =	simm.s32 @!p0 $0x1C05  }
0x1bb: {  	[timem:s3], [sflag:s2] =	dma.local @!p0 [hbm:s0], s1  }
0x1bc: {  	s0 =	simm.s32 @!p0 $0x5  }
0x1bd: {  	_ =	swait.ge @!p0 [sflag:s0], s1  }
0x1be: {  	s1 =	ssub.s32 @!p0 $0x0, s1;
	[sflag:s0] =	ssyncset.done @!p0 $0x0  }
0x1bf: {  	[sflag:s0] =	ssyncadd.s32 @!p0 s1  }
0x1c0: {  	[bflag:$0x3] =	sbarrier.arrive $0xFFFF  }
0x1c1: {  	_ =	shalt  }

</sc_bundles>
